<compile_context>
chip_gen: v7x
topology: tpu7x:2x2x1
jax: 0.10.2.dev20260603
libtpu: 0.0.44.dev20260713+nightly
codegen_flags: <defaults>
</compile_context>

<pallas_src>
import functools

import jax
import jax.numpy as jnp
from jax import lax
from jax.experimental import pallas as pl
from jax.experimental.pallas import tpu as pltpu
from jax.experimental.pallas import tpu_sc as plsc

VOCAB = 1000000
N_NEW = 2000
BATCH = 4096
HIST = 200
D = 32

NC, NS, L = 2, 16, 16
NW = NC * NS

NBLK = VOCAB // 128
TAILW = VOCAB - NBLK * 128
TN_BLK = N_NEW // 128
TN_TAILW = N_NEW - TN_BLK * 128
R_FULL = NBLK * 32
TAIL_ROWS = 520
ROWS_PAD = R_FULL + TAIL_ROWS
PER_W = (NBLK + NW - 1) // NW

_mesh = plsc.VectorSubcoreMesh(
    core_axis_name="c", subcore_axis_name="s", num_cores=NC, num_subcores=NS)


def _t_body(tbT_hbm, tail4_hbm, tb4_hbm, in_v, out_v, sem_i0, sem_i1, sem_o):
    cid = lax.axis_index("c")
    sid = lax.axis_index("s")
    wid = sid * NC + cid
    iota = lax.iota(jnp.int32, L)
    sem_i = (sem_i0, sem_i1)

    def fire_in(blk, par, width):
        pltpu.async_copy(tbT_hbm.at[pl.ds(0, 32), pl.ds(blk * 128, width)],
                         in_v.at[par, pl.ds(0, 32), pl.ds(0, width)],
                         sem_i[par])

    def wait_in(blk, par, width):
        pltpu.make_async_copy(
            tbT_hbm.at[pl.ds(0, 32), pl.ds(blk * 128, width)],
            in_v.at[par, pl.ds(0, 32), pl.ds(0, width)], sem_i[par]).wait()

    iota32 = iota * D

    def transpose_block(par):
        @plsc.parallel_loop(0, D * 8, 1, unroll=8)
        def _(i):
            e = i // 8
            v0 = (i % 8) * L
            vals = in_v[par, e, pl.ds(v0, L)]
            plsc.store_scatter(out_v,
                               [par * 4096 + iota32 + (v0 * D + e)], vals)

    def out_dma(par, r0):
        off = pl.multiple_of(r0 * 128, 4096)
        return pltpu.async_copy(out_v.at[pl.ds(par * 4096, 4096)],
                                tb4_hbm.at[pl.ds(off, 4096)], sem_o)

    def wait_out(par, r0):
        off = pl.multiple_of(r0 * 128, 4096)
        pltpu.make_async_copy(out_v.at[pl.ds(par * 4096, 4096)],
                              tb4_hbm.at[pl.ds(off, 4096)], sem_o).wait()

    blk0 = wid
    fire_in(blk0, 0, 128)

    def pair_body(nb2, _):
        for k in (0, 1):
            nb = nb2 * 2 + k
            blk = wid + nb * NW

            @pl.when(blk < NBLK)
            def _():
                nblk = wid + (nb + 1) * NW

                @pl.when(nblk < NBLK)
                def _():
                    fire_in(nblk, 1 - k, 128)

                wait_in(blk, k, 128)

                @pl.when(nb >= 2)
                def _():
                    wait_out(k, (blk - 2 * NW) * 32)

                transpose_block(k)
                out_dma(k, blk * 32)
        return 0

    lax.fori_loop(0, (PER_W + 1) // 2, pair_body, 0)

    cnt = (NBLK - wid + NW - 1) // NW
    for k in (0, 1):
        ln = jnp.where(((cnt - 1) % 2) == k, cnt - 1, cnt - 2)

        @pl.when(ln >= 0)
        def _():
            wait_out(k, (wid + ln * NW) * 32)

    stripe = TAIL_ROWS // 13
    for s in range(13):
        @pl.when(wid == 2 * s)
        def _():
            pltpu.sync_copy(
                tail4_hbm.at[pl.ds(s * stripe * 128, stripe * 128)],
                tb4_hbm.at[pl.ds((R_FULL + s * stripe) * 128, stripe * 128)])


_relayout = functools.partial(
    pl.kernel,
    out_type=jax.ShapeDtypeStruct((ROWS_PAD * 128,), jnp.float32),
    mesh=_mesh,
    scratch_types=[
        pltpu.VMEM((2, 32, 128), jnp.float32),
        pltpu.VMEM((2 * 4096,), jnp.float32),
        pltpu.SemaphoreType.DMA,
        pltpu.SemaphoreType.DMA,
        pltpu.SemaphoreType.DMA,
    ],
    compiler_params=pltpu.CompilerParams(
        use_tc_tiling_on_sc=True, needs_layout_passes=False),
)(_t_body)


BW_ = BATCH // NW
BG = BW_ // L
CH = 8
N_CHUNKS = HIST // CH
ETILES = D // 8


def _g_body(idx_hbm, tb_hbm, out_hbm,
            idx_v, idxg_v, raw_v, t_v, sem_g0, sem_g1, sem_o):
    cid = lax.axis_index("c")
    sid = lax.axis_index("s")
    wid = sid * NC + cid
    b0 = wid * BW_
    iota = lax.iota(jnp.int32, L)
    iota128 = iota * 128
    sem_g = (sem_g0, sem_g1)

    pltpu.sync_copy(idx_hbm.at[pl.ds(b0, BW_)], idx_v)

    def build_and_fire(c, par):
        @plsc.parallel_loop(0, CH * BG, 1, unroll=8)
        def _(i):
            hh = i // BG
            bg = i % BG
            hv = jnp.full((L,), 0, jnp.int32) + (c * CH + hh)
            b16 = bg * L + iota
            vec = plsc.load_gather(idx_v, [b16, hv])
            idxg_v[par, hh, pl.ds(bg * L, L)] = vec

        for hh in range(CH):
            pltpu.async_copy(tb_hbm.at[idxg_v.at[par, hh]],
                             raw_v.at[par, hh], sem_g[par])

    def process_chunk(c, par):
        for hh in range(CH):
            pltpu.make_async_copy(tb_hbm.at[idxg_v.at[par, hh]],
                                  raw_v.at[par, hh], sem_g[par]).wait()

        def one_h(hh, _):
            tp = hh % 2
            h = c * CH + hh

            @pl.when(h >= 2)
            def _():
                pltpu.make_async_copy(
                    t_v.at[tp],
                    out_hbm.at[h, pl.ds(0, ETILES), pl.ds(wid, 1)],
                    sem_o).wait()

            @plsc.parallel_loop(0, BW_ * 2, 1, unroll=8)
            def _(i):
                b = i // 2
                cc0 = (i % 2) * L
                vals = raw_v[par, hh, b, pl.ds(cc0, L)]
                addr = iota128 + (cc0 * 128 + b)
                plsc.store_scatter(
                    t_v.at[tp],
                    [addr >> 10, addr * 0, addr & 1023], vals)

            pltpu.async_copy(t_v.at[tp],
                             out_hbm.at[h, pl.ds(0, ETILES), pl.ds(wid, 1)],
                             sem_o)
            return 0

        lax.fori_loop(0, CH, one_h, 0)

    build_and_fire(0, 0)

    def chunk_pair(c2, _):
        for k in (0, 1):
            c = c2 * 2 + k

            @pl.when(c < N_CHUNKS)
            def _():
                @pl.when(c + 1 < N_CHUNKS)
                def _():
                    build_and_fire(c + 1, 1 - k)

                process_chunk(c, k)
        return 0

    lax.fori_loop(0, (N_CHUNKS + 1) // 2, chunk_pair, 0)

    for par in range(2):
        pltpu.make_async_copy(t_v.at[par],
                              out_hbm.at[0, pl.ds(0, ETILES), pl.ds(wid, 1)],
                              sem_o).wait()


_gather = functools.partial(
    pl.kernel,
    out_type=jax.ShapeDtypeStruct((HIST, ETILES, NW, 1024), jnp.float32),
    mesh=_mesh,
    scratch_types=[
        pltpu.VMEM((BW_, HIST), jnp.int32),
        pltpu.VMEM((2, CH, BW_), jnp.int32),
        pltpu.VMEM((2, CH, BW_, D), jnp.float32),
        pltpu.VMEM((2, ETILES, 1, 1024), jnp.float32),
        pltpu.SemaphoreType.DMA,
        pltpu.SemaphoreType.DMA,
        pltpu.SemaphoreType.DMA,
    ],
    compiler_params=pltpu.CompilerParams(
        use_tc_tiling_on_sc=False, needs_layout_passes=False),
)(_g_body)


def kernel(input, table_base, table_new):
    tail = jnp.concatenate([table_base[NBLK * 128:], table_new], axis=0)
    tail4 = jnp.pad(tail, ((0, TAIL_ROWS * 4 - TAILW - N_NEW), (0, 0)))
    tail4 = tail4.reshape(TAIL_ROWS * 128)
    tb4 = _relayout(table_base.T, tail4)
    tb32 = tb4.reshape(ROWS_PAD * 4, D)
    out4 = _gather(input.astype(jnp.int32), tb32)
    out5 = out4.reshape(HIST, ETILES, NW, 8, 128)
    return out5.transpose(2, 4, 0, 1, 3).reshape(BATCH, HIST, D)

# --- scband reference (transcript-rebuilt; emitter-appended) ---
"""Pipeline reference for scband-my-embedding-62672162783395 (READ-ONLY COPY).

The authoritative reference and input builder live on the scoring server;
editing this copy changes nothing except your own understanding.
"""

import jax, jax.numpy as jnp
import numpy as np

VOCAB = 1000000
EMBED_DIM = 32
N_PREFIX = 20
N_CLASS = 100
BATCH = 4096
HIST = 200


def setup_inputs(seed: int = 0) -> dict:
    key = jax.random.key(seed)
    k1, k2, k3 = jax.random.split(key, 3)
    table_base = jax.random.normal(k1, (VOCAB, EMBED_DIM), dtype=jnp.float32)
    table_new = jax.random.normal(k2, (N_PREFIX * N_CLASS, EMBED_DIM), dtype=jnp.float32)
    inp = jax.random.randint(k3, (BATCH, HIST), 0, VOCAB + N_PREFIX * N_CLASS, dtype=jnp.int64)
    return {"input": inp, "table_base": table_base, "table_new": table_new}


def reference(input, table_base, table_new):
    # F.embedding(input, cat([embed.weight, new_embed.weight], 0))
    # padding_idx=None, max_norm=None, so forward is a plain row gather
    full = jnp.concatenate([table_base, table_new], axis=0)
    return jnp.take(full, input, axis=0)

if __name__ == "__main__":
    import jax
    _d = setup_inputs()
    print(jax.jit(kernel)(*tuple(_d.values())))

</pallas_src>

<mosaic_0001>
#map = affine_map<(d0, d1) -> (0, 0)>
#map1 = affine_map<(d0, d1) -> (0)>
module attributes {stable_mosaic.version = 14 : i64} {
  func.func @_t_body(%arg0: i32, %arg1: i32, %arg2: memref<32x1000000xf32, #tpu.memory_space<hbm>>, %arg3: memref<66560xf32, #tpu.memory_space<hbm>>, %arg4: memref<32064512xf32, #tpu.memory_space<hbm>>, %arg5: memref<2x32x128xf32, #tpu.memory_space<vmem>>, %arg6: memref<8192xf32, #tpu.memory_space<vmem>>, %arg7: memref<!tpu.dma_semaphore, #tpu.memory_space<semaphore_mem>>, %arg8: memref<!tpu.dma_semaphore, #tpu.memory_space<semaphore_mem>>, %arg9: memref<!tpu.dma_semaphore, #tpu.memory_space<semaphore_mem>>) attributes {dimension_semantics = [#tpu.dimension_semantics<core_parallel>, #tpu.dimension_semantics<subcore_parallel>], iteration_bounds = array<i64: 2, 16>, scalar_prefetch = 0 : i64, scratch_operands = 5 : i64, tpu.core_type = #tpu.core_type<sc_vector_subcore>, window_params = [{transform_indices = #map}, {transform_indices = #map1}, {transform_indices = #map1}]} {
    %mul3A = arith.constant 2 : i32
    %mul3A_0 = arith.muli %arg1, %mul3A : i32
    %add3A = arith.addi %mul3A_0, %arg0 : i32
    %iota3A = tpu.iota {dimensions = array<i32: 0>} : vector<16xi32>
    %mul3A_1 = arith.constant 32 : i32
    %mul3A_2 = vector.broadcast %mul3A_1 : i32 to vector<16xi32>
    %mul3A_3 = arith.muli %iota3A, %mul3A_2 : vector<16xi32>
    %mul3A_4 = arith.constant 128 : i32
    %mul3A_5 = arith.muli %add3A, %mul3A_4 : i32
    %dma_start3A = arith.constant 0 : i32
    %dma_start3A_6 = arith.constant 0 : i32
    %dma_start3A_7 = arith.constant 0 : i32
    %dma_start3A_8 = tpu.memref_slice %arg5[%dma_start3A, %dma_start3A_6, %dma_start3A_7] : memref<2x32x128xf32, #tpu.memory_space<vmem>> -> memref<1x32x128xf32, #tpu.memory_space<vmem>>
    %dma_start3A_9 = tpu.memref_squeeze %dma_start3A_8 : memref<1x32x128xf32, #tpu.memory_space<vmem>> -> memref<32x128xf32, #tpu.memory_space<vmem>>
    %dma_start3A_10 = arith.constant 0 : i32
    %dma_start3A_11 = tpu.memref_slice %arg2[%dma_start3A_10, %mul3A_5] : memref<32x1000000xf32, #tpu.memory_space<hbm>> -> memref<32x128xf32, #tpu.memory_space<hbm>>
    %dma_start3A_12 = arith.constant 0 : i32
    %dma_start3A_13 = arith.constant 0 : i32
    %dma_start3A_14 = tpu.memref_slice %arg5[%dma_start3A, %dma_start3A_12, %dma_start3A_13] : memref<2x32x128xf32, #tpu.memory_space<vmem>> -> memref<1x32x128xf32, #tpu.memory_space<vmem>>
    %dma_start3A_15 = tpu.memref_squeeze %dma_start3A_14 : memref<1x32x128xf32, #tpu.memory_space<vmem>> -> memref<32x128xf32, #tpu.memory_space<vmem>>
    %dma_start3A_16 = arith.constant 0 : i32
    %dma_start3A_17 = tpu.memref_slice %arg2[%dma_start3A_16, %mul3A_5] : memref<32x1000000xf32, #tpu.memory_space<hbm>> -> memref<32x128xf32, #tpu.memory_space<hbm>>
    tpu.enqueue_dma source(%dma_start3A_17 : memref<32x128xf32, #tpu.memory_space<hbm>>) target(%dma_start3A_15 : memref<32x128xf32, #tpu.memory_space<vmem>>) target_semaphore(%arg7 : memref<!tpu.dma_semaphore, #tpu.memory_space<semaphore_mem>>)
    %scan3A = arith.constant 0 : i32
    %scan3A_18 = arith.constant 0 : i32
    %scan3A_19 = arith.constant 123 : i32
    %scan3A_20 = arith.addi %scan3A_18, %scan3A_19 : i32
    %scan3A_21 = arith.constant 1 : i32
    %scan3A_22 = scf.for %scan3A_166 = %scan3A_18 to %scan3A_20 step %scan3A_21 iter_args(%scan3A_167 = %scan3A) -> (i32)  : i32 {
      %mul3A_168 = arith.constant 2 : i32
      %mul3A_169 = arith.muli %scan3A_166, %mul3A_168 : i32
      %add3A_170 = arith.constant 0 : i32
      %add3A_171 = arith.addi %mul3A_169, %add3A_170 : i32
      %mul3A_172 = arith.constant 32 : i32
      %mul3A_173 = arith.muli %add3A_171, %mul3A_172 : i32
      %add3A_174 = arith.addi %add3A, %mul3A_173 : i32
      %lt3A_175 = arith.constant 7812 : i32
      %lt3A_176 = arith.cmpi slt, %add3A_174, %lt3A_175 : i32
      %convert_element_type3A_177 = arith.extui %lt3A_176 : i1 to i32
      %cond3A_178 = arith.constant 0 : i32
      %cond3A_179 = arith.cmpi ne, %convert_element_type3A_177, %cond3A_178 : i32
      scf.if %cond3A_179 {
        %add3A_193 = arith.constant 1 : i32
        %add3A_194 = arith.addi %add3A_171, %add3A_193 : i32
        %mul3A_195 = arith.constant 32 : i32
        %mul3A_196 = arith.muli %add3A_194, %mul3A_195 : i32
        %add3A_197 = arith.addi %add3A, %mul3A_196 : i32
        %lt3A_198 = arith.constant 7812 : i32
        %lt3A_199 = arith.cmpi slt, %add3A_197, %lt3A_198 : i32
        %convert_element_type3A_200 = arith.extui %lt3A_199 : i1 to i32
        %cond3A_201 = arith.constant 0 : i32
        %cond3A_202 = arith.cmpi ne, %convert_element_type3A_200, %cond3A_201 : i32
        scf.if %cond3A_202 {
          %mul3A_234 = arith.constant 128 : i32
          %mul3A_235 = arith.muli %add3A_197, %mul3A_234 : i32
          %dma_start3A_236 = arith.constant 1 : i32
          %dma_start3A_237 = arith.constant 0 : i32
          %dma_start3A_238 = arith.constant 0 : i32
          %dma_start3A_239 = tpu.memref_slice %arg5[%dma_start3A_236, %dma_start3A_237, %dma_start3A_238] : memref<2x32x128xf32, #tpu.memory_space<vmem>> -> memref<1x32x128xf32, #tpu.memory_space<vmem>>
          %dma_start3A_240 = tpu.memref_squeeze %dma_start3A_239 : memref<1x32x128xf32, #tpu.memory_space<vmem>> -> memref<32x128xf32, #tpu.memory_space<vmem>>
          %dma_start3A_241 = arith.constant 0 : i32
          %dma_start3A_242 = tpu.memref_slice %arg2[%dma_start3A_241, %mul3A_235] : memref<32x1000000xf32, #tpu.memory_space<hbm>> -> memref<32x128xf32, #tpu.memory_space<hbm>>
          %dma_start3A_243 = arith.constant 0 : i32
          %dma_start3A_244 = arith.constant 0 : i32
          %dma_start3A_245 = tpu.memref_slice %arg5[%dma_start3A_236, %dma_start3A_243, %dma_start3A_244] : memref<2x32x128xf32, #tpu.memory_space<vmem>> -> memref<1x32x128xf32, #tpu.memory_space<vmem>>
          %dma_start3A_246 = tpu.memref_squeeze %dma_start3A_245 : memref<1x32x128xf32, #tpu.memory_space<vmem>> -> memref<32x128xf32, #tpu.memory_space<vmem>>
          %dma_start3A_247 = arith.constant 0 : i32
          %dma_start3A_248 = tpu.memref_slice %arg2[%dma_start3A_247, %mul3A_235] : memref<32x1000000xf32, #tpu.memory_space<hbm>> -> memref<32x128xf32, #tpu.memory_space<hbm>>
          tpu.enqueue_dma source(%dma_start3A_248 : memref<32x128xf32, #tpu.memory_space<hbm>>) target(%dma_start3A_246 : memref<32x128xf32, #tpu.memory_space<vmem>>) target_semaphore(%arg8 : memref<!tpu.dma_semaphore, #tpu.memory_space<semaphore_mem>>)
        } else {
        }
        %mul3A_203 = arith.constant 128 : i32
        %mul3A_204 = arith.muli %add3A_174, %mul3A_203 : i32
        %dma_wait3A = arith.constant 0 : i32
        %dma_wait3A_205 = arith.constant 0 : i32
        %dma_wait3A_206 = arith.constant 0 : i32
        %dma_wait3A_207 = tpu.memref_slice %arg5[%dma_wait3A, %dma_wait3A_205, %dma_wait3A_206] : memref<2x32x128xf32, #tpu.memory_space<vmem>> -> memref<1x32x128xf32, #tpu.memory_space<vmem>>
        %dma_wait3A_208 = tpu.memref_squeeze %dma_wait3A_207 : memref<1x32x128xf32, #tpu.memory_space<vmem>> -> memref<32x128xf32, #tpu.memory_space<vmem>>
        %dma_wait3A_209 = arith.constant 0 : i32
        %dma_wait3A_210 = tpu.memref_slice %arg2[%dma_wait3A_209, %mul3A_204] : memref<32x1000000xf32, #tpu.memory_space<hbm>> -> memref<32x128xf32, #tpu.memory_space<hbm>>
        %dma_wait3A_211 = arith.constant 0 : i32
        %dma_wait3A_212 = arith.constant 0 : i32
        %dma_wait3A_213 = tpu.memref_slice %arg5[%dma_wait3A, %dma_wait3A_211, %dma_wait3A_212] : memref<2x32x128xf32, #tpu.memory_space<vmem>> -> memref<1x32x128xf32, #tpu.memory_space<vmem>>
        %dma_wait3A_214 = tpu.memref_squeeze %dma_wait3A_213 : memref<1x32x128xf32, #tpu.memory_space<vmem>> -> memref<32x128xf32, #tpu.memory_space<vmem>>
        %dma_wait3A_215 = arith.constant 0 : i32
        %dma_wait3A_216 = tpu.memref_slice %arg2[%dma_wait3A_215, %mul3A_204] : memref<32x1000000xf32, #tpu.memory_space<hbm>> -> memref<32x128xf32, #tpu.memory_space<hbm>>
        tpu.wait_dma2 semaphore(%arg7 : memref<!tpu.dma_semaphore, #tpu.memory_space<semaphore_mem>>) src(%dma_wait3A_216 : memref<32x128xf32, #tpu.memory_space<hbm>>) dst(%dma_wait3A_214 : memref<32x128xf32, #tpu.memory_space<vmem>>)
        %ge3A_217 = arith.constant 2 : i32
        %ge3A_218 = arith.cmpi sge, %add3A_171, %ge3A_217 : i32
        %convert_element_type3A_219 = arith.extui %ge3A_218 : i1 to i32
        %cond3A_220 = arith.constant 0 : i32
        %cond3A_221 = arith.cmpi ne, %convert_element_type3A_219, %cond3A_220 : i32
        scf.if %cond3A_221 {
          %sub3A_234 = arith.constant 64 : i32
          %sub3A_235 = arith.subi %add3A_174, %sub3A_234 : i32
          %mul3A_236 = arith.constant 32 : i32
          %mul3A_237 = arith.muli %sub3A_235, %mul3A_236 : i32
          %mul3A_238 = arith.constant 128 : i32
          %mul3A_239 = arith.muli %mul3A_237, %mul3A_238 : i32
          %multiple_of3A_240 = tpu.assume_multiple %mul3A_239, 4096 : i32
          %dma_wait3A_241 = arith.constant 0 : i32
          %dma_wait3A_242 = tpu.memref_slice %arg6[%dma_wait3A_241] : memref<8192xf32, #tpu.memory_space<vmem>> -> memref<4096xf32, #tpu.memory_space<vmem>>
          %dma_wait3A_243 = tpu.memref_slice %arg4[%multiple_of3A_240] : memref<32064512xf32, #tpu.memory_space<hbm>> -> memref<4096xf32, #tpu.memory_space<hbm>>
          %dma_wait3A_244 = tpu.memref_slice %arg4[%multiple_of3A_240] : memref<32064512xf32, #tpu.memory_space<hbm>> -> memref<4096xf32, #tpu.memory_space<hbm>>
          %dma_wait3A_245 = arith.constant 0 : i32
          %dma_wait3A_246 = tpu.memref_slice %arg6[%dma_wait3A_245] : memref<8192xf32, #tpu.memory_space<vmem>> -> memref<4096xf32, #tpu.memory_space<vmem>>
          tpu.wait_dma2 semaphore(%arg9 : memref<!tpu.dma_semaphore, #tpu.memory_space<semaphore_mem>>) src(%dma_wait3A_246 : memref<4096xf32, #tpu.memory_space<vmem>>) dst(%dma_wait3A_244 : memref<4096xf32, #tpu.memory_space<hbm>>)
        } else {
        }
        %parallel_loop3A = arith.constant 0 : i32
        %parallel_loop3A_222 = arith.constant 256 : i32
        %parallel_loop3A_223 = arith.constant 1 : i32
        scf.for %parallel_loop3A_234 = %parallel_loop3A to %parallel_loop3A_222 step %parallel_loop3A_223  : i32 {
          %parallel_loop3A_235 = arith.constant 8 : i32
          %parallel_loop3A_236 = arith.divsi %parallel_loop3A_234, %parallel_loop3A_235 : i32
          %parallel_loop3A_237 = arith.constant 0 : i32
          %parallel_loop3A_238 = arith.cmpi sgt, %parallel_loop3A_234, %parallel_loop3A_237 : i32
          %parallel_loop3A_239 = arith.extui %parallel_loop3A_238 : i1 to i32
          %parallel_loop3A_240 = arith.constant 0 : i32
          %parallel_loop3A_241 = arith.cmpi slt, %parallel_loop3A_234, %parallel_loop3A_240 : i32
          %parallel_loop3A_242 = arith.extui %parallel_loop3A_241 : i1 to i32
          %parallel_loop3A_243 = arith.subi %parallel_loop3A_239, %parallel_loop3A_242 : i32
          %parallel_loop3A_244 = arith.constant 0 : i32
          %parallel_loop3A_245 = arith.cmpi sgt, %parallel_loop3A_235, %parallel_loop3A_244 : i32
          %parallel_loop3A_246 = arith.extui %parallel_loop3A_245 : i1 to i32
          %parallel_loop3A_247 = arith.constant 0 : i32
          %parallel_loop3A_248 = arith.cmpi slt, %parallel_loop3A_235, %parallel_loop3A_247 : i32
          %parallel_loop3A_249 = arith.extui %parallel_loop3A_248 : i1 to i32
          %parallel_loop3A_250 = arith.subi %parallel_loop3A_246, %parallel_loop3A_249 : i32
          %parallel_loop3A_251 = arith.cmpi ne, %parallel_loop3A_243, %parallel_loop3A_250 : i32
          %parallel_loop3A_252 = arith.remsi %parallel_loop3A_234, %parallel_loop3A_235 : i32
          %parallel_loop3A_253 = arith.constant 0 : i32
          %parallel_loop3A_254 = arith.cmpi ne, %parallel_loop3A_252, %parallel_loop3A_253 : i32
          %parallel_loop3A_255 = arith.andi %parallel_loop3A_251, %parallel_loop3A_254 : i1
          %parallel_loop3A_256 = arith.constant 1 : i32
          %parallel_loop3A_257 = arith.subi %parallel_loop3A_236, %parallel_loop3A_256 : i32
          %parallel_loop3A_258 = arith.select %parallel_loop3A_255, %parallel_loop3A_257, %parallel_loop3A_236 : i32
          %parallel_loop3A_259 = arith.constant 8 : i32
          %parallel_loop3A_260 = arith.constant 0 : i32
          %parallel_loop3A_261 = arith.cmpi eq, %parallel_loop3A_259, %parallel_loop3A_260 : i32
          %parallel_loop3A_262 = arith.constant 1 : i32
          %parallel_loop3A_263 = arith.select %parallel_loop3A_261, %parallel_loop3A_262, %parallel_loop3A_259 : i32
          %parallel_loop3A_264 = arith.remsi %parallel_loop3A_234, %parallel_loop3A_263 : i32
          %parallel_loop3A_265 = arith.constant 0 : i32
          %parallel_loop3A_266 = arith.cmpi ne, %parallel_loop3A_264, %parallel_loop3A_265 : i32
          %parallel_loop3A_267 = arith.constant 0 : i32
          %parallel_loop3A_268 = arith.cmpi slt, %parallel_loop3A_264, %parallel_loop3A_267 : i32
          %parallel_loop3A_269 = arith.constant 0 : i32
          %parallel_loop3A_270 = arith.cmpi slt, %parallel_loop3A_263, %parallel_loop3A_269 : i32
          %parallel_loop3A_271 = arith.xori %parallel_loop3A_268, %parallel_loop3A_270 : i1
          %parallel_loop3A_272 = arith.andi %parallel_loop3A_271, %parallel_loop3A_266 : i1
          %parallel_loop3A_273 = arith.addi %parallel_loop3A_264, %parallel_loop3A_263 : i32
          %parallel_loop3A_274 = arith.select %parallel_loop3A_272, %parallel_loop3A_273, %parallel_loop3A_264 : i32
          %parallel_loop3A_275 = arith.constant 16 : i32
          %parallel_loop3A_276 = arith.muli %parallel_loop3A_274, %parallel_loop3A_275 : i32
          %parallel_loop3A_277 = arith.constant 0 : i32
          %parallel_loop3A_278 = arith.index_cast %parallel_loop3A_277 : i32 to index
          %parallel_loop3A_279 = arith.index_cast %parallel_loop3A_258 : i32 to index
          %parallel_loop3A_280 = arith.index_cast %parallel_loop3A_276 : i32 to index
          %parallel_loop3A_281 = tpu.vector_load %arg5[%parallel_loop3A_278, %parallel_loop3A_279, %parallel_loop3A_280] {strides = array<i32>} : memref<2x32x128xf32, #tpu.memory_space<vmem>>, vector<16xf32>,
          %parallel_loop3A_282 = arith.constant 0 : i32
          %parallel_loop3A_283 = vector.broadcast %parallel_loop3A_282 : i32 to vector<16xi32>
          %parallel_loop3A_284 = arith.addi %parallel_loop3A_283, %mul3A_3 : vector<16xi32>
          %parallel_loop3A_285 = arith.constant 32 : i32
          %parallel_loop3A_286 = arith.muli %parallel_loop3A_276, %parallel_loop3A_285 : i32
          %parallel_loop3A_287 = arith.addi %parallel_loop3A_286, %parallel_loop3A_258 : i32
          %parallel_loop3A_288 = vector.broadcast %parallel_loop3A_287 : i32 to vector<16xi32>
          %parallel_loop3A_289 = arith.addi %parallel_loop3A_284, %parallel_loop3A_288 : vector<16xi32>
          tpu.vector_store_idx %arg6[%parallel_loop3A_289], %parallel_loop3A_281 : memref<8192xf32, #tpu.memory_space<vmem>>[vector<16xi32>], vector<16xf32>,
        } {sc.loop_unroll_factor = 8 : i64, sc.parallel_access}
        %mul3A_224 = arith.constant 32 : i32
        %mul3A_225 = arith.muli %add3A_174, %mul3A_224 : i32
        %mul3A_226 = arith.constant 128 : i32
        %mul3A_227 = arith.muli %mul3A_225, %mul3A_226 : i32
        %multiple_of3A = tpu.assume_multiple %mul3A_227, 4096 : i32
        %dma_start3A_228 = arith.constant 0 : i32
        %dma_start3A_229 = tpu.memref_slice %arg6[%dma_start3A_228] : memref<8192xf32, #tpu.memory_space<vmem>> -> memref<4096xf32, #tpu.memory_space<vmem>>
        %dma_start3A_230 = tpu.memref_slice %arg4[%multiple_of3A] : memref<32064512xf32, #tpu.memory_space<hbm>> -> memref<4096xf32, #tpu.memory_space<hbm>>
        %dma_start3A_231 = tpu.memref_slice %arg4[%multiple_of3A] : memref<32064512xf32, #tpu.memory_space<hbm>> -> memref<4096xf32, #tpu.memory_space<hbm>>
        %dma_start3A_232 = arith.constant 0 : i32
        %dma_start3A_233 = tpu.memref_slice %arg6[%dma_start3A_232] : memref<8192xf32, #tpu.memory_space<vmem>> -> memref<4096xf32, #tpu.memory_space<vmem>>
        tpu.enqueue_dma source(%dma_start3A_233 : memref<4096xf32, #tpu.memory_space<vmem>>) target(%dma_start3A_231 : memref<4096xf32, #tpu.memory_space<hbm>>) target_semaphore(%arg9 : memref<!tpu.dma_semaphore, #tpu.memory_space<semaphore_mem>>)
      } else {
      }
      %mul3A_180 = arith.constant 2 : i32
      %mul3A_181 = arith.muli %scan3A_166, %mul3A_180 : i32
      %add3A_182 = arith.constant 1 : i32
      %add3A_183 = arith.addi %mul3A_181, %add3A_182 : i32
      %mul3A_184 = arith.constant 32 : i32
      %mul3A_185 = arith.muli %add3A_183, %mul3A_184 : i32
      %add3A_186 = arith.addi %add3A, %mul3A_185 : i32
      %lt3A_187 = arith.constant 7812 : i32
      %lt3A_188 = arith.cmpi slt, %add3A_186, %lt3A_187 : i32
      %convert_element_type3A_189 = arith.extui %lt3A_188 : i1 to i32
      %cond3A_190 = arith.constant 0 : i32
      %cond3A_191 = arith.cmpi ne, %convert_element_type3A_189, %cond3A_190 : i32
      scf.if %cond3A_191 {
        %add3A_193 = arith.constant 1 : i32
        %add3A_194 = arith.addi %add3A_183, %add3A_193 : i32
        %mul3A_195 = arith.constant 32 : i32
        %mul3A_196 = arith.muli %add3A_194, %mul3A_195 : i32
        %add3A_197 = arith.addi %add3A, %mul3A_196 : i32
        %lt3A_198 = arith.constant 7812 : i32
        %lt3A_199 = arith.cmpi slt, %add3A_197, %lt3A_198 : i32
        %convert_element_type3A_200 = arith.extui %lt3A_199 : i1 to i32
        %cond3A_201 = arith.constant 0 : i32
        %cond3A_202 = arith.cmpi ne, %convert_element_type3A_200, %cond3A_201 : i32
        scf.if %cond3A_202 {
          %mul3A_234 = arith.constant 128 : i32
          %mul3A_235 = arith.muli %add3A_197, %mul3A_234 : i32
          %dma_start3A_236 = arith.constant 0 : i32
          %dma_start3A_237 = arith.constant 0 : i32
          %dma_start3A_238 = arith.constant 0 : i32
          %dma_start3A_239 = tpu.memref_slice %arg5[%dma_start3A_236, %dma_start3A_237, %dma_start3A_238] : memref<2x32x128xf32, #tpu.memory_space<vmem>> -> memref<1x32x128xf32, #tpu.memory_space<vmem>>
          %dma_start3A_240 = tpu.memref_squeeze %dma_start3A_239 : memref<1x32x128xf32, #tpu.memory_space<vmem>> -> memref<32x128xf32, #tpu.memory_space<vmem>>
          %dma_start3A_241 = arith.constant 0 : i32
          %dma_start3A_242 = tpu.memref_slice %arg2[%dma_start3A_241, %mul3A_235] : memref<32x1000000xf32, #tpu.memory_space<hbm>> -> memref<32x128xf32, #tpu.memory_space<hbm>>
          %dma_start3A_243 = arith.constant 0 : i32
          %dma_start3A_244 = arith.constant 0 : i32
          %dma_start3A_245 = tpu.memref_slice %arg5[%dma_start3A_236, %dma_start3A_243, %dma_start3A_244] : memref<2x32x128xf32, #tpu.memory_space<vmem>> -> memref<1x32x128xf32, #tpu.memory_space<vmem>>
          %dma_start3A_246 = tpu.memref_squeeze %dma_start3A_245 : memref<1x32x128xf32, #tpu.memory_space<vmem>> -> memref<32x128xf32, #tpu.memory_space<vmem>>
          %dma_start3A_247 = arith.constant 0 : i32
          %dma_start3A_248 = tpu.memref_slice %arg2[%dma_start3A_247, %mul3A_235] : memref<32x1000000xf32, #tpu.memory_space<hbm>> -> memref<32x128xf32, #tpu.memory_space<hbm>>
          tpu.enqueue_dma source(%dma_start3A_248 : memref<32x128xf32, #tpu.memory_space<hbm>>) target(%dma_start3A_246 : memref<32x128xf32, #tpu.memory_space<vmem>>) target_semaphore(%arg7 : memref<!tpu.dma_semaphore, #tpu.memory_space<semaphore_mem>>)
        } else {
        }
        %mul3A_203 = arith.constant 128 : i32
        %mul3A_204 = arith.muli %add3A_186, %mul3A_203 : i32
        %dma_wait3A = arith.constant 1 : i32
        %dma_wait3A_205 = arith.constant 0 : i32
        %dma_wait3A_206 = arith.constant 0 : i32
        %dma_wait3A_207 = tpu.memref_slice %arg5[%dma_wait3A, %dma_wait3A_205, %dma_wait3A_206] : memref<2x32x128xf32, #tpu.memory_space<vmem>> -> memref<1x32x128xf32, #tpu.memory_space<vmem>>
        %dma_wait3A_208 = tpu.memref_squeeze %dma_wait3A_207 : memref<1x32x128xf32, #tpu.memory_space<vmem>> -> memref<32x128xf32, #tpu.memory_space<vmem>>
        %dma_wait3A_209 = arith.constant 0 : i32
        %dma_wait3A_210 = tpu.memref_slice %arg2[%dma_wait3A_209, %mul3A_204] : memref<32x1000000xf32, #tpu.memory_space<hbm>> -> memref<32x128xf32, #tpu.memory_space<hbm>>
        %dma_wait3A_211 = arith.constant 0 : i32
        %dma_wait3A_212 = arith.constant 0 : i32
        %dma_wait3A_213 = tpu.memref_slice %arg5[%dma_wait3A, %dma_wait3A_211, %dma_wait3A_212] : memref<2x32x128xf32, #tpu.memory_space<vmem>> -> memref<1x32x128xf32, #tpu.memory_space<vmem>>
        %dma_wait3A_214 = tpu.memref_squeeze %dma_wait3A_213 : memref<1x32x128xf32, #tpu.memory_space<vmem>> -> memref<32x128xf32, #tpu.memory_space<vmem>>
        %dma_wait3A_215 = arith.constant 0 : i32
        %dma_wait3A_216 = tpu.memref_slice %arg2[%dma_wait3A_215, %mul3A_204] : memref<32x1000000xf32, #tpu.memory_space<hbm>> -> memref<32x128xf32, #tpu.memory_space<hbm>>
        tpu.wait_dma2 semaphore(%arg8 : memref<!tpu.dma_semaphore, #tpu.memory_space<semaphore_mem>>) src(%dma_wait3A_216 : memref<32x128xf32, #tpu.memory_space<hbm>>) dst(%dma_wait3A_214 : memref<32x128xf32, #tpu.memory_space<vmem>>)
        %ge3A_217 = arith.constant 2 : i32
        %ge3A_218 = arith.cmpi sge, %add3A_183, %ge3A_217 : i32
        %convert_element_type3A_219 = arith.extui %ge3A_218 : i1 to i32
        %cond3A_220 = arith.constant 0 : i32
        %cond3A_221 = arith.cmpi ne, %convert_element_type3A_219, %cond3A_220 : i32
        scf.if %cond3A_221 {
          %sub3A_234 = arith.constant 64 : i32
          %sub3A_235 = arith.subi %add3A_186, %sub3A_234 : i32
          %mul3A_236 = arith.constant 32 : i32
          %mul3A_237 = arith.muli %sub3A_235, %mul3A_236 : i32
          %mul3A_238 = arith.constant 128 : i32
          %mul3A_239 = arith.muli %mul3A_237, %mul3A_238 : i32
          %multiple_of3A_240 = tpu.assume_multiple %mul3A_239, 4096 : i32
          %dma_wait3A_241 = arith.constant 4096 : i32
          %dma_wait3A_242 = tpu.memref_slice %arg6[%dma_wait3A_241] : memref<8192xf32, #tpu.memory_space<vmem>> -> memref<4096xf32, #tpu.memory_space<vmem>>
          %dma_wait3A_243 = tpu.memref_slice %arg4[%multiple_of3A_240] : memref<32064512xf32, #tpu.memory_space<hbm>> -> memref<4096xf32, #tpu.memory_space<hbm>>
          %dma_wait3A_244 = tpu.memref_slice %arg4[%multiple_of3A_240] : memref<32064512xf32, #tpu.memory_space<hbm>> -> memref<4096xf32, #tpu.memory_space<hbm>>
          %dma_wait3A_245 = arith.constant 4096 : i32
          %dma_wait3A_246 = tpu.memref_slice %arg6[%dma_wait3A_245] : memref<8192xf32, #tpu.memory_space<vmem>> -> memref<4096xf32, #tpu.memory_space<vmem>>
          tpu.wait_dma2 semaphore(%arg9 : memref<!tpu.dma_semaphore, #tpu.memory_space<semaphore_mem>>) src(%dma_wait3A_246 : memref<4096xf32, #tpu.memory_space<vmem>>) dst(%dma_wait3A_244 : memref<4096xf32, #tpu.memory_space<hbm>>)
        } else {
        }
        %parallel_loop3A = arith.constant 0 : i32
        %parallel_loop3A_222 = arith.constant 256 : i32
        %parallel_loop3A_223 = arith.constant 1 : i32
        scf.for %parallel_loop3A_234 = %parallel_loop3A to %parallel_loop3A_222 step %parallel_loop3A_223  : i32 {
          %parallel_loop3A_235 = arith.constant 8 : i32
          %parallel_loop3A_236 = arith.divsi %parallel_loop3A_234, %parallel_loop3A_235 : i32
          %parallel_loop3A_237 = arith.constant 0 : i32
          %parallel_loop3A_238 = arith.cmpi sgt, %parallel_loop3A_234, %parallel_loop3A_237 : i32
          %parallel_loop3A_239 = arith.extui %parallel_loop3A_238 : i1 to i32
          %parallel_loop3A_240 = arith.constant 0 : i32
          %parallel_loop3A_241 = arith.cmpi slt, %parallel_loop3A_234, %parallel_loop3A_240 : i32
          %parallel_loop3A_242 = arith.extui %parallel_loop3A_241 : i1 to i32
          %parallel_loop3A_243 = arith.subi %parallel_loop3A_239, %parallel_loop3A_242 : i32
          %parallel_loop3A_244 = arith.constant 0 : i32
          %parallel_loop3A_245 = arith.cmpi sgt, %parallel_loop3A_235, %parallel_loop3A_244 : i32
          %parallel_loop3A_246 = arith.extui %parallel_loop3A_245 : i1 to i32
          %parallel_loop3A_247 = arith.constant 0 : i32
          %parallel_loop3A_248 = arith.cmpi slt, %parallel_loop3A_235, %parallel_loop3A_247 : i32
          %parallel_loop3A_249 = arith.extui %parallel_loop3A_248 : i1 to i32
          %parallel_loop3A_250 = arith.subi %parallel_loop3A_246, %parallel_loop3A_249 : i32
          %parallel_loop3A_251 = arith.cmpi ne, %parallel_loop3A_243, %parallel_loop3A_250 : i32
          %parallel_loop3A_252 = arith.remsi %parallel_loop3A_234, %parallel_loop3A_235 : i32
          %parallel_loop3A_253 = arith.constant 0 : i32
          %parallel_loop3A_254 = arith.cmpi ne, %parallel_loop3A_252, %parallel_loop3A_253 : i32
          %parallel_loop3A_255 = arith.andi %parallel_loop3A_251, %parallel_loop3A_254 : i1
          %parallel_loop3A_256 = arith.constant 1 : i32
          %parallel_loop3A_257 = arith.subi %parallel_loop3A_236, %parallel_loop3A_256 : i32
          %parallel_loop3A_258 = arith.select %parallel_loop3A_255, %parallel_loop3A_257, %parallel_loop3A_236 : i32
          %parallel_loop3A_259 = arith.constant 8 : i32
          %parallel_loop3A_260 = arith.constant 0 : i32
          %parallel_loop3A_261 = arith.cmpi eq, %parallel_loop3A_259, %parallel_loop3A_260 : i32
          %parallel_loop3A_262 = arith.constant 1 : i32
          %parallel_loop3A_263 = arith.select %parallel_loop3A_261, %parallel_loop3A_262, %parallel_loop3A_259 : i32
          %parallel_loop3A_264 = arith.remsi %parallel_loop3A_234, %parallel_loop3A_263 : i32
          %parallel_loop3A_265 = arith.constant 0 : i32
          %parallel_loop3A_266 = arith.cmpi ne, %parallel_loop3A_264, %parallel_loop3A_265 : i32
          %parallel_loop3A_267 = arith.constant 0 : i32
          %parallel_loop3A_268 = arith.cmpi slt, %parallel_loop3A_264, %parallel_loop3A_267 : i32
          %parallel_loop3A_269 = arith.constant 0 : i32
          %parallel_loop3A_270 = arith.cmpi slt, %parallel_loop3A_263, %parallel_loop3A_269 : i32
          %parallel_loop3A_271 = arith.xori %parallel_loop3A_268, %parallel_loop3A_270 : i1
          %parallel_loop3A_272 = arith.andi %parallel_loop3A_271, %parallel_loop3A_266 : i1
          %parallel_loop3A_273 = arith.addi %parallel_loop3A_264, %parallel_loop3A_263 : i32
          %parallel_loop3A_274 = arith.select %parallel_loop3A_272, %parallel_loop3A_273, %parallel_loop3A_264 : i32
          %parallel_loop3A_275 = arith.constant 16 : i32
          %parallel_loop3A_276 = arith.muli %parallel_loop3A_274, %parallel_loop3A_275 : i32
          %parallel_loop3A_277 = arith.constant 1 : i32
          %parallel_loop3A_278 = arith.index_cast %parallel_loop3A_277 : i32 to index
          %parallel_loop3A_279 = arith.index_cast %parallel_loop3A_258 : i32 to index
          %parallel_loop3A_280 = arith.index_cast %parallel_loop3A_276 : i32 to index
          %parallel_loop3A_281 = tpu.vector_load %arg5[%parallel_loop3A_278, %parallel_loop3A_279, %parallel_loop3A_280] {strides = array<i32>} : memref<2x32x128xf32, #tpu.memory_space<vmem>>, vector<16xf32>,
          %parallel_loop3A_282 = arith.constant 4096 : i32
          %parallel_loop3A_283 = vector.broadcast %parallel_loop3A_282 : i32 to vector<16xi32>
          %parallel_loop3A_284 = arith.addi %parallel_loop3A_283, %mul3A_3 : vector<16xi32>
          %parallel_loop3A_285 = arith.constant 32 : i32
          %parallel_loop3A_286 = arith.muli %parallel_loop3A_276, %parallel_loop3A_285 : i32
          %parallel_loop3A_287 = arith.addi %parallel_loop3A_286, %parallel_loop3A_258 : i32
          %parallel_loop3A_288 = vector.broadcast %parallel_loop3A_287 : i32 to vector<16xi32>
          %parallel_loop3A_289 = arith.addi %parallel_loop3A_284, %parallel_loop3A_288 : vector<16xi32>
          tpu.vector_store_idx %arg6[%parallel_loop3A_289], %parallel_loop3A_281 : memref<8192xf32, #tpu.memory_space<vmem>>[vector<16xi32>], vector<16xf32>,
        } {sc.loop_unroll_factor = 8 : i64, sc.parallel_access}
        %mul3A_224 = arith.constant 32 : i32
        %mul3A_225 = arith.muli %add3A_186, %mul3A_224 : i32
        %mul3A_226 = arith.constant 128 : i32
        %mul3A_227 = arith.muli %mul3A_225, %mul3A_226 : i32
        %multiple_of3A = tpu.assume_multiple %mul3A_227, 4096 : i32
        %dma_start3A_228 = arith.constant 4096 : i32
        %dma_start3A_229 = tpu.memref_slice %arg6[%dma_start3A_228] : memref<8192xf32, #tpu.memory_space<vmem>> -> memref<4096xf32, #tpu.memory_space<vmem>>
        %dma_start3A_230 = tpu.memref_slice %arg4[%multiple_of3A] : memref<32064512xf32, #tpu.memory_space<hbm>> -> memref<4096xf32, #tpu.memory_space<hbm>>
        %dma_start3A_231 = tpu.memref_slice %arg4[%multiple_of3A] : memref<32064512xf32, #tpu.memory_space<hbm>> -> memref<4096xf32, #tpu.memory_space<hbm>>
        %dma_start3A_232 = arith.constant 4096 : i32
        %dma_start3A_233 = tpu.memref_slice %arg6[%dma_start3A_232] : memref<8192xf32, #tpu.memory_space<vmem>> -> memref<4096xf32, #tpu.memory_space<vmem>>
        tpu.enqueue_dma source(%dma_start3A_233 : memref<4096xf32, #tpu.memory_space<vmem>>) target(%dma_start3A_231 : memref<4096xf32, #tpu.memory_space<hbm>>) target_semaphore(%arg9 : memref<!tpu.dma_semaphore, #tpu.memory_space<semaphore_mem>>)
      } else {
      }
      %scan3A_192 = arith.constant 0 : i32
      scf.yield %scan3A_192 : i32
    }
    %scan3A_23 = arith.constant 123 : i32
    %sub3A = arith.constant 7812 : i32
    %sub3A_24 = arith.subi %sub3A, %add3A : i32
    %add3A_25 = arith.constant 32 : i32
    %add3A_26 = arith.addi %sub3A_24, %add3A_25 : i32
    %sub3A_27 = arith.constant 1 : i32
    %sub3A_28 = arith.subi %add3A_26, %sub3A_27 : i32
    %jit3A = arith.constant 32 : i32
    %div3A = arith.divsi %sub3A_28, %jit3A : i32
    %sign3A = arith.constant 0 : i32
    %sign3A_29 = arith.cmpi sgt, %sub3A_28, %sign3A : i32
    %sign3A_30 = arith.extui %sign3A_29 : i1 to i32
    %sign3A_31 = arith.constant 0 : i32
    %sign3A_32 = arith.cmpi slt, %sub3A_28, %sign3A_31 : i32
    %sign3A_33 = arith.extui %sign3A_32 : i1 to i32
    %sign3A_34 = arith.subi %sign3A_30, %sign3A_33 : i32
    %sign3A_35 = arith.constant 0 : i32
    %sign3A_36 = arith.cmpi sgt, %jit3A, %sign3A_35 : i32
    %sign3A_37 = arith.extui %sign3A_36 : i1 to i32
    %sign3A_38 = arith.constant 0 : i32
    %sign3A_39 = arith.cmpi slt, %jit3A, %sign3A_38 : i32
    %sign3A_40 = arith.extui %sign3A_39 : i1 to i32
    %sign3A_41 = arith.subi %sign3A_37, %sign3A_40 : i32
    %ne3A = arith.cmpi ne, %sign3A_34, %sign3A_41 : i32
    %rem3A = arith.remsi %sub3A_28, %jit3A : i32
    %ne3A_42 = arith.constant 0 : i32
    %ne3A_43 = arith.cmpi ne, %rem3A, %ne3A_42 : i32
    %and3A = arith.andi %ne3A, %ne3A_43 : i1
    %sub3A_44 = arith.constant 1 : i32
    %sub3A_45 = arith.subi %div3A, %sub3A_44 : i32
    %select_n3A = arith.select %and3A, %sub3A_45, %div3A : i32
    %sub3A_46 = arith.constant 1 : i32
    %sub3A_47 = arith.subi %select_n3A, %sub3A_46 : i32
    %jit3A_48 = arith.constant 2 : i32
    %eq3A = arith.constant 0 : i32
    %eq3A_49 = arith.cmpi eq, %jit3A_48, %eq3A : i32
    %jit3A_50 = arith.constant 1 : i32
    %select_n3A_51 = arith.select %eq3A_49, %jit3A_50, %jit3A_48 : i32
    %rem3A_52 = arith.remsi %sub3A_47, %select_n3A_51 : i32
    %ne3A_53 = arith.constant 0 : i32
    %ne3A_54 = arith.cmpi ne, %rem3A_52, %ne3A_53 : i32
    %lt3A = arith.constant 0 : i32
    %lt3A_55 = arith.cmpi slt, %rem3A_52, %lt3A : i32
    %lt3A_56 = arith.constant 0 : i32
    %lt3A_57 = arith.cmpi slt, %select_n3A_51, %lt3A_56 : i32
    %ne3A_58 = arith.xori %lt3A_55, %lt3A_57 : i1
    %and3A_59 = arith.andi %ne3A_58, %ne3A_54 : i1
    %add3A_60 = arith.addi %rem3A_52, %select_n3A_51 : i32
    %select_n3A_61 = arith.select %and3A_59, %add3A_60, %rem3A_52 : i32
    %eq3A_62 = arith.constant 0 : i32
    %eq3A_63 = arith.cmpi eq, %select_n3A_61, %eq3A_62 : i32
    %sub3A_64 = arith.constant 1 : i32
    %sub3A_65 = arith.subi %select_n3A, %sub3A_64 : i32
    %sub3A_66 = arith.constant 2 : i32
    %sub3A_67 = arith.subi %select_n3A, %sub3A_66 : i32
    %select_n3A_68 = arith.select %eq3A_63, %sub3A_65, %sub3A_67 : i32
    %ge3A = arith.constant 0 : i32
    %ge3A_69 = arith.cmpi sge, %select_n3A_68, %ge3A : i32
    %convert_element_type3A = arith.extui %ge3A_69 : i1 to i32
    %cond3A = arith.constant 0 : i32
    %cond3A_70 = arith.cmpi ne, %convert_element_type3A, %cond3A : i32
    scf.if %cond3A_70 {
      %mul3A_166 = arith.constant 32 : i32
      %mul3A_167 = arith.muli %select_n3A_68, %mul3A_166 : i32
      %add3A_168 = arith.addi %add3A, %mul3A_167 : i32
      %mul3A_169 = arith.constant 32 : i32
      %mul3A_170 = arith.muli %add3A_168, %mul3A_169 : i32
      %mul3A_171 = arith.constant 128 : i32
      %mul3A_172 = arith.muli %mul3A_170, %mul3A_171 : i32
      %multiple_of3A = tpu.assume_multiple %mul3A_172, 4096 : i32
      %dma_wait3A = arith.constant 0 : i32
      %dma_wait3A_173 = tpu.memref_slice %arg6[%dma_wait3A] : memref<8192xf32, #tpu.memory_space<vmem>> -> memref<4096xf32, #tpu.memory_space<vmem>>
      %dma_wait3A_174 = tpu.memref_slice %arg4[%multiple_of3A] : memref<32064512xf32, #tpu.memory_space<hbm>> -> memref<4096xf32, #tpu.memory_space<hbm>>
      %dma_wait3A_175 = tpu.memref_slice %arg4[%multiple_of3A] : memref<32064512xf32, #tpu.memory_space<hbm>> -> memref<4096xf32, #tpu.memory_space<hbm>>
      %dma_wait3A_176 = arith.constant 0 : i32
      %dma_wait3A_177 = tpu.memref_slice %arg6[%dma_wait3A_176] : memref<8192xf32, #tpu.memory_space<vmem>> -> memref<4096xf32, #tpu.memory_space<vmem>>
      tpu.wait_dma2 semaphore(%arg9 : memref<!tpu.dma_semaphore, #tpu.memory_space<semaphore_mem>>) src(%dma_wait3A_177 : memref<4096xf32, #tpu.memory_space<vmem>>) dst(%dma_wait3A_175 : memref<4096xf32, #tpu.memory_space<hbm>>)
    } else {
    }
    %sub3A_71 = arith.constant 1 : i32
    %sub3A_72 = arith.subi %select_n3A, %sub3A_71 : i32
    %jit3A_73 = arith.constant 2 : i32
    %eq3A_74 = arith.constant 0 : i32
    %eq3A_75 = arith.cmpi eq, %jit3A_73, %eq3A_74 : i32
    %jit3A_76 = arith.constant 1 : i32
    %select_n3A_77 = arith.select %eq3A_75, %jit3A_76, %jit3A_73 : i32
    %rem3A_78 = arith.remsi %sub3A_72, %select_n3A_77 : i32
    %ne3A_79 = arith.constant 0 : i32
    %ne3A_80 = arith.cmpi ne, %rem3A_78, %ne3A_79 : i32
    %lt3A_81 = arith.constant 0 : i32
    %lt3A_82 = arith.cmpi slt, %rem3A_78, %lt3A_81 : i32
    %lt3A_83 = arith.constant 0 : i32
    %lt3A_84 = arith.cmpi slt, %select_n3A_77, %lt3A_83 : i32
    %ne3A_85 = arith.xori %lt3A_82, %lt3A_84 : i1
    %and3A_86 = arith.andi %ne3A_85, %ne3A_80 : i1
    %add3A_87 = arith.addi %rem3A_78, %select_n3A_77 : i32
    %select_n3A_88 = arith.select %and3A_86, %add3A_87, %rem3A_78 : i32
    %eq3A_89 = arith.constant 1 : i32
    %eq3A_90 = arith.cmpi eq, %select_n3A_88, %eq3A_89 : i32
    %sub3A_91 = arith.constant 1 : i32
    %sub3A_92 = arith.subi %select_n3A, %sub3A_91 : i32
    %sub3A_93 = arith.constant 2 : i32
    %sub3A_94 = arith.subi %select_n3A, %sub3A_93 : i32
    %select_n3A_95 = arith.select %eq3A_90, %sub3A_92, %sub3A_94 : i32
    %ge3A_96 = arith.constant 0 : i32
    %ge3A_97 = arith.cmpi sge, %select_n3A_95, %ge3A_96 : i32
    %convert_element_type3A_98 = arith.extui %ge3A_97 : i1 to i32
    %cond3A_99 = arith.constant 0 : i32
    %cond3A_100 = arith.cmpi ne, %convert_element_type3A_98, %cond3A_99 : i32
    scf.if %cond3A_100 {
      %mul3A_166 = arith.constant 32 : i32
      %mul3A_167 = arith.muli %select_n3A_95, %mul3A_166 : i32
      %add3A_168 = arith.addi %add3A, %mul3A_167 : i32
      %mul3A_169 = arith.constant 32 : i32
      %mul3A_170 = arith.muli %add3A_168, %mul3A_169 : i32
      %mul3A_171 = arith.constant 128 : i32
      %mul3A_172 = arith.muli %mul3A_170, %mul3A_171 : i32
      %multiple_of3A = tpu.assume_multiple %mul3A_172, 4096 : i32
      %dma_wait3A = arith.constant 4096 : i32
      %dma_wait3A_173 = tpu.memref_slice %arg6[%dma_wait3A] : memref<8192xf32, #tpu.memory_space<vmem>> -> memref<4096xf32, #tpu.memory_space<vmem>>
      %dma_wait3A_174 = tpu.memref_slice %arg4[%multiple_of3A] : memref<32064512xf32, #tpu.memory_space<hbm>> -> memref<4096xf32, #tpu.memory_space<hbm>>
      %dma_wait3A_175 = tpu.memref_slice %arg4[%multiple_of3A] : memref<32064512xf32, #tpu.memory_space<hbm>> -> memref<4096xf32, #tpu.memory_space<hbm>>
      %dma_wait3A_176 = arith.constant 4096 : i32
      %dma_wait3A_177 = tpu.memref_slice %arg6[%dma_wait3A_176] : memref<8192xf32, #tpu.memory_space<vmem>> -> memref<4096xf32, #tpu.memory_space<vmem>>
      tpu.wait_dma2 semaphore(%arg9 : memref<!tpu.dma_semaphore, #tpu.memory_space<semaphore_mem>>) src(%dma_wait3A_177 : memref<4096xf32, #tpu.memory_space<vmem>>) dst(%dma_wait3A_175 : memref<4096xf32, #tpu.memory_space<hbm>>)
    } else {
    }
    %eq3A_101 = arith.constant 0 : i32
    %eq3A_102 = arith.cmpi eq, %add3A, %eq3A_101 : i32
    %convert_element_type3A_103 = arith.extui %eq3A_102 : i1 to i32
    %cond3A_104 = arith.constant 0 : i32
    %cond3A_105 = arith.cmpi ne, %convert_element_type3A_103, %cond3A_104 : i32
    scf.if %cond3A_105 {
      "tpu.region"() ({
        %run_scoped3A = tpu.sem_alloc : memref<!tpu.dma_semaphore, #tpu.memory_space<semaphore_mem>>
        %dma_start3A_166 = arith.constant 31997952 : i32
        %dma_start3A_167 = tpu.memref_slice %arg4[%dma_start3A_166] : memref<32064512xf32, #tpu.memory_space<hbm>> -> memref<5120xf32, #tpu.memory_space<hbm>>
        %dma_start3A_168 = arith.constant 0 : i32
        %dma_start3A_169 = tpu.memref_slice %arg3[%dma_start3A_168] : memref<66560xf32, #tpu.memory_space<hbm>> -> memref<5120xf32, #tpu.memory_space<hbm>>
        tpu.enqueue_dma source(%dma_start3A_169 : memref<5120xf32, #tpu.memory_space<hbm>>) target(%dma_start3A_167 : memref<5120xf32, #tpu.memory_space<hbm>>) target_semaphore(%run_scoped3A : memref<!tpu.dma_semaphore, #tpu.memory_space<semaphore_mem>>)
        %dma_wait3A = arith.constant 31997952 : i32
        %dma_wait3A_170 = tpu.memref_slice %arg4[%dma_wait3A] : memref<32064512xf32, #tpu.memory_space<hbm>> -> memref<5120xf32, #tpu.memory_space<hbm>>
        %dma_wait3A_171 = arith.constant 0 : i32
        %dma_wait3A_172 = tpu.memref_slice %arg3[%dma_wait3A_171] : memref<66560xf32, #tpu.memory_space<hbm>> -> memref<5120xf32, #tpu.memory_space<hbm>>
        tpu.wait_dma2 semaphore(%run_scoped3A : memref<!tpu.dma_semaphore, #tpu.memory_space<semaphore_mem>>) src(%dma_wait3A_172 : memref<5120xf32, #tpu.memory_space<hbm>>) dst(%dma_wait3A_170 : memref<5120xf32, #tpu.memory_space<hbm>>)
        tpu.yield
      }) : () -> ()
    } else {
    }
    %eq3A_106 = arith.constant 2 : i32
    %eq3A_107 = arith.cmpi eq, %add3A, %eq3A_106 : i32
    %convert_element_type3A_108 = arith.extui %eq3A_107 : i1 to i32
    %cond3A_109 = arith.constant 0 : i32
    %cond3A_110 = arith.cmpi ne, %convert_element_type3A_108, %cond3A_109 : i32
    scf.if %cond3A_110 {
      "tpu.region"() ({
        %run_scoped3A = tpu.sem_alloc : memref<!tpu.dma_semaphore, #tpu.memory_space<semaphore_mem>>
        %dma_start3A_166 = arith.constant 32003072 : i32
        %dma_start3A_167 = tpu.memref_slice %arg4[%dma_start3A_166] : memref<32064512xf32, #tpu.memory_space<hbm>> -> memref<5120xf32, #tpu.memory_space<hbm>>
        %dma_start3A_168 = arith.constant 5120 : i32
        %dma_start3A_169 = tpu.memref_slice %arg3[%dma_start3A_168] : memref<66560xf32, #tpu.memory_space<hbm>> -> memref<5120xf32, #tpu.memory_space<hbm>>
        tpu.enqueue_dma source(%dma_start3A_169 : memref<5120xf32, #tpu.memory_space<hbm>>) target(%dma_start3A_167 : memref<5120xf32, #tpu.memory_space<hbm>>) target_semaphore(%run_scoped3A : memref<!tpu.dma_semaphore, #tpu.memory_space<semaphore_mem>>)
        %dma_wait3A = arith.constant 32003072 : i32
        %dma_wait3A_170 = tpu.memref_slice %arg4[%dma_wait3A] : memref<32064512xf32, #tpu.memory_space<hbm>> -> memref<5120xf32, #tpu.memory_space<hbm>>
        %dma_wait3A_171 = arith.constant 5120 : i32
        %dma_wait3A_172 = tpu.memref_slice %arg3[%dma_wait3A_171] : memref<66560xf32, #tpu.memory_space<hbm>> -> memref<5120xf32, #tpu.memory_space<hbm>>
        tpu.wait_dma2 semaphore(%run_scoped3A : memref<!tpu.dma_semaphore, #tpu.memory_space<semaphore_mem>>) src(%dma_wait3A_172 : memref<5120xf32, #tpu.memory_space<hbm>>) dst(%dma_wait3A_170 : memref<5120xf32, #tpu.memory_space<hbm>>)
        tpu.yield
      }) : () -> ()
    } else {
    }
    %eq3A_111 = arith.constant 4 : i32
    %eq3A_112 = arith.cmpi eq, %add3A, %eq3A_111 : i32
    %convert_element_type3A_113 = arith.extui %eq3A_112 : i1 to i32
    %cond3A_114 = arith.constant 0 : i32
    %cond3A_115 = arith.cmpi ne, %convert_element_type3A_113, %cond3A_114 : i32
    scf.if %cond3A_115 {
      "tpu.region"() ({
        %run_scoped3A = tpu.sem_alloc : memref<!tpu.dma_semaphore, #tpu.memory_space<semaphore_mem>>
        %dma_start3A_166 = arith.constant 32008192 : i32
        %dma_start3A_167 = tpu.memref_slice %arg4[%dma_start3A_166] : memref<32064512xf32, #tpu.memory_space<hbm>> -> memref<5120xf32, #tpu.memory_space<hbm>>
        %dma_start3A_168 = arith.constant 10240 : i32
        %dma_start3A_169 = tpu.memref_slice %arg3[%dma_start3A_168] : memref<66560xf32, #tpu.memory_space<hbm>> -> memref<5120xf32, #tpu.memory_space<hbm>>
        tpu.enqueue_dma source(%dma_start3A_169 : memref<5120xf32, #tpu.memory_space<hbm>>) target(%dma_start3A_167 : memref<5120xf32, #tpu.memory_space<hbm>>) target_semaphore(%run_scoped3A : memref<!tpu.dma_semaphore, #tpu.memory_space<semaphore_mem>>)
        %dma_wait3A = arith.constant 32008192 : i32
        %dma_wait3A_170 = tpu.memref_slice %arg4[%dma_wait3A] : memref<32064512xf32, #tpu.memory_space<hbm>> -> memref<5120xf32, #tpu.memory_space<hbm>>
        %dma_wait3A_171 = arith.constant 10240 : i32
        %dma_wait3A_172 = tpu.memref_slice %arg3[%dma_wait3A_171] : memref<66560xf32, #tpu.memory_space<hbm>> -> memref<5120xf32, #tpu.memory_space<hbm>>
        tpu.wait_dma2 semaphore(%run_scoped3A : memref<!tpu.dma_semaphore, #tpu.memory_space<semaphore_mem>>) src(%dma_wait3A_172 : memref<5120xf32, #tpu.memory_space<hbm>>) dst(%dma_wait3A_170 : memref<5120xf32, #tpu.memory_space<hbm>>)
        tpu.yield
      }) : () -> ()
    } else {
    }
    %eq3A_116 = arith.constant 6 : i32
    %eq3A_117 = arith.cmpi eq, %add3A, %eq3A_116 : i32
    %convert_element_type3A_118 = arith.extui %eq3A_117 : i1 to i32
    %cond3A_119 = arith.constant 0 : i32
    %cond3A_120 = arith.cmpi ne, %convert_element_type3A_118, %cond3A_119 : i32
    scf.if %cond3A_120 {
      "tpu.region"() ({
        %run_scoped3A = tpu.sem_alloc : memref<!tpu.dma_semaphore, #tpu.memory_space<semaphore_mem>>
        %dma_start3A_166 = arith.constant 32013312 : i32
        %dma_start3A_167 = tpu.memref_slice %arg4[%dma_start3A_166] : memref<32064512xf32, #tpu.memory_space<hbm>> -> memref<5120xf32, #tpu.memory_space<hbm>>
        %dma_start3A_168 = arith.constant 15360 : i32
        %dma_start3A_169 = tpu.memref_slice %arg3[%dma_start3A_168] : memref<66560xf32, #tpu.memory_space<hbm>> -> memref<5120xf32, #tpu.memory_space<hbm>>
        tpu.enqueue_dma source(%dma_start3A_169 : memref<5120xf32, #tpu.memory_space<hbm>>) target(%dma_start3A_167 : memref<5120xf32, #tpu.memory_space<hbm>>) target_semaphore(%run_scoped3A : memref<!tpu.dma_semaphore, #tpu.memory_space<semaphore_mem>>)
        %dma_wait3A = arith.constant 32013312 : i32
        %dma_wait3A_170 = tpu.memref_slice %arg4[%dma_wait3A] : memref<32064512xf32, #tpu.memory_space<hbm>> -> memref<5120xf32, #tpu.memory_space<hbm>>
        %dma_wait3A_171 = arith.constant 15360 : i32
        %dma_wait3A_172 = tpu.memref_slice %arg3[%dma_wait3A_171] : memref<66560xf32, #tpu.memory_space<hbm>> -> memref<5120xf32, #tpu.memory_space<hbm>>
        tpu.wait_dma2 semaphore(%run_scoped3A : memref<!tpu.dma_semaphore, #tpu.memory_space<semaphore_mem>>) src(%dma_wait3A_172 : memref<5120xf32, #tpu.memory_space<hbm>>) dst(%dma_wait3A_170 : memref<5120xf32, #tpu.memory_space<hbm>>)
        tpu.yield
      }) : () -> ()
    } else {
    }
    %eq3A_121 = arith.constant 8 : i32
    %eq3A_122 = arith.cmpi eq, %add3A, %eq3A_121 : i32
    %convert_element_type3A_123 = arith.extui %eq3A_122 : i1 to i32
    %cond3A_124 = arith.constant 0 : i32
    %cond3A_125 = arith.cmpi ne, %convert_element_type3A_123, %cond3A_124 : i32
    scf.if %cond3A_125 {
      "tpu.region"() ({
        %run_scoped3A = tpu.sem_alloc : memref<!tpu.dma_semaphore, #tpu.memory_space<semaphore_mem>>
        %dma_start3A_166 = arith.constant 32018432 : i32
        %dma_start3A_167 = tpu.memref_slice %arg4[%dma_start3A_166] : memref<32064512xf32, #tpu.memory_space<hbm>> -> memref<5120xf32, #tpu.memory_space<hbm>>
        %dma_start3A_168 = arith.constant 20480 : i32
        %dma_start3A_169 = tpu.memref_slice %arg3[%dma_start3A_168] : memref<66560xf32, #tpu.memory_space<hbm>> -> memref<5120xf32, #tpu.memory_space<hbm>>
        tpu.enqueue_dma source(%dma_start3A_169 : memref<5120xf32, #tpu.memory_space<hbm>>) target(%dma_start3A_167 : memref<5120xf32, #tpu.memory_space<hbm>>) target_semaphore(%run_scoped3A : memref<!tpu.dma_semaphore, #tpu.memory_space<semaphore_mem>>)
        %dma_wait3A = arith.constant 32018432 : i32
        %dma_wait3A_170 = tpu.memref_slice %arg4[%dma_wait3A] : memref<32064512xf32, #tpu.memory_space<hbm>> -> memref<5120xf32, #tpu.memory_space<hbm>>
        %dma_wait3A_171 = arith.constant 20480 : i32
        %dma_wait3A_172 = tpu.memref_slice %arg3[%dma_wait3A_171] : memref<66560xf32, #tpu.memory_space<hbm>> -> memref<5120xf32, #tpu.memory_space<hbm>>
        tpu.wait_dma2 semaphore(%run_scoped3A : memref<!tpu.dma_semaphore, #tpu.memory_space<semaphore_mem>>) src(%dma_wait3A_172 : memref<5120xf32, #tpu.memory_space<hbm>>) dst(%dma_wait3A_170 : memref<5120xf32, #tpu.memory_space<hbm>>)
        tpu.yield
      }) : () -> ()
    } else {
    }
    %eq3A_126 = arith.constant 10 : i32
    %eq3A_127 = arith.cmpi eq, %add3A, %eq3A_126 : i32
    %convert_element_type3A_128 = arith.extui %eq3A_127 : i1 to i32
    %cond3A_129 = arith.constant 0 : i32
    %cond3A_130 = arith.cmpi ne, %convert_element_type3A_128, %cond3A_129 : i32
    scf.if %cond3A_130 {
      "tpu.region"() ({
        %run_scoped3A = tpu.sem_alloc : memref<!tpu.dma_semaphore, #tpu.memory_space<semaphore_mem>>
        %dma_start3A_166 = arith.constant 32023552 : i32
        %dma_start3A_167 = tpu.memref_slice %arg4[%dma_start3A_166] : memref<32064512xf32, #tpu.memory_space<hbm>> -> memref<5120xf32, #tpu.memory_space<hbm>>
        %dma_start3A_168 = arith.constant 25600 : i32
        %dma_start3A_169 = tpu.memref_slice %arg3[%dma_start3A_168] : memref<66560xf32, #tpu.memory_space<hbm>> -> memref<5120xf32, #tpu.memory_space<hbm>>
        tpu.enqueue_dma source(%dma_start3A_169 : memref<5120xf32, #tpu.memory_space<hbm>>) target(%dma_start3A_167 : memref<5120xf32, #tpu.memory_space<hbm>>) target_semaphore(%run_scoped3A : memref<!tpu.dma_semaphore, #tpu.memory_space<semaphore_mem>>)
        %dma_wait3A = arith.constant 32023552 : i32
        %dma_wait3A_170 = tpu.memref_slice %arg4[%dma_wait3A] : memref<32064512xf32, #tpu.memory_space<hbm>> -> memref<5120xf32, #tpu.memory_space<hbm>>
        %dma_wait3A_171 = arith.constant 25600 : i32
        %dma_wait3A_172 = tpu.memref_slice %arg3[%dma_wait3A_171] : memref<66560xf32, #tpu.memory_space<hbm>> -> memref<5120xf32, #tpu.memory_space<hbm>>
        tpu.wait_dma2 semaphore(%run_scoped3A : memref<!tpu.dma_semaphore, #tpu.memory_space<semaphore_mem>>) src(%dma_wait3A_172 : memref<5120xf32, #tpu.memory_space<hbm>>) dst(%dma_wait3A_170 : memref<5120xf32, #tpu.memory_space<hbm>>)
        tpu.yield
      }) : () -> ()
    } else {
    }
    %eq3A_131 = arith.constant 12 : i32
    %eq3A_132 = arith.cmpi eq, %add3A, %eq3A_131 : i32
    %convert_element_type3A_133 = arith.extui %eq3A_132 : i1 to i32
    %cond3A_134 = arith.constant 0 : i32
    %cond3A_135 = arith.cmpi ne, %convert_element_type3A_133, %cond3A_134 : i32
    scf.if %cond3A_135 {
      "tpu.region"() ({
        %run_scoped3A = tpu.sem_alloc : memref<!tpu.dma_semaphore, #tpu.memory_space<semaphore_mem>>
        %dma_start3A_166 = arith.constant 32028672 : i32
        %dma_start3A_167 = tpu.memref_slice %arg4[%dma_start3A_166] : memref<32064512xf32, #tpu.memory_space<hbm>> -> memref<5120xf32, #tpu.memory_space<hbm>>
        %dma_start3A_168 = arith.constant 30720 : i32
        %dma_start3A_169 = tpu.memref_slice %arg3[%dma_start3A_168] : memref<66560xf32, #tpu.memory_space<hbm>> -> memref<5120xf32, #tpu.memory_space<hbm>>
        tpu.enqueue_dma source(%dma_start3A_169 : memref<5120xf32, #tpu.memory_space<hbm>>) target(%dma_start3A_167 : memref<5120xf32, #tpu.memory_space<hbm>>) target_semaphore(%run_scoped3A : memref<!tpu.dma_semaphore, #tpu.memory_space<semaphore_mem>>)
        %dma_wait3A = arith.constant 32028672 : i32
        %dma_wait3A_170 = tpu.memref_slice %arg4[%dma_wait3A] : memref<32064512xf32, #tpu.memory_space<hbm>> -> memref<5120xf32, #tpu.memory_space<hbm>>
        %dma_wait3A_171 = arith.constant 30720 : i32
        %dma_wait3A_172 = tpu.memref_slice %arg3[%dma_wait3A_171] : memref<66560xf32, #tpu.memory_space<hbm>> -> memref<5120xf32, #tpu.memory_space<hbm>>
        tpu.wait_dma2 semaphore(%run_scoped3A : memref<!tpu.dma_semaphore, #tpu.memory_space<semaphore_mem>>) src(%dma_wait3A_172 : memref<5120xf32, #tpu.memory_space<hbm>>) dst(%dma_wait3A_170 : memref<5120xf32, #tpu.memory_space<hbm>>)
        tpu.yield
      }) : () -> ()
    } else {
    }
    %eq3A_136 = arith.constant 14 : i32
    %eq3A_137 = arith.cmpi eq, %add3A, %eq3A_136 : i32
    %convert_element_type3A_138 = arith.extui %eq3A_137 : i1 to i32
    %cond3A_139 = arith.constant 0 : i32
    %cond3A_140 = arith.cmpi ne, %convert_element_type3A_138, %cond3A_139 : i32
    scf.if %cond3A_140 {
      "tpu.region"() ({
        %run_scoped3A = tpu.sem_alloc : memref<!tpu.dma_semaphore, #tpu.memory_space<semaphore_mem>>
        %dma_start3A_166 = arith.constant 32033792 : i32
        %dma_start3A_167 = tpu.memref_slice %arg4[%dma_start3A_166] : memref<32064512xf32, #tpu.memory_space<hbm>> -> memref<5120xf32, #tpu.memory_space<hbm>>
        %dma_start3A_168 = arith.constant 35840 : i32
        %dma_start3A_169 = tpu.memref_slice %arg3[%dma_start3A_168] : memref<66560xf32, #tpu.memory_space<hbm>> -> memref<5120xf32, #tpu.memory_space<hbm>>
        tpu.enqueue_dma source(%dma_start3A_169 : memref<5120xf32, #tpu.memory_space<hbm>>) target(%dma_start3A_167 : memref<5120xf32, #tpu.memory_space<hbm>>) target_semaphore(%run_scoped3A : memref<!tpu.dma_semaphore, #tpu.memory_space<semaphore_mem>>)
        %dma_wait3A = arith.constant 32033792 : i32
        %dma_wait3A_170 = tpu.memref_slice %arg4[%dma_wait3A] : memref<32064512xf32, #tpu.memory_space<hbm>> -> memref<5120xf32, #tpu.memory_space<hbm>>
        %dma_wait3A_171 = arith.constant 35840 : i32
        %dma_wait3A_172 = tpu.memref_slice %arg3[%dma_wait3A_171] : memref<66560xf32, #tpu.memory_space<hbm>> -> memref<5120xf32, #tpu.memory_space<hbm>>
        tpu.wait_dma2 semaphore(%run_scoped3A : memref<!tpu.dma_semaphore, #tpu.memory_space<semaphore_mem>>) src(%dma_wait3A_172 : memref<5120xf32, #tpu.memory_space<hbm>>) dst(%dma_wait3A_170 : memref<5120xf32, #tpu.memory_space<hbm>>)
        tpu.yield
      }) : () -> ()
    } else {
    }
    %eq3A_141 = arith.constant 16 : i32
    %eq3A_142 = arith.cmpi eq, %add3A, %eq3A_141 : i32
    %convert_element_type3A_143 = arith.extui %eq3A_142 : i1 to i32
    %cond3A_144 = arith.constant 0 : i32
    %cond3A_145 = arith.cmpi ne, %convert_element_type3A_143, %cond3A_144 : i32
    scf.if %cond3A_145 {
      "tpu.region"() ({
        %run_scoped3A = tpu.sem_alloc : memref<!tpu.dma_semaphore, #tpu.memory_space<semaphore_mem>>
        %dma_start3A_166 = arith.constant 32038912 : i32
        %dma_start3A_167 = tpu.memref_slice %arg4[%dma_start3A_166] : memref<32064512xf32, #tpu.memory_space<hbm>> -> memref<5120xf32, #tpu.memory_space<hbm>>
        %dma_start3A_168 = arith.constant 40960 : i32
        %dma_start3A_169 = tpu.memref_slice %arg3[%dma_start3A_168] : memref<66560xf32, #tpu.memory_space<hbm>> -> memref<5120xf32, #tpu.memory_space<hbm>>
        tpu.enqueue_dma source(%dma_start3A_169 : memref<5120xf32, #tpu.memory_space<hbm>>) target(%dma_start3A_167 : memref<5120xf32, #tpu.memory_space<hbm>>) target_semaphore(%run_scoped3A : memref<!tpu.dma_semaphore, #tpu.memory_space<semaphore_mem>>)
        %dma_wait3A = arith.constant 32038912 : i32
        %dma_wait3A_170 = tpu.memref_slice %arg4[%dma_wait3A] : memref<32064512xf32, #tpu.memory_space<hbm>> -> memref<5120xf32, #tpu.memory_space<hbm>>
        %dma_wait3A_171 = arith.constant 40960 : i32
        %dma_wait3A_172 = tpu.memref_slice %arg3[%dma_wait3A_171] : memref<66560xf32, #tpu.memory_space<hbm>> -> memref<5120xf32, #tpu.memory_space<hbm>>
        tpu.wait_dma2 semaphore(%run_scoped3A : memref<!tpu.dma_semaphore, #tpu.memory_space<semaphore_mem>>) src(%dma_wait3A_172 : memref<5120xf32, #tpu.memory_space<hbm>>) dst(%dma_wait3A_170 : memref<5120xf32, #tpu.memory_space<hbm>>)
        tpu.yield
      }) : () -> ()
    } else {
    }
    %eq3A_146 = arith.constant 18 : i32
    %eq3A_147 = arith.cmpi eq, %add3A, %eq3A_146 : i32
    %convert_element_type3A_148 = arith.extui %eq3A_147 : i1 to i32
    %cond3A_149 = arith.constant 0 : i32
    %cond3A_150 = arith.cmpi ne, %convert_element_type3A_148, %cond3A_149 : i32
    scf.if %cond3A_150 {
      "tpu.region"() ({
        %run_scoped3A = tpu.sem_alloc : memref<!tpu.dma_semaphore, #tpu.memory_space<semaphore_mem>>
        %dma_start3A_166 = arith.constant 32044032 : i32
        %dma_start3A_167 = tpu.memref_slice %arg4[%dma_start3A_166] : memref<32064512xf32, #tpu.memory_space<hbm>> -> memref<5120xf32, #tpu.memory_space<hbm>>
        %dma_start3A_168 = arith.constant 46080 : i32
        %dma_start3A_169 = tpu.memref_slice %arg3[%dma_start3A_168] : memref<66560xf32, #tpu.memory_space<hbm>> -> memref<5120xf32, #tpu.memory_space<hbm>>
        tpu.enqueue_dma source(%dma_start3A_169 : memref<5120xf32, #tpu.memory_space<hbm>>) target(%dma_start3A_167 : memref<5120xf32, #tpu.memory_space<hbm>>) target_semaphore(%run_scoped3A : memref<!tpu.dma_semaphore, #tpu.memory_space<semaphore_mem>>)
        %dma_wait3A = arith.constant 32044032 : i32
        %dma_wait3A_170 = tpu.memref_slice %arg4[%dma_wait3A] : memref<32064512xf32, #tpu.memory_space<hbm>> -> memref<5120xf32, #tpu.memory_space<hbm>>
        %dma_wait3A_171 = arith.constant 46080 : i32
        %dma_wait3A_172 = tpu.memref_slice %arg3[%dma_wait3A_171] : memref<66560xf32, #tpu.memory_space<hbm>> -> memref<5120xf32, #tpu.memory_space<hbm>>
        tpu.wait_dma2 semaphore(%run_scoped3A : memref<!tpu.dma_semaphore, #tpu.memory_space<semaphore_mem>>) src(%dma_wait3A_172 : memref<5120xf32, #tpu.memory_space<hbm>>) dst(%dma_wait3A_170 : memref<5120xf32, #tpu.memory_space<hbm>>)
        tpu.yield
      }) : () -> ()
    } else {
    }
    %eq3A_151 = arith.constant 20 : i32
    %eq3A_152 = arith.cmpi eq, %add3A, %eq3A_151 : i32
    %convert_element_type3A_153 = arith.extui %eq3A_152 : i1 to i32
    %cond3A_154 = arith.constant 0 : i32
    %cond3A_155 = arith.cmpi ne, %convert_element_type3A_153, %cond3A_154 : i32
    scf.if %cond3A_155 {
      "tpu.region"() ({
        %run_scoped3A = tpu.sem_alloc : memref<!tpu.dma_semaphore, #tpu.memory_space<semaphore_mem>>
        %dma_start3A_166 = arith.constant 32049152 : i32
        %dma_start3A_167 = tpu.memref_slice %arg4[%dma_start3A_166] : memref<32064512xf32, #tpu.memory_space<hbm>> -> memref<5120xf32, #tpu.memory_space<hbm>>
        %dma_start3A_168 = arith.constant 51200 : i32
        %dma_start3A_169 = tpu.memref_slice %arg3[%dma_start3A_168] : memref<66560xf32, #tpu.memory_space<hbm>> -> memref<5120xf32, #tpu.memory_space<hbm>>
        tpu.enqueue_dma source(%dma_start3A_169 : memref<5120xf32, #tpu.memory_space<hbm>>) target(%dma_start3A_167 : memref<5120xf32, #tpu.memory_space<hbm>>) target_semaphore(%run_scoped3A : memref<!tpu.dma_semaphore, #tpu.memory_space<semaphore_mem>>)
        %dma_wait3A = arith.constant 32049152 : i32
        %dma_wait3A_170 = tpu.memref_slice %arg4[%dma_wait3A] : memref<32064512xf32, #tpu.memory_space<hbm>> -> memref<5120xf32, #tpu.memory_space<hbm>>
        %dma_wait3A_171 = arith.constant 51200 : i32
        %dma_wait3A_172 = tpu.memref_slice %arg3[%dma_wait3A_171] : memref<66560xf32, #tpu.memory_space<hbm>> -> memref<5120xf32, #tpu.memory_space<hbm>>
        tpu.wait_dma2 semaphore(%run_scoped3A : memref<!tpu.dma_semaphore, #tpu.memory_space<semaphore_mem>>) src(%dma_wait3A_172 : memref<5120xf32, #tpu.memory_space<hbm>>) dst(%dma_wait3A_170 : memref<5120xf32, #tpu.memory_space<hbm>>)
        tpu.yield
      }) : () -> ()
    } else {
    }
    %eq3A_156 = arith.constant 22 : i32
    %eq3A_157 = arith.cmpi eq, %add3A, %eq3A_156 : i32
    %convert_element_type3A_158 = arith.extui %eq3A_157 : i1 to i32
    %cond3A_159 = arith.constant 0 : i32
    %cond3A_160 = arith.cmpi ne, %convert_element_type3A_158, %cond3A_159 : i32
    scf.if %cond3A_160 {
      "tpu.region"() ({
        %run_scoped3A = tpu.sem_alloc : memref<!tpu.dma_semaphore, #tpu.memory_space<semaphore_mem>>
        %dma_start3A_166 = arith.constant 32054272 : i32
        %dma_start3A_167 = tpu.memref_slice %arg4[%dma_start3A_166] : memref<32064512xf32, #tpu.memory_space<hbm>> -> memref<5120xf32, #tpu.memory_space<hbm>>
        %dma_start3A_168 = arith.constant 56320 : i32
        %dma_start3A_169 = tpu.memref_slice %arg3[%dma_start3A_168] : memref<66560xf32, #tpu.memory_space<hbm>> -> memref<5120xf32, #tpu.memory_space<hbm>>
        tpu.enqueue_dma source(%dma_start3A_169 : memref<5120xf32, #tpu.memory_space<hbm>>) target(%dma_start3A_167 : memref<5120xf32, #tpu.memory_space<hbm>>) target_semaphore(%run_scoped3A : memref<!tpu.dma_semaphore, #tpu.memory_space<semaphore_mem>>)
        %dma_wait3A = arith.constant 32054272 : i32
        %dma_wait3A_170 = tpu.memref_slice %arg4[%dma_wait3A] : memref<32064512xf32, #tpu.memory_space<hbm>> -> memref<5120xf32, #tpu.memory_space<hbm>>
        %dma_wait3A_171 = arith.constant 56320 : i32
        %dma_wait3A_172 = tpu.memref_slice %arg3[%dma_wait3A_171] : memref<66560xf32, #tpu.memory_space<hbm>> -> memref<5120xf32, #tpu.memory_space<hbm>>
        tpu.wait_dma2 semaphore(%run_scoped3A : memref<!tpu.dma_semaphore, #tpu.memory_space<semaphore_mem>>) src(%dma_wait3A_172 : memref<5120xf32, #tpu.memory_space<hbm>>) dst(%dma_wait3A_170 : memref<5120xf32, #tpu.memory_space<hbm>>)
        tpu.yield
      }) : () -> ()
    } else {
    }
    %eq3A_161 = arith.constant 24 : i32
    %eq3A_162 = arith.cmpi eq, %add3A, %eq3A_161 : i32
    %convert_element_type3A_163 = arith.extui %eq3A_162 : i1 to i32
    %cond3A_164 = arith.constant 0 : i32
    %cond3A_165 = arith.cmpi ne, %convert_element_type3A_163, %cond3A_164 : i32
    scf.if %cond3A_165 {
      "tpu.region"() ({
        %run_scoped3A = tpu.sem_alloc : memref<!tpu.dma_semaphore, #tpu.memory_space<semaphore_mem>>
        %dma_start3A_166 = arith.constant 32059392 : i32
        %dma_start3A_167 = tpu.memref_slice %arg4[%dma_start3A_166] : memref<32064512xf32, #tpu.memory_space<hbm>> -> memref<5120xf32, #tpu.memory_space<hbm>>
        %dma_start3A_168 = arith.constant 61440 : i32
        %dma_start3A_169 = tpu.memref_slice %arg3[%dma_start3A_168] : memref<66560xf32, #tpu.memory_space<hbm>> -> memref<5120xf32, #tpu.memory_space<hbm>>
        tpu.enqueue_dma source(%dma_start3A_169 : memref<5120xf32, #tpu.memory_space<hbm>>) target(%dma_start3A_167 : memref<5120xf32, #tpu.memory_space<hbm>>) target_semaphore(%run_scoped3A : memref<!tpu.dma_semaphore, #tpu.memory_space<semaphore_mem>>)
        %dma_wait3A = arith.constant 32059392 : i32
        %dma_wait3A_170 = tpu.memref_slice %arg4[%dma_wait3A] : memref<32064512xf32, #tpu.memory_space<hbm>> -> memref<5120xf32, #tpu.memory_space<hbm>>
        %dma_wait3A_171 = arith.constant 61440 : i32
        %dma_wait3A_172 = tpu.memref_slice %arg3[%dma_wait3A_171] : memref<66560xf32, #tpu.memory_space<hbm>> -> memref<5120xf32, #tpu.memory_space<hbm>>
        tpu.wait_dma2 semaphore(%run_scoped3A : memref<!tpu.dma_semaphore, #tpu.memory_space<semaphore_mem>>) src(%dma_wait3A_172 : memref<5120xf32, #tpu.memory_space<hbm>>) dst(%dma_wait3A_170 : memref<5120xf32, #tpu.memory_space<hbm>>)
        tpu.yield
      }) : () -> ()
    } else {
    }
    return
  }
}

#map = affine_map<(d0, d1) -> (0, 0)>
#map1 = affine_map<(d0, d1) -> (0, 0, 0, 0)>
module attributes {stable_mosaic.version = 14 : i64} {
  func.func @_g_body(%arg0: i32, %arg1: i32, %arg2: memref<4096x200xi32, #tpu.memory_space<hbm>>, %arg3: memref<1002016x32xf32, #tpu.memory_space<hbm>>, %arg4: memref<200x4x32x1024xf32, #tpu.memory_space<hbm>>, %arg5: memref<128x200xi32, #tpu.memory_space<vmem>>, %arg6: memref<2x8x128xi32, #tpu.memory_space<vmem>>, %arg7: memref<2x8x128x32xf32, #tpu.memory_space<vmem>>, %arg8: memref<2x4x1x1024xf32, #tpu.memory_space<vmem>>, %arg9: memref<!tpu.dma_semaphore, #tpu.memory_space<semaphore_mem>>, %arg10: memref<!tpu.dma_semaphore, #tpu.memory_space<semaphore_mem>>, %arg11: memref<!tpu.dma_semaphore, #tpu.memory_space<semaphore_mem>>) attributes {dimension_semantics = [#tpu.dimension_semantics<core_parallel>, #tpu.dimension_semantics<subcore_parallel>], iteration_bounds = array<i64: 2, 16>, scalar_prefetch = 0 : i64, scratch_operands = 7 : i64, tpu.core_type = #tpu.core_type<sc_vector_subcore>, window_params = [{transform_indices = #map}, {transform_indices = #map}, {transform_indices = #map1}]} {
    %mul3A = arith.constant 2 : i32
    %mul3A_0 = arith.muli %arg1, %mul3A : i32
    %add3A = arith.addi %mul3A_0, %arg0 : i32
    %mul3A_1 = arith.constant 128 : i32
    %mul3A_2 = arith.muli %add3A, %mul3A_1 : i32
    %iota3A = tpu.iota {dimensions = array<i32: 0>} : vector<16xi32>
    %mul3A_3 = arith.constant 128 : i32
    %mul3A_4 = vector.broadcast %mul3A_3 : i32 to vector<16xi32>
    %mul3A_5 = arith.muli %iota3A, %mul3A_4 : vector<16xi32>
    "tpu.region"() ({
      %run_scoped3A = tpu.sem_alloc : memref<!tpu.dma_semaphore, #tpu.memory_space<semaphore_mem>>
      %dma_start3A_164 = arith.constant 0 : i32
      %dma_start3A_165 = tpu.memref_slice %arg2[%mul3A_2, %dma_start3A_164] : memref<4096x200xi32, #tpu.memory_space<hbm>> -> memref<128x200xi32, #tpu.memory_space<hbm>>
      %dma_start3A_166 = arith.constant 0 : i32
      %dma_start3A_167 = tpu.memref_slice %arg2[%mul3A_2, %dma_start3A_166] : memref<4096x200xi32, #tpu.memory_space<hbm>> -> memref<128x200xi32, #tpu.memory_space<hbm>>
      tpu.enqueue_dma source(%dma_start3A_167 : memref<128x200xi32, #tpu.memory_space<hbm>>) target(%arg5 : memref<128x200xi32, #tpu.memory_space<vmem>>) target_semaphore(%run_scoped3A : memref<!tpu.dma_semaphore, #tpu.memory_space<semaphore_mem>>)
      %dma_wait3A_168 = arith.constant 0 : i32
      %dma_wait3A_169 = tpu.memref_slice %arg2[%mul3A_2, %dma_wait3A_168] : memref<4096x200xi32, #tpu.memory_space<hbm>> -> memref<128x200xi32, #tpu.memory_space<hbm>>
      %dma_wait3A_170 = arith.constant 0 : i32
      %dma_wait3A_171 = tpu.memref_slice %arg2[%mul3A_2, %dma_wait3A_170] : memref<4096x200xi32, #tpu.memory_space<hbm>> -> memref<128x200xi32, #tpu.memory_space<hbm>>
      tpu.wait_dma2 semaphore(%run_scoped3A : memref<!tpu.dma_semaphore, #tpu.memory_space<semaphore_mem>>) src(%dma_wait3A_171 : memref<128x200xi32, #tpu.memory_space<hbm>>) dst(%arg5 : memref<128x200xi32, #tpu.memory_space<vmem>>)
      tpu.yield
    }) : () -> ()
    %parallel_loop3A = arith.constant 0 : i32
    %parallel_loop3A_6 = arith.constant 64 : i32
    %parallel_loop3A_7 = arith.constant 1 : i32
    scf.for %parallel_loop3A_164 = %parallel_loop3A to %parallel_loop3A_6 step %parallel_loop3A_7  : i32 {
      %parallel_loop3A_165 = arith.constant 8 : i32
      %parallel_loop3A_166 = arith.divsi %parallel_loop3A_164, %parallel_loop3A_165 : i32
      %parallel_loop3A_167 = arith.constant 0 : i32
      %parallel_loop3A_168 = arith.cmpi sgt, %parallel_loop3A_164, %parallel_loop3A_167 : i32
      %parallel_loop3A_169 = arith.extui %parallel_loop3A_168 : i1 to i32
      %parallel_loop3A_170 = arith.constant 0 : i32
      %parallel_loop3A_171 = arith.cmpi slt, %parallel_loop3A_164, %parallel_loop3A_170 : i32
      %parallel_loop3A_172 = arith.extui %parallel_loop3A_171 : i1 to i32
      %parallel_loop3A_173 = arith.subi %parallel_loop3A_169, %parallel_loop3A_172 : i32
      %parallel_loop3A_174 = arith.constant 0 : i32
      %parallel_loop3A_175 = arith.cmpi sgt, %parallel_loop3A_165, %parallel_loop3A_174 : i32
      %parallel_loop3A_176 = arith.extui %parallel_loop3A_175 : i1 to i32
      %parallel_loop3A_177 = arith.constant 0 : i32
      %parallel_loop3A_178 = arith.cmpi slt, %parallel_loop3A_165, %parallel_loop3A_177 : i32
      %parallel_loop3A_179 = arith.extui %parallel_loop3A_178 : i1 to i32
      %parallel_loop3A_180 = arith.subi %parallel_loop3A_176, %parallel_loop3A_179 : i32
      %parallel_loop3A_181 = arith.cmpi ne, %parallel_loop3A_173, %parallel_loop3A_180 : i32
      %parallel_loop3A_182 = arith.remsi %parallel_loop3A_164, %parallel_loop3A_165 : i32
      %parallel_loop3A_183 = arith.constant 0 : i32
      %parallel_loop3A_184 = arith.cmpi ne, %parallel_loop3A_182, %parallel_loop3A_183 : i32
      %parallel_loop3A_185 = arith.andi %parallel_loop3A_181, %parallel_loop3A_184 : i1
      %parallel_loop3A_186 = arith.constant 1 : i32
      %parallel_loop3A_187 = arith.subi %parallel_loop3A_166, %parallel_loop3A_186 : i32
      %parallel_loop3A_188 = arith.select %parallel_loop3A_185, %parallel_loop3A_187, %parallel_loop3A_166 : i32
      %parallel_loop3A_189 = arith.constant 8 : i32
      %parallel_loop3A_190 = arith.constant 0 : i32
      %parallel_loop3A_191 = arith.cmpi eq, %parallel_loop3A_189, %parallel_loop3A_190 : i32
      %parallel_loop3A_192 = arith.constant 1 : i32
      %parallel_loop3A_193 = arith.select %parallel_loop3A_191, %parallel_loop3A_192, %parallel_loop3A_189 : i32
      %parallel_loop3A_194 = arith.remsi %parallel_loop3A_164, %parallel_loop3A_193 : i32
      %parallel_loop3A_195 = arith.constant 0 : i32
      %parallel_loop3A_196 = arith.cmpi ne, %parallel_loop3A_194, %parallel_loop3A_195 : i32
      %parallel_loop3A_197 = arith.constant 0 : i32
      %parallel_loop3A_198 = arith.cmpi slt, %parallel_loop3A_194, %parallel_loop3A_197 : i32
      %parallel_loop3A_199 = arith.constant 0 : i32
      %parallel_loop3A_200 = arith.cmpi slt, %parallel_loop3A_193, %parallel_loop3A_199 : i32
      %parallel_loop3A_201 = arith.xori %parallel_loop3A_198, %parallel_loop3A_200 : i1
      %parallel_loop3A_202 = arith.andi %parallel_loop3A_201, %parallel_loop3A_196 : i1
      %parallel_loop3A_203 = arith.addi %parallel_loop3A_194, %parallel_loop3A_193 : i32
      %parallel_loop3A_204 = arith.select %parallel_loop3A_202, %parallel_loop3A_203, %parallel_loop3A_194 : i32
      %parallel_loop3A_205 = arith.constant 0 : i32
      %parallel_loop3A_206 = vector.broadcast %parallel_loop3A_205 : i32 to vector<16xi32>
      %parallel_loop3A_207 = arith.constant 0 : i32
      %parallel_loop3A_208 = arith.addi %parallel_loop3A_207, %parallel_loop3A_188 : i32
      %parallel_loop3A_209 = vector.broadcast %parallel_loop3A_208 : i32 to vector<16xi32>
      %parallel_loop3A_210 = arith.addi %parallel_loop3A_206, %parallel_loop3A_209 : vector<16xi32>
      %parallel_loop3A_211 = arith.constant 16 : i32
      %parallel_loop3A_212 = arith.muli %parallel_loop3A_204, %parallel_loop3A_211 : i32
      %parallel_loop3A_213 = vector.broadcast %parallel_loop3A_212 : i32 to vector<16xi32>
      %parallel_loop3A_214 = arith.addi %parallel_loop3A_213, %iota3A : vector<16xi32>
      %parallel_loop3A_215 = tpu.vector_load_idx %arg5[%parallel_loop3A_214, %parallel_loop3A_210] : memref<128x200xi32, #tpu.memory_space<vmem>>[vector<16xi32>, vector<16xi32>], vector<16xi32>,
      %parallel_loop3A_216 = arith.constant 16 : i32
      %parallel_loop3A_217 = arith.muli %parallel_loop3A_204, %parallel_loop3A_216 : i32
      %parallel_loop3A_218 = arith.constant 0 : i32
      %parallel_loop3A_219 = arith.index_cast %parallel_loop3A_218 : i32 to index
      %parallel_loop3A_220 = arith.index_cast %parallel_loop3A_188 : i32 to index
      %parallel_loop3A_221 = arith.index_cast %parallel_loop3A_217 : i32 to index
      %parallel_loop3A_222 = tpu.vector_load %arg6[%parallel_loop3A_219, %parallel_loop3A_220, %parallel_loop3A_221] {strides = array<i32>} : memref<2x8x128xi32, #tpu.memory_space<vmem>>, vector<16xi32>,
      tpu.vector_store %arg6[%parallel_loop3A_219, %parallel_loop3A_220, %parallel_loop3A_221], %parallel_loop3A_215 {strides = array<i32>} : memref<2x8x128xi32, #tpu.memory_space<vmem>>, vector<16xi32>,
    } {sc.loop_unroll_factor = 8 : i64, sc.parallel_access}
    %dma_start3A = arith.constant 0 : i32
    %dma_start3A_8 = arith.constant 0 : i32
    %dma_start3A_9 = arith.constant 0 : i32
    %dma_start3A_10 = arith.constant 0 : i32
    %dma_start3A_11 = arith.constant 0 : i32
    %dma_start3A_12 = arith.constant 0 : i32
    %dma_start3A_13 = tpu.memref_slice %arg7[%dma_start3A_9, %dma_start3A_10, %dma_start3A_11, %dma_start3A_12] : memref<2x8x128x32xf32, #tpu.memory_space<vmem>> -> memref<1x1x128x32xf32, #tpu.memory_space<vmem>>
    %dma_start3A_14 = tpu.memref_squeeze %dma_start3A_13 : memref<1x1x128x32xf32, #tpu.memory_space<vmem>> -> memref<128x32xf32, #tpu.memory_space<vmem>>
    %dma_start3A_15 = arith.constant 0 : i32
    %dma_start3A_16 = tpu.memref_slice %arg6[%dma_start3A, %dma_start3A_8, %dma_start3A_15] : memref<2x8x128xi32, #tpu.memory_space<vmem>> -> memref<1x1x128xi32, #tpu.memory_space<vmem>>
    %dma_start3A_17 = tpu.memref_squeeze %dma_start3A_16 : memref<1x1x128xi32, #tpu.memory_space<vmem>> -> memref<128xi32, #tpu.memory_space<vmem>>
    %dma_start3A_18 = arith.constant 0 : i32
    %dma_start3A_19 = arith.constant 0 : i32
    %dma_start3A_20 = tpu.memref_slice %arg3[%dma_start3A_18, %dma_start3A_19] : memref<1002016x32xf32, #tpu.memory_space<hbm>> -> memref<1002016x32xf32, #tpu.memory_space<hbm>>
    tpu.enqueue_indirect_dma source(%dma_start3A_20 : memref<1002016x32xf32, #tpu.memory_space<hbm>>) target(%dma_start3A_14 : memref<128x32xf32, #tpu.memory_space<vmem>>) offsets(%dma_start3A_17 : memref<128xi32, #tpu.memory_space<vmem>>) semaphore(%arg9 : memref<!tpu.dma_semaphore, #tpu.memory_space<semaphore_mem>>)
    %dma_start3A_21 = arith.constant 0 : i32
    %dma_start3A_22 = arith.constant 1 : i32
    %dma_start3A_23 = arith.constant 0 : i32
    %dma_start3A_24 = arith.constant 1 : i32
    %dma_start3A_25 = arith.constant 0 : i32
    %dma_start3A_26 = arith.constant 0 : i32
    %dma_start3A_27 = tpu.memref_slice %arg7[%dma_start3A_23, %dma_start3A_24, %dma_start3A_25, %dma_start3A_26] : memref<2x8x128x32xf32, #tpu.memory_space<vmem>> -> memref<1x1x128x32xf32, #tpu.memory_space<vmem>>
    %dma_start3A_28 = tpu.memref_squeeze %dma_start3A_27 : memref<1x1x128x32xf32, #tpu.memory_space<vmem>> -> memref<128x32xf32, #tpu.memory_space<vmem>>
    %dma_start3A_29 = arith.constant 0 : i32
    %dma_start3A_30 = tpu.memref_slice %arg6[%dma_start3A_21, %dma_start3A_22, %dma_start3A_29] : memref<2x8x128xi32, #tpu.memory_space<vmem>> -> memref<1x1x128xi32, #tpu.memory_space<vmem>>
    %dma_start3A_31 = tpu.memref_squeeze %dma_start3A_30 : memref<1x1x128xi32, #tpu.memory_space<vmem>> -> memref<128xi32, #tpu.memory_space<vmem>>
    %dma_start3A_32 = arith.constant 0 : i32
    %dma_start3A_33 = arith.constant 0 : i32
    %dma_start3A_34 = tpu.memref_slice %arg3[%dma_start3A_32, %dma_start3A_33] : memref<1002016x32xf32, #tpu.memory_space<hbm>> -> memref<1002016x32xf32, #tpu.memory_space<hbm>>
    tpu.enqueue_indirect_dma source(%dma_start3A_34 : memref<1002016x32xf32, #tpu.memory_space<hbm>>) target(%dma_start3A_28 : memref<128x32xf32, #tpu.memory_space<vmem>>) offsets(%dma_start3A_31 : memref<128xi32, #tpu.memory_space<vmem>>) semaphore(%arg9 : memref<!tpu.dma_semaphore, #tpu.memory_space<semaphore_mem>>)
    %dma_start3A_35 = arith.constant 0 : i32
    %dma_start3A_36 = arith.constant 2 : i32
    %dma_start3A_37 = arith.constant 0 : i32
    %dma_start3A_38 = arith.constant 2 : i32
    %dma_start3A_39 = arith.constant 0 : i32
    %dma_start3A_40 = arith.constant 0 : i32
    %dma_start3A_41 = tpu.memref_slice %arg7[%dma_start3A_37, %dma_start3A_38, %dma_start3A_39, %dma_start3A_40] : memref<2x8x128x32xf32, #tpu.memory_space<vmem>> -> memref<1x1x128x32xf32, #tpu.memory_space<vmem>>
    %dma_start3A_42 = tpu.memref_squeeze %dma_start3A_41 : memref<1x1x128x32xf32, #tpu.memory_space<vmem>> -> memref<128x32xf32, #tpu.memory_space<vmem>>
    %dma_start3A_43 = arith.constant 0 : i32
    %dma_start3A_44 = tpu.memref_slice %arg6[%dma_start3A_35, %dma_start3A_36, %dma_start3A_43] : memref<2x8x128xi32, #tpu.memory_space<vmem>> -> memref<1x1x128xi32, #tpu.memory_space<vmem>>
    %dma_start3A_45 = tpu.memref_squeeze %dma_start3A_44 : memref<1x1x128xi32, #tpu.memory_space<vmem>> -> memref<128xi32, #tpu.memory_space<vmem>>
    %dma_start3A_46 = arith.constant 0 : i32
    %dma_start3A_47 = arith.constant 0 : i32
    %dma_start3A_48 = tpu.memref_slice %arg3[%dma_start3A_46, %dma_start3A_47] : memref<1002016x32xf32, #tpu.memory_space<hbm>> -> memref<1002016x32xf32, #tpu.memory_space<hbm>>
    tpu.enqueue_indirect_dma source(%dma_start3A_48 : memref<1002016x32xf32, #tpu.memory_space<hbm>>) target(%dma_start3A_42 : memref<128x32xf32, #tpu.memory_space<vmem>>) offsets(%dma_start3A_45 : memref<128xi32, #tpu.memory_space<vmem>>) semaphore(%arg9 : memref<!tpu.dma_semaphore, #tpu.memory_space<semaphore_mem>>)
    %dma_start3A_49 = arith.constant 0 : i32
    %dma_start3A_50 = arith.constant 3 : i32
    %dma_start3A_51 = arith.constant 0 : i32
    %dma_start3A_52 = arith.constant 3 : i32
    %dma_start3A_53 = arith.constant 0 : i32
    %dma_start3A_54 = arith.constant 0 : i32
    %dma_start3A_55 = tpu.memref_slice %arg7[%dma_start3A_51, %dma_start3A_52, %dma_start3A_53, %dma_start3A_54] : memref<2x8x128x32xf32, #tpu.memory_space<vmem>> -> memref<1x1x128x32xf32, #tpu.memory_space<vmem>>
    %dma_start3A_56 = tpu.memref_squeeze %dma_start3A_55 : memref<1x1x128x32xf32, #tpu.memory_space<vmem>> -> memref<128x32xf32, #tpu.memory_space<vmem>>
    %dma_start3A_57 = arith.constant 0 : i32
    %dma_start3A_58 = tpu.memref_slice %arg6[%dma_start3A_49, %dma_start3A_50, %dma_start3A_57] : memref<2x8x128xi32, #tpu.memory_space<vmem>> -> memref<1x1x128xi32, #tpu.memory_space<vmem>>
    %dma_start3A_59 = tpu.memref_squeeze %dma_start3A_58 : memref<1x1x128xi32, #tpu.memory_space<vmem>> -> memref<128xi32, #tpu.memory_space<vmem>>
    %dma_start3A_60 = arith.constant 0 : i32
    %dma_start3A_61 = arith.constant 0 : i32
    %dma_start3A_62 = tpu.memref_slice %arg3[%dma_start3A_60, %dma_start3A_61] : memref<1002016x32xf32, #tpu.memory_space<hbm>> -> memref<1002016x32xf32, #tpu.memory_space<hbm>>
    tpu.enqueue_indirect_dma source(%dma_start3A_62 : memref<1002016x32xf32, #tpu.memory_space<hbm>>) target(%dma_start3A_56 : memref<128x32xf32, #tpu.memory_space<vmem>>) offsets(%dma_start3A_59 : memref<128xi32, #tpu.memory_space<vmem>>) semaphore(%arg9 : memref<!tpu.dma_semaphore, #tpu.memory_space<semaphore_mem>>)
    %dma_start3A_63 = arith.constant 0 : i32
    %dma_start3A_64 = arith.constant 4 : i32
    %dma_start3A_65 = arith.constant 0 : i32
    %dma_start3A_66 = arith.constant 4 : i32
    %dma_start3A_67 = arith.constant 0 : i32
    %dma_start3A_68 = arith.constant 0 : i32
    %dma_start3A_69 = tpu.memref_slice %arg7[%dma_start3A_65, %dma_start3A_66, %dma_start3A_67, %dma_start3A_68] : memref<2x8x128x32xf32, #tpu.memory_space<vmem>> -> memref<1x1x128x32xf32, #tpu.memory_space<vmem>>
    %dma_start3A_70 = tpu.memref_squeeze %dma_start3A_69 : memref<1x1x128x32xf32, #tpu.memory_space<vmem>> -> memref<128x32xf32, #tpu.memory_space<vmem>>
    %dma_start3A_71 = arith.constant 0 : i32
    %dma_start3A_72 = tpu.memref_slice %arg6[%dma_start3A_63, %dma_start3A_64, %dma_start3A_71] : memref<2x8x128xi32, #tpu.memory_space<vmem>> -> memref<1x1x128xi32, #tpu.memory_space<vmem>>
    %dma_start3A_73 = tpu.memref_squeeze %dma_start3A_72 : memref<1x1x128xi32, #tpu.memory_space<vmem>> -> memref<128xi32, #tpu.memory_space<vmem>>
    %dma_start3A_74 = arith.constant 0 : i32
    %dma_start3A_75 = arith.constant 0 : i32
    %dma_start3A_76 = tpu.memref_slice %arg3[%dma_start3A_74, %dma_start3A_75] : memref<1002016x32xf32, #tpu.memory_space<hbm>> -> memref<1002016x32xf32, #tpu.memory_space<hbm>>
    tpu.enqueue_indirect_dma source(%dma_start3A_76 : memref<1002016x32xf32, #tpu.memory_space<hbm>>) target(%dma_start3A_70 : memref<128x32xf32, #tpu.memory_space<vmem>>) offsets(%dma_start3A_73 : memref<128xi32, #tpu.memory_space<vmem>>) semaphore(%arg9 : memref<!tpu.dma_semaphore, #tpu.memory_space<semaphore_mem>>)
    %dma_start3A_77 = arith.constant 0 : i32
    %dma_start3A_78 = arith.constant 5 : i32
    %dma_start3A_79 = arith.constant 0 : i32
    %dma_start3A_80 = arith.constant 5 : i32
    %dma_start3A_81 = arith.constant 0 : i32
    %dma_start3A_82 = arith.constant 0 : i32
    %dma_start3A_83 = tpu.memref_slice %arg7[%dma_start3A_79, %dma_start3A_80, %dma_start3A_81, %dma_start3A_82] : memref<2x8x128x32xf32, #tpu.memory_space<vmem>> -> memref<1x1x128x32xf32, #tpu.memory_space<vmem>>
    %dma_start3A_84 = tpu.memref_squeeze %dma_start3A_83 : memref<1x1x128x32xf32, #tpu.memory_space<vmem>> -> memref<128x32xf32, #tpu.memory_space<vmem>>
    %dma_start3A_85 = arith.constant 0 : i32
    %dma_start3A_86 = tpu.memref_slice %arg6[%dma_start3A_77, %dma_start3A_78, %dma_start3A_85] : memref<2x8x128xi32, #tpu.memory_space<vmem>> -> memref<1x1x128xi32, #tpu.memory_space<vmem>>
    %dma_start3A_87 = tpu.memref_squeeze %dma_start3A_86 : memref<1x1x128xi32, #tpu.memory_space<vmem>> -> memref<128xi32, #tpu.memory_space<vmem>>
    %dma_start3A_88 = arith.constant 0 : i32
    %dma_start3A_89 = arith.constant 0 : i32
    %dma_start3A_90 = tpu.memref_slice %arg3[%dma_start3A_88, %dma_start3A_89] : memref<1002016x32xf32, #tpu.memory_space<hbm>> -> memref<1002016x32xf32, #tpu.memory_space<hbm>>
    tpu.enqueue_indirect_dma source(%dma_start3A_90 : memref<1002016x32xf32, #tpu.memory_space<hbm>>) target(%dma_start3A_84 : memref<128x32xf32, #tpu.memory_space<vmem>>) offsets(%dma_start3A_87 : memref<128xi32, #tpu.memory_space<vmem>>) semaphore(%arg9 : memref<!tpu.dma_semaphore, #tpu.memory_space<semaphore_mem>>)
    %dma_start3A_91 = arith.constant 0 : i32
    %dma_start3A_92 = arith.constant 6 : i32
    %dma_start3A_93 = arith.constant 0 : i32
    %dma_start3A_94 = arith.constant 6 : i32
    %dma_start3A_95 = arith.constant 0 : i32
    %dma_start3A_96 = arith.constant 0 : i32
    %dma_start3A_97 = tpu.memref_slice %arg7[%dma_start3A_93, %dma_start3A_94, %dma_start3A_95, %dma_start3A_96] : memref<2x8x128x32xf32, #tpu.memory_space<vmem>> -> memref<1x1x128x32xf32, #tpu.memory_space<vmem>>
    %dma_start3A_98 = tpu.memref_squeeze %dma_start3A_97 : memref<1x1x128x32xf32, #tpu.memory_space<vmem>> -> memref<128x32xf32, #tpu.memory_space<vmem>>
    %dma_start3A_99 = arith.constant 0 : i32
    %dma_start3A_100 = tpu.memref_slice %arg6[%dma_start3A_91, %dma_start3A_92, %dma_start3A_99] : memref<2x8x128xi32, #tpu.memory_space<vmem>> -> memref<1x1x128xi32, #tpu.memory_space<vmem>>
    %dma_start3A_101 = tpu.memref_squeeze %dma_start3A_100 : memref<1x1x128xi32, #tpu.memory_space<vmem>> -> memref<128xi32, #tpu.memory_space<vmem>>
    %dma_start3A_102 = arith.constant 0 : i32
    %dma_start3A_103 = arith.constant 0 : i32
    %dma_start3A_104 = tpu.memref_slice %arg3[%dma_start3A_102, %dma_start3A_103] : memref<1002016x32xf32, #tpu.memory_space<hbm>> -> memref<1002016x32xf32, #tpu.memory_space<hbm>>
    tpu.enqueue_indirect_dma source(%dma_start3A_104 : memref<1002016x32xf32, #tpu.memory_space<hbm>>) target(%dma_start3A_98 : memref<128x32xf32, #tpu.memory_space<vmem>>) offsets(%dma_start3A_101 : memref<128xi32, #tpu.memory_space<vmem>>) semaphore(%arg9 : memref<!tpu.dma_semaphore, #tpu.memory_space<semaphore_mem>>)
    %dma_start3A_105 = arith.constant 0 : i32
    %dma_start3A_106 = arith.constant 7 : i32
    %dma_start3A_107 = arith.constant 0 : i32
    %dma_start3A_108 = arith.constant 7 : i32
    %dma_start3A_109 = arith.constant 0 : i32
    %dma_start3A_110 = arith.constant 0 : i32
    %dma_start3A_111 = tpu.memref_slice %arg7[%dma_start3A_107, %dma_start3A_108, %dma_start3A_109, %dma_start3A_110] : memref<2x8x128x32xf32, #tpu.memory_space<vmem>> -> memref<1x1x128x32xf32, #tpu.memory_space<vmem>>
    %dma_start3A_112 = tpu.memref_squeeze %dma_start3A_111 : memref<1x1x128x32xf32, #tpu.memory_space<vmem>> -> memref<128x32xf32, #tpu.memory_space<vmem>>
    %dma_start3A_113 = arith.constant 0 : i32
    %dma_start3A_114 = tpu.memref_slice %arg6[%dma_start3A_105, %dma_start3A_106, %dma_start3A_113] : memref<2x8x128xi32, #tpu.memory_space<vmem>> -> memref<1x1x128xi32, #tpu.memory_space<vmem>>
    %dma_start3A_115 = tpu.memref_squeeze %dma_start3A_114 : memref<1x1x128xi32, #tpu.memory_space<vmem>> -> memref<128xi32, #tpu.memory_space<vmem>>
    %dma_start3A_116 = arith.constant 0 : i32
    %dma_start3A_117 = arith.constant 0 : i32
    %dma_start3A_118 = tpu.memref_slice %arg3[%dma_start3A_116, %dma_start3A_117] : memref<1002016x32xf32, #tpu.memory_space<hbm>> -> memref<1002016x32xf32, #tpu.memory_space<hbm>>
    tpu.enqueue_indirect_dma source(%dma_start3A_118 : memref<1002016x32xf32, #tpu.memory_space<hbm>>) target(%dma_start3A_112 : memref<128x32xf32, #tpu.memory_space<vmem>>) offsets(%dma_start3A_115 : memref<128xi32, #tpu.memory_space<vmem>>) semaphore(%arg9 : memref<!tpu.dma_semaphore, #tpu.memory_space<semaphore_mem>>)
    %scan3A = arith.constant 0 : i32
    %scan3A_119 = arith.constant 0 : i32
    %scan3A_120 = arith.constant 13 : i32
    %scan3A_121 = arith.addi %scan3A_119, %scan3A_120 : i32
    %scan3A_122 = arith.constant 1 : i32
    %scan3A_123 = scf.for %scan3A_164 = %scan3A_119 to %scan3A_121 step %scan3A_122 iter_args(%scan3A_165 = %scan3A) -> (i32)  : i32 {
      %mul3A_166 = arith.constant 2 : i32
      %mul3A_167 = arith.muli %scan3A_164, %mul3A_166 : i32
      %add3A_168 = arith.constant 0 : i32
      %add3A_169 = arith.addi %mul3A_167, %add3A_168 : i32
      %lt3A = arith.constant 25 : i32
      %lt3A_170 = arith.cmpi slt, %add3A_169, %lt3A : i32
      %convert_element_type3A = arith.extui %lt3A_170 : i1 to i32
      %cond3A = arith.constant 0 : i32
      %cond3A_171 = arith.cmpi ne, %convert_element_type3A, %cond3A : i32
      scf.if %cond3A_171 {
        %add3A_182 = arith.constant 1 : i32
        %add3A_183 = arith.addi %add3A_169, %add3A_182 : i32
        %lt3A_184 = arith.constant 25 : i32
        %lt3A_185 = arith.cmpi slt, %add3A_183, %lt3A_184 : i32
        %convert_element_type3A_186 = arith.extui %lt3A_185 : i1 to i32
        %cond3A_187 = arith.constant 0 : i32
        %cond3A_188 = arith.cmpi ne, %convert_element_type3A_186, %cond3A_187 : i32
        scf.if %cond3A_188 {
          %add3A_308 = arith.constant 1 : i32
          %add3A_309 = arith.addi %add3A_169, %add3A_308 : i32
          %parallel_loop3A_310 = arith.constant 0 : i32
          %parallel_loop3A_311 = arith.constant 64 : i32
          %parallel_loop3A_312 = arith.constant 1 : i32
          scf.for %parallel_loop3A_425 = %parallel_loop3A_310 to %parallel_loop3A_311 step %parallel_loop3A_312  : i32 {
            %parallel_loop3A_426 = arith.constant 8 : i32
            %parallel_loop3A_427 = arith.divsi %parallel_loop3A_425, %parallel_loop3A_426 : i32
            %parallel_loop3A_428 = arith.constant 0 : i32
            %parallel_loop3A_429 = arith.cmpi sgt, %parallel_loop3A_425, %parallel_loop3A_428 : i32
            %parallel_loop3A_430 = arith.extui %parallel_loop3A_429 : i1 to i32
            %parallel_loop3A_431 = arith.constant 0 : i32
            %parallel_loop3A_432 = arith.cmpi slt, %parallel_loop3A_425, %parallel_loop3A_431 : i32
            %parallel_loop3A_433 = arith.extui %parallel_loop3A_432 : i1 to i32
            %parallel_loop3A_434 = arith.subi %parallel_loop3A_430, %parallel_loop3A_433 : i32
            %parallel_loop3A_435 = arith.constant 0 : i32
            %parallel_loop3A_436 = arith.cmpi sgt, %parallel_loop3A_426, %parallel_loop3A_435 : i32
            %parallel_loop3A_437 = arith.extui %parallel_loop3A_436 : i1 to i32
            %parallel_loop3A_438 = arith.constant 0 : i32
            %parallel_loop3A_439 = arith.cmpi slt, %parallel_loop3A_426, %parallel_loop3A_438 : i32
            %parallel_loop3A_440 = arith.extui %parallel_loop3A_439 : i1 to i32
            %parallel_loop3A_441 = arith.subi %parallel_loop3A_437, %parallel_loop3A_440 : i32
            %parallel_loop3A_442 = arith.cmpi ne, %parallel_loop3A_434, %parallel_loop3A_441 : i32
            %parallel_loop3A_443 = arith.remsi %parallel_loop3A_425, %parallel_loop3A_426 : i32
            %parallel_loop3A_444 = arith.constant 0 : i32
            %parallel_loop3A_445 = arith.cmpi ne, %parallel_loop3A_443, %parallel_loop3A_444 : i32
            %parallel_loop3A_446 = arith.andi %parallel_loop3A_442, %parallel_loop3A_445 : i1
            %parallel_loop3A_447 = arith.constant 1 : i32
            %parallel_loop3A_448 = arith.subi %parallel_loop3A_427, %parallel_loop3A_447 : i32
            %parallel_loop3A_449 = arith.select %parallel_loop3A_446, %parallel_loop3A_448, %parallel_loop3A_427 : i32
            %parallel_loop3A_450 = arith.constant 8 : i32
            %parallel_loop3A_451 = arith.constant 0 : i32
            %parallel_loop3A_452 = arith.cmpi eq, %parallel_loop3A_450, %parallel_loop3A_451 : i32
            %parallel_loop3A_453 = arith.constant 1 : i32
            %parallel_loop3A_454 = arith.select %parallel_loop3A_452, %parallel_loop3A_453, %parallel_loop3A_450 : i32
            %parallel_loop3A_455 = arith.remsi %parallel_loop3A_425, %parallel_loop3A_454 : i32
            %parallel_loop3A_456 = arith.constant 0 : i32
            %parallel_loop3A_457 = arith.cmpi ne, %parallel_loop3A_455, %parallel_loop3A_456 : i32
            %parallel_loop3A_458 = arith.constant 0 : i32
            %parallel_loop3A_459 = arith.cmpi slt, %parallel_loop3A_455, %parallel_loop3A_458 : i32
            %parallel_loop3A_460 = arith.constant 0 : i32
            %parallel_loop3A_461 = arith.cmpi slt, %parallel_loop3A_454, %parallel_loop3A_460 : i32
            %parallel_loop3A_462 = arith.xori %parallel_loop3A_459, %parallel_loop3A_461 : i1
            %parallel_loop3A_463 = arith.andi %parallel_loop3A_462, %parallel_loop3A_457 : i1
            %parallel_loop3A_464 = arith.addi %parallel_loop3A_455, %parallel_loop3A_454 : i32
            %parallel_loop3A_465 = arith.select %parallel_loop3A_463, %parallel_loop3A_464, %parallel_loop3A_455 : i32
            %parallel_loop3A_466 = arith.constant 0 : i32
            %parallel_loop3A_467 = vector.broadcast %parallel_loop3A_466 : i32 to vector<16xi32>
            %parallel_loop3A_468 = arith.constant 8 : i32
            %parallel_loop3A_469 = arith.muli %add3A_309, %parallel_loop3A_468 : i32
            %parallel_loop3A_470 = arith.addi %parallel_loop3A_469, %parallel_loop3A_449 : i32
            %parallel_loop3A_471 = vector.broadcast %parallel_loop3A_470 : i32 to vector<16xi32>
            %parallel_loop3A_472 = arith.addi %parallel_loop3A_467, %parallel_loop3A_471 : vector<16xi32>
            %parallel_loop3A_473 = arith.constant 16 : i32
            %parallel_loop3A_474 = arith.muli %parallel_loop3A_465, %parallel_loop3A_473 : i32
            %parallel_loop3A_475 = vector.broadcast %parallel_loop3A_474 : i32 to vector<16xi32>
            %parallel_loop3A_476 = arith.addi %parallel_loop3A_475, %iota3A : vector<16xi32>
            %parallel_loop3A_477 = tpu.vector_load_idx %arg5[%parallel_loop3A_476, %parallel_loop3A_472] : memref<128x200xi32, #tpu.memory_space<vmem>>[vector<16xi32>, vector<16xi32>], vector<16xi32>,
            %parallel_loop3A_478 = arith.constant 16 : i32
            %parallel_loop3A_479 = arith.muli %parallel_loop3A_465, %parallel_loop3A_478 : i32
            %parallel_loop3A_480 = arith.constant 1 : i32
            %parallel_loop3A_481 = arith.index_cast %parallel_loop3A_480 : i32 to index
            %parallel_loop3A_482 = arith.index_cast %parallel_loop3A_449 : i32 to index
            %parallel_loop3A_483 = arith.index_cast %parallel_loop3A_479 : i32 to index
            %parallel_loop3A_484 = tpu.vector_load %arg6[%parallel_loop3A_481, %parallel_loop3A_482, %parallel_loop3A_483] {strides = array<i32>} : memref<2x8x128xi32, #tpu.memory_space<vmem>>, vector<16xi32>,
            tpu.vector_store %arg6[%parallel_loop3A_481, %parallel_loop3A_482, %parallel_loop3A_483], %parallel_loop3A_477 {strides = array<i32>} : memref<2x8x128xi32, #tpu.memory_space<vmem>>, vector<16xi32>,
          } {sc.loop_unroll_factor = 8 : i64, sc.parallel_access}
          %dma_start3A_313 = arith.constant 1 : i32
          %dma_start3A_314 = arith.constant 0 : i32
          %dma_start3A_315 = arith.constant 1 : i32
          %dma_start3A_316 = arith.constant 0 : i32
          %dma_start3A_317 = arith.constant 0 : i32
          %dma_start3A_318 = arith.constant 0 : i32
          %dma_start3A_319 = tpu.memref_slice %arg7[%dma_start3A_315, %dma_start3A_316, %dma_start3A_317, %dma_start3A_318] : memref<2x8x128x32xf32, #tpu.memory_space<vmem>> -> memref<1x1x128x32xf32, #tpu.memory_space<vmem>>
          %dma_start3A_320 = tpu.memref_squeeze %dma_start3A_319 : memref<1x1x128x32xf32, #tpu.memory_space<vmem>> -> memref<128x32xf32, #tpu.memory_space<vmem>>
          %dma_start3A_321 = arith.constant 0 : i32
          %dma_start3A_322 = tpu.memref_slice %arg6[%dma_start3A_313, %dma_start3A_314, %dma_start3A_321] : memref<2x8x128xi32, #tpu.memory_space<vmem>> -> memref<1x1x128xi32, #tpu.memory_space<vmem>>
          %dma_start3A_323 = tpu.memref_squeeze %dma_start3A_322 : memref<1x1x128xi32, #tpu.memory_space<vmem>> -> memref<128xi32, #tpu.memory_space<vmem>>
          %dma_start3A_324 = arith.constant 0 : i32
          %dma_start3A_325 = arith.constant 0 : i32
          %dma_start3A_326 = tpu.memref_slice %arg3[%dma_start3A_324, %dma_start3A_325] : memref<1002016x32xf32, #tpu.memory_space<hbm>> -> memref<1002016x32xf32, #tpu.memory_space<hbm>>
          tpu.enqueue_indirect_dma source(%dma_start3A_326 : memref<1002016x32xf32, #tpu.memory_space<hbm>>) target(%dma_start3A_320 : memref<128x32xf32, #tpu.memory_space<vmem>>) offsets(%dma_start3A_323 : memref<128xi32, #tpu.memory_space<vmem>>) semaphore(%arg10 : memref<!tpu.dma_semaphore, #tpu.memory_space<semaphore_mem>>)
          %dma_start3A_327 = arith.constant 1 : i32
          %dma_start3A_328 = arith.constant 1 : i32
          %dma_start3A_329 = arith.constant 1 : i32
          %dma_start3A_330 = arith.constant 1 : i32
          %dma_start3A_331 = arith.constant 0 : i32
          %dma_start3A_332 = arith.constant 0 : i32
          %dma_start3A_333 = tpu.memref_slice %arg7[%dma_start3A_329, %dma_start3A_330, %dma_start3A_331, %dma_start3A_332] : memref<2x8x128x32xf32, #tpu.memory_space<vmem>> -> memref<1x1x128x32xf32, #tpu.memory_space<vmem>>
          %dma_start3A_334 = tpu.memref_squeeze %dma_start3A_333 : memref<1x1x128x32xf32, #tpu.memory_space<vmem>> -> memref<128x32xf32, #tpu.memory_space<vmem>>
          %dma_start3A_335 = arith.constant 0 : i32
          %dma_start3A_336 = tpu.memref_slice %arg6[%dma_start3A_327, %dma_start3A_328, %dma_start3A_335] : memref<2x8x128xi32, #tpu.memory_space<vmem>> -> memref<1x1x128xi32, #tpu.memory_space<vmem>>
          %dma_start3A_337 = tpu.memref_squeeze %dma_start3A_336 : memref<1x1x128xi32, #tpu.memory_space<vmem>> -> memref<128xi32, #tpu.memory_space<vmem>>
          %dma_start3A_338 = arith.constant 0 : i32
          %dma_start3A_339 = arith.constant 0 : i32
          %dma_start3A_340 = tpu.memref_slice %arg3[%dma_start3A_338, %dma_start3A_339] : memref<1002016x32xf32, #tpu.memory_space<hbm>> -> memref<1002016x32xf32, #tpu.memory_space<hbm>>
          tpu.enqueue_indirect_dma source(%dma_start3A_340 : memref<1002016x32xf32, #tpu.memory_space<hbm>>) target(%dma_start3A_334 : memref<128x32xf32, #tpu.memory_space<vmem>>) offsets(%dma_start3A_337 : memref<128xi32, #tpu.memory_space<vmem>>) semaphore(%arg10 : memref<!tpu.dma_semaphore, #tpu.memory_space<semaphore_mem>>)
          %dma_start3A_341 = arith.constant 1 : i32
          %dma_start3A_342 = arith.constant 2 : i32
          %dma_start3A_343 = arith.constant 1 : i32
          %dma_start3A_344 = arith.constant 2 : i32
          %dma_start3A_345 = arith.constant 0 : i32
          %dma_start3A_346 = arith.constant 0 : i32
          %dma_start3A_347 = tpu.memref_slice %arg7[%dma_start3A_343, %dma_start3A_344, %dma_start3A_345, %dma_start3A_346] : memref<2x8x128x32xf32, #tpu.memory_space<vmem>> -> memref<1x1x128x32xf32, #tpu.memory_space<vmem>>
          %dma_start3A_348 = tpu.memref_squeeze %dma_start3A_347 : memref<1x1x128x32xf32, #tpu.memory_space<vmem>> -> memref<128x32xf32, #tpu.memory_space<vmem>>
          %dma_start3A_349 = arith.constant 0 : i32
          %dma_start3A_350 = tpu.memref_slice %arg6[%dma_start3A_341, %dma_start3A_342, %dma_start3A_349] : memref<2x8x128xi32, #tpu.memory_space<vmem>> -> memref<1x1x128xi32, #tpu.memory_space<vmem>>
          %dma_start3A_351 = tpu.memref_squeeze %dma_start3A_350 : memref<1x1x128xi32, #tpu.memory_space<vmem>> -> memref<128xi32, #tpu.memory_space<vmem>>
          %dma_start3A_352 = arith.constant 0 : i32
          %dma_start3A_353 = arith.constant 0 : i32
          %dma_start3A_354 = tpu.memref_slice %arg3[%dma_start3A_352, %dma_start3A_353] : memref<1002016x32xf32, #tpu.memory_space<hbm>> -> memref<1002016x32xf32, #tpu.memory_space<hbm>>
          tpu.enqueue_indirect_dma source(%dma_start3A_354 : memref<1002016x32xf32, #tpu.memory_space<hbm>>) target(%dma_start3A_348 : memref<128x32xf32, #tpu.memory_space<vmem>>) offsets(%dma_start3A_351 : memref<128xi32, #tpu.memory_space<vmem>>) semaphore(%arg10 : memref<!tpu.dma_semaphore, #tpu.memory_space<semaphore_mem>>)
          %dma_start3A_355 = arith.constant 1 : i32
          %dma_start3A_356 = arith.constant 3 : i32
          %dma_start3A_357 = arith.constant 1 : i32
          %dma_start3A_358 = arith.constant 3 : i32
          %dma_start3A_359 = arith.constant 0 : i32
          %dma_start3A_360 = arith.constant 0 : i32
          %dma_start3A_361 = tpu.memref_slice %arg7[%dma_start3A_357, %dma_start3A_358, %dma_start3A_359, %dma_start3A_360] : memref<2x8x128x32xf32, #tpu.memory_space<vmem>> -> memref<1x1x128x32xf32, #tpu.memory_space<vmem>>
          %dma_start3A_362 = tpu.memref_squeeze %dma_start3A_361 : memref<1x1x128x32xf32, #tpu.memory_space<vmem>> -> memref<128x32xf32, #tpu.memory_space<vmem>>
          %dma_start3A_363 = arith.constant 0 : i32
          %dma_start3A_364 = tpu.memref_slice %arg6[%dma_start3A_355, %dma_start3A_356, %dma_start3A_363] : memref<2x8x128xi32, #tpu.memory_space<vmem>> -> memref<1x1x128xi32, #tpu.memory_space<vmem>>
          %dma_start3A_365 = tpu.memref_squeeze %dma_start3A_364 : memref<1x1x128xi32, #tpu.memory_space<vmem>> -> memref<128xi32, #tpu.memory_space<vmem>>
          %dma_start3A_366 = arith.constant 0 : i32
          %dma_start3A_367 = arith.constant 0 : i32
          %dma_start3A_368 = tpu.memref_slice %arg3[%dma_start3A_366, %dma_start3A_367] : memref<1002016x32xf32, #tpu.memory_space<hbm>> -> memref<1002016x32xf32, #tpu.memory_space<hbm>>
          tpu.enqueue_indirect_dma source(%dma_start3A_368 : memref<1002016x32xf32, #tpu.memory_space<hbm>>) target(%dma_start3A_362 : memref<128x32xf32, #tpu.memory_space<vmem>>) offsets(%dma_start3A_365 : memref<128xi32, #tpu.memory_space<vmem>>) semaphore(%arg10 : memref<!tpu.dma_semaphore, #tpu.memory_space<semaphore_mem>>)
          %dma_start3A_369 = arith.constant 1 : i32
          %dma_start3A_370 = arith.constant 4 : i32
          %dma_start3A_371 = arith.constant 1 : i32
          %dma_start3A_372 = arith.constant 4 : i32
          %dma_start3A_373 = arith.constant 0 : i32
          %dma_start3A_374 = arith.constant 0 : i32
          %dma_start3A_375 = tpu.memref_slice %arg7[%dma_start3A_371, %dma_start3A_372, %dma_start3A_373, %dma_start3A_374] : memref<2x8x128x32xf32, #tpu.memory_space<vmem>> -> memref<1x1x128x32xf32, #tpu.memory_space<vmem>>
          %dma_start3A_376 = tpu.memref_squeeze %dma_start3A_375 : memref<1x1x128x32xf32, #tpu.memory_space<vmem>> -> memref<128x32xf32, #tpu.memory_space<vmem>>
          %dma_start3A_377 = arith.constant 0 : i32
          %dma_start3A_378 = tpu.memref_slice %arg6[%dma_start3A_369, %dma_start3A_370, %dma_start3A_377] : memref<2x8x128xi32, #tpu.memory_space<vmem>> -> memref<1x1x128xi32, #tpu.memory_space<vmem>>
          %dma_start3A_379 = tpu.memref_squeeze %dma_start3A_378 : memref<1x1x128xi32, #tpu.memory_space<vmem>> -> memref<128xi32, #tpu.memory_space<vmem>>
          %dma_start3A_380 = arith.constant 0 : i32
          %dma_start3A_381 = arith.constant 0 : i32
          %dma_start3A_382 = tpu.memref_slice %arg3[%dma_start3A_380, %dma_start3A_381] : memref<1002016x32xf32, #tpu.memory_space<hbm>> -> memref<1002016x32xf32, #tpu.memory_space<hbm>>
          tpu.enqueue_indirect_dma source(%dma_start3A_382 : memref<1002016x32xf32, #tpu.memory_space<hbm>>) target(%dma_start3A_376 : memref<128x32xf32, #tpu.memory_space<vmem>>) offsets(%dma_start3A_379 : memref<128xi32, #tpu.memory_space<vmem>>) semaphore(%arg10 : memref<!tpu.dma_semaphore, #tpu.memory_space<semaphore_mem>>)
          %dma_start3A_383 = arith.constant 1 : i32
          %dma_start3A_384 = arith.constant 5 : i32
          %dma_start3A_385 = arith.constant 1 : i32
          %dma_start3A_386 = arith.constant 5 : i32
          %dma_start3A_387 = arith.constant 0 : i32
          %dma_start3A_388 = arith.constant 0 : i32
          %dma_start3A_389 = tpu.memref_slice %arg7[%dma_start3A_385, %dma_start3A_386, %dma_start3A_387, %dma_start3A_388] : memref<2x8x128x32xf32, #tpu.memory_space<vmem>> -> memref<1x1x128x32xf32, #tpu.memory_space<vmem>>
          %dma_start3A_390 = tpu.memref_squeeze %dma_start3A_389 : memref<1x1x128x32xf32, #tpu.memory_space<vmem>> -> memref<128x32xf32, #tpu.memory_space<vmem>>
          %dma_start3A_391 = arith.constant 0 : i32
          %dma_start3A_392 = tpu.memref_slice %arg6[%dma_start3A_383, %dma_start3A_384, %dma_start3A_391] : memref<2x8x128xi32, #tpu.memory_space<vmem>> -> memref<1x1x128xi32, #tpu.memory_space<vmem>>
          %dma_start3A_393 = tpu.memref_squeeze %dma_start3A_392 : memref<1x1x128xi32, #tpu.memory_space<vmem>> -> memref<128xi32, #tpu.memory_space<vmem>>
          %dma_start3A_394 = arith.constant 0 : i32
          %dma_start3A_395 = arith.constant 0 : i32
          %dma_start3A_396 = tpu.memref_slice %arg3[%dma_start3A_394, %dma_start3A_395] : memref<1002016x32xf32, #tpu.memory_space<hbm>> -> memref<1002016x32xf32, #tpu.memory_space<hbm>>
          tpu.enqueue_indirect_dma source(%dma_start3A_396 : memref<1002016x32xf32, #tpu.memory_space<hbm>>) target(%dma_start3A_390 : memref<128x32xf32, #tpu.memory_space<vmem>>) offsets(%dma_start3A_393 : memref<128xi32, #tpu.memory_space<vmem>>) semaphore(%arg10 : memref<!tpu.dma_semaphore, #tpu.memory_space<semaphore_mem>>)
          %dma_start3A_397 = arith.constant 1 : i32
          %dma_start3A_398 = arith.constant 6 : i32
          %dma_start3A_399 = arith.constant 1 : i32
          %dma_start3A_400 = arith.constant 6 : i32
          %dma_start3A_401 = arith.constant 0 : i32
          %dma_start3A_402 = arith.constant 0 : i32
          %dma_start3A_403 = tpu.memref_slice %arg7[%dma_start3A_399, %dma_start3A_400, %dma_start3A_401, %dma_start3A_402] : memref<2x8x128x32xf32, #tpu.memory_space<vmem>> -> memref<1x1x128x32xf32, #tpu.memory_space<vmem>>
          %dma_start3A_404 = tpu.memref_squeeze %dma_start3A_403 : memref<1x1x128x32xf32, #tpu.memory_space<vmem>> -> memref<128x32xf32, #tpu.memory_space<vmem>>
          %dma_start3A_405 = arith.constant 0 : i32
          %dma_start3A_406 = tpu.memref_slice %arg6[%dma_start3A_397, %dma_start3A_398, %dma_start3A_405] : memref<2x8x128xi32, #tpu.memory_space<vmem>> -> memref<1x1x128xi32, #tpu.memory_space<vmem>>
          %dma_start3A_407 = tpu.memref_squeeze %dma_start3A_406 : memref<1x1x128xi32, #tpu.memory_space<vmem>> -> memref<128xi32, #tpu.memory_space<vmem>>
          %dma_start3A_408 = arith.constant 0 : i32
          %dma_start3A_409 = arith.constant 0 : i32
          %dma_start3A_410 = tpu.memref_slice %arg3[%dma_start3A_408, %dma_start3A_409] : memref<1002016x32xf32, #tpu.memory_space<hbm>> -> memref<1002016x32xf32, #tpu.memory_space<hbm>>
          tpu.enqueue_indirect_dma source(%dma_start3A_410 : memref<1002016x32xf32, #tpu.memory_space<hbm>>) target(%dma_start3A_404 : memref<128x32xf32, #tpu.memory_space<vmem>>) offsets(%dma_start3A_407 : memref<128xi32, #tpu.memory_space<vmem>>) semaphore(%arg10 : memref<!tpu.dma_semaphore, #tpu.memory_space<semaphore_mem>>)
          %dma_start3A_411 = arith.constant 1 : i32
          %dma_start3A_412 = arith.constant 7 : i32
          %dma_start3A_413 = arith.constant 1 : i32
          %dma_start3A_414 = arith.constant 7 : i32
          %dma_start3A_415 = arith.constant 0 : i32
          %dma_start3A_416 = arith.constant 0 : i32
          %dma_start3A_417 = tpu.memref_slice %arg7[%dma_start3A_413, %dma_start3A_414, %dma_start3A_415, %dma_start3A_416] : memref<2x8x128x32xf32, #tpu.memory_space<vmem>> -> memref<1x1x128x32xf32, #tpu.memory_space<vmem>>
          %dma_start3A_418 = tpu.memref_squeeze %dma_start3A_417 : memref<1x1x128x32xf32, #tpu.memory_space<vmem>> -> memref<128x32xf32, #tpu.memory_space<vmem>>
          %dma_start3A_419 = arith.constant 0 : i32
          %dma_start3A_420 = tpu.memref_slice %arg6[%dma_start3A_411, %dma_start3A_412, %dma_start3A_419] : memref<2x8x128xi32, #tpu.memory_space<vmem>> -> memref<1x1x128xi32, #tpu.memory_space<vmem>>
          %dma_start3A_421 = tpu.memref_squeeze %dma_start3A_420 : memref<1x1x128xi32, #tpu.memory_space<vmem>> -> memref<128xi32, #tpu.memory_space<vmem>>
          %dma_start3A_422 = arith.constant 0 : i32
          %dma_start3A_423 = arith.constant 0 : i32
          %dma_start3A_424 = tpu.memref_slice %arg3[%dma_start3A_422, %dma_start3A_423] : memref<1002016x32xf32, #tpu.memory_space<hbm>> -> memref<1002016x32xf32, #tpu.memory_space<hbm>>
          tpu.enqueue_indirect_dma source(%dma_start3A_424 : memref<1002016x32xf32, #tpu.memory_space<hbm>>) target(%dma_start3A_418 : memref<128x32xf32, #tpu.memory_space<vmem>>) offsets(%dma_start3A_421 : memref<128xi32, #tpu.memory_space<vmem>>) semaphore(%arg10 : memref<!tpu.dma_semaphore, #tpu.memory_space<semaphore_mem>>)
        } else {
        }
        %dma_wait3A_189 = arith.constant 0 : i32
        %dma_wait3A_190 = arith.constant 0 : i32
        %dma_wait3A_191 = arith.constant 0 : i32
        %dma_wait3A_192 = arith.constant 0 : i32
        %dma_wait3A_193 = arith.constant 0 : i32
        %dma_wait3A_194 = arith.constant 0 : i32
        %dma_wait3A_195 = tpu.memref_slice %arg7[%dma_wait3A_191, %dma_wait3A_192, %dma_wait3A_193, %dma_wait3A_194] : memref<2x8x128x32xf32, #tpu.memory_space<vmem>> -> memref<1x1x128x32xf32, #tpu.memory_space<vmem>>
        %dma_wait3A_196 = tpu.memref_squeeze %dma_wait3A_195 : memref<1x1x128x32xf32, #tpu.memory_space<vmem>> -> memref<128x32xf32, #tpu.memory_space<vmem>>
        %dma_wait3A_197 = arith.constant 0 : i32
        %dma_wait3A_198 = tpu.memref_slice %arg6[%dma_wait3A_189, %dma_wait3A_190, %dma_wait3A_197] : memref<2x8x128xi32, #tpu.memory_space<vmem>> -> memref<1x1x128xi32, #tpu.memory_space<vmem>>
        %dma_wait3A_199 = tpu.memref_squeeze %dma_wait3A_198 : memref<1x1x128xi32, #tpu.memory_space<vmem>> -> memref<128xi32, #tpu.memory_space<vmem>>
        %dma_wait3A_200 = arith.constant 0 : i32
        %dma_wait3A_201 = arith.constant 0 : i32
        %dma_wait3A_202 = tpu.memref_slice %arg3[%dma_wait3A_200, %dma_wait3A_201] : memref<1002016x32xf32, #tpu.memory_space<hbm>> -> memref<1002016x32xf32, #tpu.memory_space<hbm>>
        tpu.wait_indirect_dma semaphore(%arg9 : memref<!tpu.dma_semaphore, #tpu.memory_space<semaphore_mem>>) src(%dma_wait3A_202 : memref<1002016x32xf32, #tpu.memory_space<hbm>>) dst(%dma_wait3A_196 : memref<128x32xf32, #tpu.memory_space<vmem>>)
        %dma_wait3A_203 = arith.constant 0 : i32
        %dma_wait3A_204 = arith.constant 1 : i32
        %dma_wait3A_205 = arith.constant 0 : i32
        %dma_wait3A_206 = arith.constant 1 : i32
        %dma_wait3A_207 = arith.constant 0 : i32
        %dma_wait3A_208 = arith.constant 0 : i32
        %dma_wait3A_209 = tpu.memref_slice %arg7[%dma_wait3A_205, %dma_wait3A_206, %dma_wait3A_207, %dma_wait3A_208] : memref<2x8x128x32xf32, #tpu.memory_space<vmem>> -> memref<1x1x128x32xf32, #tpu.memory_space<vmem>>
        %dma_wait3A_210 = tpu.memref_squeeze %dma_wait3A_209 : memref<1x1x128x32xf32, #tpu.memory_space<vmem>> -> memref<128x32xf32, #tpu.memory_space<vmem>>
        %dma_wait3A_211 = arith.constant 0 : i32
        %dma_wait3A_212 = tpu.memref_slice %arg6[%dma_wait3A_203, %dma_wait3A_204, %dma_wait3A_211] : memref<2x8x128xi32, #tpu.memory_space<vmem>> -> memref<1x1x128xi32, #tpu.memory_space<vmem>>
        %dma_wait3A_213 = tpu.memref_squeeze %dma_wait3A_212 : memref<1x1x128xi32, #tpu.memory_space<vmem>> -> memref<128xi32, #tpu.memory_space<vmem>>
        %dma_wait3A_214 = arith.constant 0 : i32
        %dma_wait3A_215 = arith.constant 0 : i32
        %dma_wait3A_216 = tpu.memref_slice %arg3[%dma_wait3A_214, %dma_wait3A_215] : memref<1002016x32xf32, #tpu.memory_space<hbm>> -> memref<1002016x32xf32, #tpu.memory_space<hbm>>
        tpu.wait_indirect_dma semaphore(%arg9 : memref<!tpu.dma_semaphore, #tpu.memory_space<semaphore_mem>>) src(%dma_wait3A_216 : memref<1002016x32xf32, #tpu.memory_space<hbm>>) dst(%dma_wait3A_210 : memref<128x32xf32, #tpu.memory_space<vmem>>)
        %dma_wait3A_217 = arith.constant 0 : i32
        %dma_wait3A_218 = arith.constant 2 : i32
        %dma_wait3A_219 = arith.constant 0 : i32
        %dma_wait3A_220 = arith.constant 2 : i32
        %dma_wait3A_221 = arith.constant 0 : i32
        %dma_wait3A_222 = arith.constant 0 : i32
        %dma_wait3A_223 = tpu.memref_slice %arg7[%dma_wait3A_219, %dma_wait3A_220, %dma_wait3A_221, %dma_wait3A_222] : memref<2x8x128x32xf32, #tpu.memory_space<vmem>> -> memref<1x1x128x32xf32, #tpu.memory_space<vmem>>
        %dma_wait3A_224 = tpu.memref_squeeze %dma_wait3A_223 : memref<1x1x128x32xf32, #tpu.memory_space<vmem>> -> memref<128x32xf32, #tpu.memory_space<vmem>>
        %dma_wait3A_225 = arith.constant 0 : i32
        %dma_wait3A_226 = tpu.memref_slice %arg6[%dma_wait3A_217, %dma_wait3A_218, %dma_wait3A_225] : memref<2x8x128xi32, #tpu.memory_space<vmem>> -> memref<1x1x128xi32, #tpu.memory_space<vmem>>
        %dma_wait3A_227 = tpu.memref_squeeze %dma_wait3A_226 : memref<1x1x128xi32, #tpu.memory_space<vmem>> -> memref<128xi32, #tpu.memory_space<vmem>>
        %dma_wait3A_228 = arith.constant 0 : i32
        %dma_wait3A_229 = arith.constant 0 : i32
        %dma_wait3A_230 = tpu.memref_slice %arg3[%dma_wait3A_228, %dma_wait3A_229] : memref<1002016x32xf32, #tpu.memory_space<hbm>> -> memref<1002016x32xf32, #tpu.memory_space<hbm>>
        tpu.wait_indirect_dma semaphore(%arg9 : memref<!tpu.dma_semaphore, #tpu.memory_space<semaphore_mem>>) src(%dma_wait3A_230 : memref<1002016x32xf32, #tpu.memory_space<hbm>>) dst(%dma_wait3A_224 : memref<128x32xf32, #tpu.memory_space<vmem>>)
        %dma_wait3A_231 = arith.constant 0 : i32
        %dma_wait3A_232 = arith.constant 3 : i32
        %dma_wait3A_233 = arith.constant 0 : i32
        %dma_wait3A_234 = arith.constant 3 : i32
        %dma_wait3A_235 = arith.constant 0 : i32
        %dma_wait3A_236 = arith.constant 0 : i32
        %dma_wait3A_237 = tpu.memref_slice %arg7[%dma_wait3A_233, %dma_wait3A_234, %dma_wait3A_235, %dma_wait3A_236] : memref<2x8x128x32xf32, #tpu.memory_space<vmem>> -> memref<1x1x128x32xf32, #tpu.memory_space<vmem>>
        %dma_wait3A_238 = tpu.memref_squeeze %dma_wait3A_237 : memref<1x1x128x32xf32, #tpu.memory_space<vmem>> -> memref<128x32xf32, #tpu.memory_space<vmem>>
        %dma_wait3A_239 = arith.constant 0 : i32
        %dma_wait3A_240 = tpu.memref_slice %arg6[%dma_wait3A_231, %dma_wait3A_232, %dma_wait3A_239] : memref<2x8x128xi32, #tpu.memory_space<vmem>> -> memref<1x1x128xi32, #tpu.memory_space<vmem>>
        %dma_wait3A_241 = tpu.memref_squeeze %dma_wait3A_240 : memref<1x1x128xi32, #tpu.memory_space<vmem>> -> memref<128xi32, #tpu.memory_space<vmem>>
        %dma_wait3A_242 = arith.constant 0 : i32
        %dma_wait3A_243 = arith.constant 0 : i32
        %dma_wait3A_244 = tpu.memref_slice %arg3[%dma_wait3A_242, %dma_wait3A_243] : memref<1002016x32xf32, #tpu.memory_space<hbm>> -> memref<1002016x32xf32, #tpu.memory_space<hbm>>
        tpu.wait_indirect_dma semaphore(%arg9 : memref<!tpu.dma_semaphore, #tpu.memory_space<semaphore_mem>>) src(%dma_wait3A_244 : memref<1002016x32xf32, #tpu.memory_space<hbm>>) dst(%dma_wait3A_238 : memref<128x32xf32, #tpu.memory_space<vmem>>)
        %dma_wait3A_245 = arith.constant 0 : i32
        %dma_wait3A_246 = arith.constant 4 : i32
        %dma_wait3A_247 = arith.constant 0 : i32
        %dma_wait3A_248 = arith.constant 4 : i32
        %dma_wait3A_249 = arith.constant 0 : i32
        %dma_wait3A_250 = arith.constant 0 : i32
        %dma_wait3A_251 = tpu.memref_slice %arg7[%dma_wait3A_247, %dma_wait3A_248, %dma_wait3A_249, %dma_wait3A_250] : memref<2x8x128x32xf32, #tpu.memory_space<vmem>> -> memref<1x1x128x32xf32, #tpu.memory_space<vmem>>
        %dma_wait3A_252 = tpu.memref_squeeze %dma_wait3A_251 : memref<1x1x128x32xf32, #tpu.memory_space<vmem>> -> memref<128x32xf32, #tpu.memory_space<vmem>>
        %dma_wait3A_253 = arith.constant 0 : i32
        %dma_wait3A_254 = tpu.memref_slice %arg6[%dma_wait3A_245, %dma_wait3A_246, %dma_wait3A_253] : memref<2x8x128xi32, #tpu.memory_space<vmem>> -> memref<1x1x128xi32, #tpu.memory_space<vmem>>
        %dma_wait3A_255 = tpu.memref_squeeze %dma_wait3A_254 : memref<1x1x128xi32, #tpu.memory_space<vmem>> -> memref<128xi32, #tpu.memory_space<vmem>>
        %dma_wait3A_256 = arith.constant 0 : i32
        %dma_wait3A_257 = arith.constant 0 : i32
        %dma_wait3A_258 = tpu.memref_slice %arg3[%dma_wait3A_256, %dma_wait3A_257] : memref<1002016x32xf32, #tpu.memory_space<hbm>> -> memref<1002016x32xf32, #tpu.memory_space<hbm>>
        tpu.wait_indirect_dma semaphore(%arg9 : memref<!tpu.dma_semaphore, #tpu.memory_space<semaphore_mem>>) src(%dma_wait3A_258 : memref<1002016x32xf32, #tpu.memory_space<hbm>>) dst(%dma_wait3A_252 : memref<128x32xf32, #tpu.memory_space<vmem>>)
        %dma_wait3A_259 = arith.constant 0 : i32
        %dma_wait3A_260 = arith.constant 5 : i32
        %dma_wait3A_261 = arith.constant 0 : i32
        %dma_wait3A_262 = arith.constant 5 : i32
        %dma_wait3A_263 = arith.constant 0 : i32
        %dma_wait3A_264 = arith.constant 0 : i32
        %dma_wait3A_265 = tpu.memref_slice %arg7[%dma_wait3A_261, %dma_wait3A_262, %dma_wait3A_263, %dma_wait3A_264] : memref<2x8x128x32xf32, #tpu.memory_space<vmem>> -> memref<1x1x128x32xf32, #tpu.memory_space<vmem>>
        %dma_wait3A_266 = tpu.memref_squeeze %dma_wait3A_265 : memref<1x1x128x32xf32, #tpu.memory_space<vmem>> -> memref<128x32xf32, #tpu.memory_space<vmem>>
        %dma_wait3A_267 = arith.constant 0 : i32
        %dma_wait3A_268 = tpu.memref_slice %arg6[%dma_wait3A_259, %dma_wait3A_260, %dma_wait3A_267] : memref<2x8x128xi32, #tpu.memory_space<vmem>> -> memref<1x1x128xi32, #tpu.memory_space<vmem>>
        %dma_wait3A_269 = tpu.memref_squeeze %dma_wait3A_268 : memref<1x1x128xi32, #tpu.memory_space<vmem>> -> memref<128xi32, #tpu.memory_space<vmem>>
        %dma_wait3A_270 = arith.constant 0 : i32
        %dma_wait3A_271 = arith.constant 0 : i32
        %dma_wait3A_272 = tpu.memref_slice %arg3[%dma_wait3A_270, %dma_wait3A_271] : memref<1002016x32xf32, #tpu.memory_space<hbm>> -> memref<1002016x32xf32, #tpu.memory_space<hbm>>
        tpu.wait_indirect_dma semaphore(%arg9 : memref<!tpu.dma_semaphore, #tpu.memory_space<semaphore_mem>>) src(%dma_wait3A_272 : memref<1002016x32xf32, #tpu.memory_space<hbm>>) dst(%dma_wait3A_266 : memref<128x32xf32, #tpu.memory_space<vmem>>)
        %dma_wait3A_273 = arith.constant 0 : i32
        %dma_wait3A_274 = arith.constant 6 : i32
        %dma_wait3A_275 = arith.constant 0 : i32
        %dma_wait3A_276 = arith.constant 6 : i32
        %dma_wait3A_277 = arith.constant 0 : i32
        %dma_wait3A_278 = arith.constant 0 : i32
        %dma_wait3A_279 = tpu.memref_slice %arg7[%dma_wait3A_275, %dma_wait3A_276, %dma_wait3A_277, %dma_wait3A_278] : memref<2x8x128x32xf32, #tpu.memory_space<vmem>> -> memref<1x1x128x32xf32, #tpu.memory_space<vmem>>
        %dma_wait3A_280 = tpu.memref_squeeze %dma_wait3A_279 : memref<1x1x128x32xf32, #tpu.memory_space<vmem>> -> memref<128x32xf32, #tpu.memory_space<vmem>>
        %dma_wait3A_281 = arith.constant 0 : i32
        %dma_wait3A_282 = tpu.memref_slice %arg6[%dma_wait3A_273, %dma_wait3A_274, %dma_wait3A_281] : memref<2x8x128xi32, #tpu.memory_space<vmem>> -> memref<1x1x128xi32, #tpu.memory_space<vmem>>
        %dma_wait3A_283 = tpu.memref_squeeze %dma_wait3A_282 : memref<1x1x128xi32, #tpu.memory_space<vmem>> -> memref<128xi32, #tpu.memory_space<vmem>>
        %dma_wait3A_284 = arith.constant 0 : i32
        %dma_wait3A_285 = arith.constant 0 : i32
        %dma_wait3A_286 = tpu.memref_slice %arg3[%dma_wait3A_284, %dma_wait3A_285] : memref<1002016x32xf32, #tpu.memory_space<hbm>> -> memref<1002016x32xf32, #tpu.memory_space<hbm>>
        tpu.wait_indirect_dma semaphore(%arg9 : memref<!tpu.dma_semaphore, #tpu.memory_space<semaphore_mem>>) src(%dma_wait3A_286 : memref<1002016x32xf32, #tpu.memory_space<hbm>>) dst(%dma_wait3A_280 : memref<128x32xf32, #tpu.memory_space<vmem>>)
        %dma_wait3A_287 = arith.constant 0 : i32
        %dma_wait3A_288 = arith.constant 7 : i32
        %dma_wait3A_289 = arith.constant 0 : i32
        %dma_wait3A_290 = arith.constant 7 : i32
        %dma_wait3A_291 = arith.constant 0 : i32
        %dma_wait3A_292 = arith.constant 0 : i32
        %dma_wait3A_293 = tpu.memref_slice %arg7[%dma_wait3A_289, %dma_wait3A_290, %dma_wait3A_291, %dma_wait3A_292] : memref<2x8x128x32xf32, #tpu.memory_space<vmem>> -> memref<1x1x128x32xf32, #tpu.memory_space<vmem>>
        %dma_wait3A_294 = tpu.memref_squeeze %dma_wait3A_293 : memref<1x1x128x32xf32, #tpu.memory_space<vmem>> -> memref<128x32xf32, #tpu.memory_space<vmem>>
        %dma_wait3A_295 = arith.constant 0 : i32
        %dma_wait3A_296 = tpu.memref_slice %arg6[%dma_wait3A_287, %dma_wait3A_288, %dma_wait3A_295] : memref<2x8x128xi32, #tpu.memory_space<vmem>> -> memref<1x1x128xi32, #tpu.memory_space<vmem>>
        %dma_wait3A_297 = tpu.memref_squeeze %dma_wait3A_296 : memref<1x1x128xi32, #tpu.memory_space<vmem>> -> memref<128xi32, #tpu.memory_space<vmem>>
        %dma_wait3A_298 = arith.constant 0 : i32
        %dma_wait3A_299 = arith.constant 0 : i32
        %dma_wait3A_300 = tpu.memref_slice %arg3[%dma_wait3A_298, %dma_wait3A_299] : memref<1002016x32xf32, #tpu.memory_space<hbm>> -> memref<1002016x32xf32, #tpu.memory_space<hbm>>
        tpu.wait_indirect_dma semaphore(%arg9 : memref<!tpu.dma_semaphore, #tpu.memory_space<semaphore_mem>>) src(%dma_wait3A_300 : memref<1002016x32xf32, #tpu.memory_space<hbm>>) dst(%dma_wait3A_294 : memref<128x32xf32, #tpu.memory_space<vmem>>)
        %scan3A_301 = arith.constant 0 : i32
        %scan3A_302 = arith.constant 0 : i32
        %scan3A_303 = arith.constant 8 : i32
        %scan3A_304 = arith.addi %scan3A_302, %scan3A_303 : i32
        %scan3A_305 = arith.constant 1 : i32
        %scan3A_306 = scf.for %scan3A_308 = %scan3A_302 to %scan3A_304 step %scan3A_305 iter_args(%scan3A_309 = %scan3A_301) -> (i32)  : i32 {
          %jit3A = arith.constant 2 : i32
          %eq3A = arith.constant 0 : i32
          %eq3A_310 = arith.cmpi eq, %jit3A, %eq3A : i32
          %jit3A_311 = arith.constant 1 : i32
          %select_n3A = arith.select %eq3A_310, %jit3A_311, %jit3A : i32
          %rem3A = arith.remsi %scan3A_308, %select_n3A : i32
          %ne3A = arith.constant 0 : i32
          %ne3A_312 = arith.cmpi ne, %rem3A, %ne3A : i32
          %lt3A_313 = arith.constant 0 : i32
          %lt3A_314 = arith.cmpi slt, %rem3A, %lt3A_313 : i32
          %lt3A_315 = arith.constant 0 : i32
          %lt3A_316 = arith.cmpi slt, %select_n3A, %lt3A_315 : i32
          %ne3A_317 = arith.xori %lt3A_314, %lt3A_316 : i1
          %and3A = arith.andi %ne3A_317, %ne3A_312 : i1
          %add3A_318 = arith.addi %rem3A, %select_n3A : i32
          %select_n3A_319 = arith.select %and3A, %add3A_318, %rem3A : i32
          %mul3A_320 = arith.constant 8 : i32
          %mul3A_321 = arith.muli %add3A_169, %mul3A_320 : i32
          %add3A_322 = arith.addi %mul3A_321, %scan3A_308 : i32
          %ge3A = arith.constant 2 : i32
          %ge3A_323 = arith.cmpi sge, %add3A_322, %ge3A : i32
          %convert_element_type3A_324 = arith.extui %ge3A_323 : i1 to i32
          %cond3A_325 = arith.constant 0 : i32
          %cond3A_326 = arith.cmpi ne, %convert_element_type3A_324, %cond3A_325 : i32
          scf.if %cond3A_326 {
            %dma_wait3A_349 = arith.constant 0 : i32
            %dma_wait3A_350 = arith.constant 0 : i32
            %dma_wait3A_351 = arith.constant 0 : i32
            %dma_wait3A_352 = tpu.memref_slice %arg8[%select_n3A_319, %dma_wait3A_349, %dma_wait3A_350, %dma_wait3A_351] : memref<2x4x1x1024xf32, #tpu.memory_space<vmem>> -> memref<1x4x1x1024xf32, #tpu.memory_space<vmem>>
            %dma_wait3A_353 = tpu.memref_squeeze %dma_wait3A_352 : memref<1x4x1x1024xf32, #tpu.memory_space<vmem>> -> memref<4x1x1024xf32, #tpu.memory_space<vmem>>
            %dma_wait3A_354 = arith.constant 0 : i32
            %dma_wait3A_355 = arith.constant 0 : i32
            %dma_wait3A_356 = tpu.memref_slice %arg4[%add3A_322, %dma_wait3A_354, %add3A, %dma_wait3A_355] : memref<200x4x32x1024xf32, #tpu.memory_space<hbm>> -> memref<1x4x1x1024xf32, #tpu.memory_space<hbm>>
            %dma_wait3A_357 = tpu.memref_squeeze %dma_wait3A_356 : memref<1x4x1x1024xf32, #tpu.memory_space<hbm>> -> memref<4x1x1024xf32, #tpu.memory_space<hbm>>
            %dma_wait3A_358 = arith.constant 0 : i32
            %dma_wait3A_359 = arith.constant 0 : i32
            %dma_wait3A_360 = tpu.memref_slice %arg4[%add3A_322, %dma_wait3A_358, %add3A, %dma_wait3A_359] : memref<200x4x32x1024xf32, #tpu.memory_space<hbm>> -> memref<1x4x1x1024xf32, #tpu.memory_space<hbm>>
            %dma_wait3A_361 = tpu.memref_squeeze %dma_wait3A_360 : memref<1x4x1x1024xf32, #tpu.memory_space<hbm>> -> memref<4x1x1024xf32, #tpu.memory_space<hbm>>
            %dma_wait3A_362 = arith.constant 0 : i32
            %dma_wait3A_363 = arith.constant 0 : i32
            %dma_wait3A_364 = arith.constant 0 : i32
            %dma_wait3A_365 = tpu.memref_slice %arg8[%select_n3A_319, %dma_wait3A_362, %dma_wait3A_363, %dma_wait3A_364] : memref<2x4x1x1024xf32, #tpu.memory_space<vmem>> -> memref<1x4x1x1024xf32, #tpu.memory_space<vmem>>
            %dma_wait3A_366 = tpu.memref_squeeze %dma_wait3A_365 : memref<1x4x1x1024xf32, #tpu.memory_space<vmem>> -> memref<4x1x1024xf32, #tpu.memory_space<vmem>>
            tpu.wait_dma2 semaphore(%arg11 : memref<!tpu.dma_semaphore, #tpu.memory_space<semaphore_mem>>) src(%dma_wait3A_366 : memref<4x1x1024xf32, #tpu.memory_space<vmem>>) dst(%dma_wait3A_361 : memref<4x1x1024xf32, #tpu.memory_space<hbm>>)
          } else {
          }
          %parallel_loop3A_327 = arith.constant 0 : i32
          %parallel_loop3A_328 = arith.constant 256 : i32
          %parallel_loop3A_329 = arith.constant 1 : i32
          scf.for %parallel_loop3A_349 = %parallel_loop3A_327 to %parallel_loop3A_328 step %parallel_loop3A_329  : i32 {
            %parallel_loop3A_350 = arith.constant 2 : i32
            %parallel_loop3A_351 = arith.divsi %parallel_loop3A_349, %parallel_loop3A_350 : i32
            %parallel_loop3A_352 = arith.constant 0 : i32
            %parallel_loop3A_353 = arith.cmpi sgt, %parallel_loop3A_349, %parallel_loop3A_352 : i32
            %parallel_loop3A_354 = arith.extui %parallel_loop3A_353 : i1 to i32
            %parallel_loop3A_355 = arith.constant 0 : i32
            %parallel_loop3A_356 = arith.cmpi slt, %parallel_loop3A_349, %parallel_loop3A_355 : i32
            %parallel_loop3A_357 = arith.extui %parallel_loop3A_356 : i1 to i32
            %parallel_loop3A_358 = arith.subi %parallel_loop3A_354, %parallel_loop3A_357 : i32
            %parallel_loop3A_359 = arith.constant 0 : i32
            %parallel_loop3A_360 = arith.cmpi sgt, %parallel_loop3A_350, %parallel_loop3A_359 : i32
            %parallel_loop3A_361 = arith.extui %parallel_loop3A_360 : i1 to i32
            %parallel_loop3A_362 = arith.constant 0 : i32
            %parallel_loop3A_363 = arith.cmpi slt, %parallel_loop3A_350, %parallel_loop3A_362 : i32
            %parallel_loop3A_364 = arith.extui %parallel_loop3A_363 : i1 to i32
            %parallel_loop3A_365 = arith.subi %parallel_loop3A_361, %parallel_loop3A_364 : i32
            %parallel_loop3A_366 = arith.cmpi ne, %parallel_loop3A_358, %parallel_loop3A_365 : i32
            %parallel_loop3A_367 = arith.remsi %parallel_loop3A_349, %parallel_loop3A_350 : i32
            %parallel_loop3A_368 = arith.constant 0 : i32
            %parallel_loop3A_369 = arith.cmpi ne, %parallel_loop3A_367, %parallel_loop3A_368 : i32
            %parallel_loop3A_370 = arith.andi %parallel_loop3A_366, %parallel_loop3A_369 : i1
            %parallel_loop3A_371 = arith.constant 1 : i32
            %parallel_loop3A_372 = arith.subi %parallel_loop3A_351, %parallel_loop3A_371 : i32
            %parallel_loop3A_373 = arith.select %parallel_loop3A_370, %parallel_loop3A_372, %parallel_loop3A_351 : i32
            %parallel_loop3A_374 = arith.constant 2 : i32
            %parallel_loop3A_375 = arith.constant 0 : i32
            %parallel_loop3A_376 = arith.cmpi eq, %parallel_loop3A_374, %parallel_loop3A_375 : i32
            %parallel_loop3A_377 = arith.constant 1 : i32
            %parallel_loop3A_378 = arith.select %parallel_loop3A_376, %parallel_loop3A_377, %parallel_loop3A_374 : i32
            %parallel_loop3A_379 = arith.remsi %parallel_loop3A_349, %parallel_loop3A_378 : i32
            %parallel_loop3A_380 = arith.constant 0 : i32
            %parallel_loop3A_381 = arith.cmpi ne, %parallel_loop3A_379, %parallel_loop3A_380 : i32
            %parallel_loop3A_382 = arith.constant 0 : i32
            %parallel_loop3A_383 = arith.cmpi slt, %parallel_loop3A_379, %parallel_loop3A_382 : i32
            %parallel_loop3A_384 = arith.constant 0 : i32
            %parallel_loop3A_385 = arith.cmpi slt, %parallel_loop3A_378, %parallel_loop3A_384 : i32
            %parallel_loop3A_386 = arith.xori %parallel_loop3A_383, %parallel_loop3A_385 : i1
            %parallel_loop3A_387 = arith.andi %parallel_loop3A_386, %parallel_loop3A_381 : i1
            %parallel_loop3A_388 = arith.addi %parallel_loop3A_379, %parallel_loop3A_378 : i32
            %parallel_loop3A_389 = arith.select %parallel_loop3A_387, %parallel_loop3A_388, %parallel_loop3A_379 : i32
            %parallel_loop3A_390 = arith.constant 16 : i32
            %parallel_loop3A_391 = arith.muli %parallel_loop3A_389, %parallel_loop3A_390 : i32
            %parallel_loop3A_392 = arith.constant 0 : i32
            %parallel_loop3A_393 = arith.index_cast %parallel_loop3A_392 : i32 to index
            %parallel_loop3A_394 = arith.index_cast %scan3A_308 : i32 to index
            %parallel_loop3A_395 = arith.index_cast %parallel_loop3A_373 : i32 to index
            %parallel_loop3A_396 = arith.index_cast %parallel_loop3A_391 : i32 to index
            %parallel_loop3A_397 = tpu.vector_load %arg7[%parallel_loop3A_393, %parallel_loop3A_394, %parallel_loop3A_395, %parallel_loop3A_396] {strides = array<i32>} : memref<2x8x128x32xf32, #tpu.memory_space<vmem>>, vector<16xf32>,
            %parallel_loop3A_398 = arith.constant 128 : i32
            %parallel_loop3A_399 = arith.muli %parallel_loop3A_391, %parallel_loop3A_398 : i32
            %parallel_loop3A_400 = arith.addi %parallel_loop3A_399, %parallel_loop3A_373 : i32
            %parallel_loop3A_401 = vector.broadcast %parallel_loop3A_400 : i32 to vector<16xi32>
            %parallel_loop3A_402 = arith.addi %mul3A_5, %parallel_loop3A_401 : vector<16xi32>
            %parallel_loop3A_403 = arith.constant 10 : i32
            %parallel_loop3A_404 = vector.broadcast %parallel_loop3A_403 : i32 to vector<16xi32>
            %parallel_loop3A_405 = arith.shrsi %parallel_loop3A_402, %parallel_loop3A_404 : vector<16xi32>
            %parallel_loop3A_406 = arith.constant 0 : i32
            %parallel_loop3A_407 = vector.broadcast %parallel_loop3A_406 : i32 to vector<16xi32>
            %parallel_loop3A_408 = arith.muli %parallel_loop3A_402, %parallel_loop3A_407 : vector<16xi32>
            %parallel_loop3A_409 = arith.constant 1023 : i32
            %parallel_loop3A_410 = vector.broadcast %parallel_loop3A_409 : i32 to vector<16xi32>
            %parallel_loop3A_411 = arith.andi %parallel_loop3A_402, %parallel_loop3A_410 : vector<16xi32>
            %parallel_loop3A_412 = arith.constant 0 : i32
            %parallel_loop3A_413 = arith.constant 0 : i32
            %parallel_loop3A_414 = arith.constant 0 : i32
            %parallel_loop3A_415 = tpu.memref_slice %arg8[%select_n3A_319, %parallel_loop3A_412, %parallel_loop3A_413, %parallel_loop3A_414] : memref<2x4x1x1024xf32, #tpu.memory_space<vmem>> -> memref<1x4x1x1024xf32, #tpu.memory_space<vmem>>
            %parallel_loop3A_416 = tpu.memref_squeeze %parallel_loop3A_415 : memref<1x4x1x1024xf32, #tpu.memory_space<vmem>> -> memref<4x1x1024xf32, #tpu.memory_space<vmem>>
            tpu.vector_store_idx %parallel_loop3A_416[%parallel_loop3A_405, %parallel_loop3A_408, %parallel_loop3A_411], %parallel_loop3A_397 : memref<4x1x1024xf32, #tpu.memory_space<vmem>>[vector<16xi32>, vector<16xi32>, vector<16xi32>], vector<16xf32>,
          } {sc.loop_unroll_factor = 8 : i64, sc.parallel_access}
          %dma_start3A_330 = arith.constant 0 : i32
          %dma_start3A_331 = arith.constant 0 : i32
          %dma_start3A_332 = arith.constant 0 : i32
          %dma_start3A_333 = tpu.memref_slice %arg8[%select_n3A_319, %dma_start3A_330, %dma_start3A_331, %dma_start3A_332] : memref<2x4x1x1024xf32, #tpu.memory_space<vmem>> -> memref<1x4x1x1024xf32, #tpu.memory_space<vmem>>
          %dma_start3A_334 = tpu.memref_squeeze %dma_start3A_333 : memref<1x4x1x1024xf32, #tpu.memory_space<vmem>> -> memref<4x1x1024xf32, #tpu.memory_space<vmem>>
          %dma_start3A_335 = arith.constant 0 : i32
          %dma_start3A_336 = arith.constant 0 : i32
          %dma_start3A_337 = tpu.memref_slice %arg4[%add3A_322, %dma_start3A_335, %add3A, %dma_start3A_336] : memref<200x4x32x1024xf32, #tpu.memory_space<hbm>> -> memref<1x4x1x1024xf32, #tpu.memory_space<hbm>>
          %dma_start3A_338 = tpu.memref_squeeze %dma_start3A_337 : memref<1x4x1x1024xf32, #tpu.memory_space<hbm>> -> memref<4x1x1024xf32, #tpu.memory_space<hbm>>
          %dma_start3A_339 = arith.constant 0 : i32
          %dma_start3A_340 = arith.constant 0 : i32
          %dma_start3A_341 = tpu.memref_slice %arg4[%add3A_322, %dma_start3A_339, %add3A, %dma_start3A_340] : memref<200x4x32x1024xf32, #tpu.memory_space<hbm>> -> memref<1x4x1x1024xf32, #tpu.memory_space<hbm>>
          %dma_start3A_342 = tpu.memref_squeeze %dma_start3A_341 : memref<1x4x1x1024xf32, #tpu.memory_space<hbm>> -> memref<4x1x1024xf32, #tpu.memory_space<hbm>>
          %dma_start3A_343 = arith.constant 0 : i32
          %dma_start3A_344 = arith.constant 0 : i32
          %dma_start3A_345 = arith.constant 0 : i32
          %dma_start3A_346 = tpu.memref_slice %arg8[%select_n3A_319, %dma_start3A_343, %dma_start3A_344, %dma_start3A_345] : memref<2x4x1x1024xf32, #tpu.memory_space<vmem>> -> memref<1x4x1x1024xf32, #tpu.memory_space<vmem>>
          %dma_start3A_347 = tpu.memref_squeeze %dma_start3A_346 : memref<1x4x1x1024xf32, #tpu.memory_space<vmem>> -> memref<4x1x1024xf32, #tpu.memory_space<vmem>>
          tpu.enqueue_dma source(%dma_start3A_347 : memref<4x1x1024xf32, #tpu.memory_space<vmem>>) target(%dma_start3A_342 : memref<4x1x1024xf32, #tpu.memory_space<hbm>>) target_semaphore(%arg11 : memref<!tpu.dma_semaphore, #tpu.memory_space<semaphore_mem>>)
          %scan3A_348 = arith.constant 0 : i32
          scf.yield %scan3A_348 : i32
        }
        %scan3A_307 = arith.constant 8 : i32
      } else {
      }
      %mul3A_172 = arith.constant 2 : i32
      %mul3A_173 = arith.muli %scan3A_164, %mul3A_172 : i32
      %add3A_174 = arith.constant 1 : i32
      %add3A_175 = arith.addi %mul3A_173, %add3A_174 : i32
      %lt3A_176 = arith.constant 25 : i32
      %lt3A_177 = arith.cmpi slt, %add3A_175, %lt3A_176 : i32
      %convert_element_type3A_178 = arith.extui %lt3A_177 : i1 to i32
      %cond3A_179 = arith.constant 0 : i32
      %cond3A_180 = arith.cmpi ne, %convert_element_type3A_178, %cond3A_179 : i32
      scf.if %cond3A_180 {
        %add3A_182 = arith.constant 1 : i32
        %add3A_183 = arith.addi %add3A_175, %add3A_182 : i32
        %lt3A_184 = arith.constant 25 : i32
        %lt3A_185 = arith.cmpi slt, %add3A_183, %lt3A_184 : i32
        %convert_element_type3A_186 = arith.extui %lt3A_185 : i1 to i32
        %cond3A_187 = arith.constant 0 : i32
        %cond3A_188 = arith.cmpi ne, %convert_element_type3A_186, %cond3A_187 : i32
        scf.if %cond3A_188 {
          %add3A_308 = arith.constant 1 : i32
          %add3A_309 = arith.addi %add3A_175, %add3A_308 : i32
          %parallel_loop3A_310 = arith.constant 0 : i32
          %parallel_loop3A_311 = arith.constant 64 : i32
          %parallel_loop3A_312 = arith.constant 1 : i32
          scf.for %parallel_loop3A_425 = %parallel_loop3A_310 to %parallel_loop3A_311 step %parallel_loop3A_312  : i32 {
            %parallel_loop3A_426 = arith.constant 8 : i32
            %parallel_loop3A_427 = arith.divsi %parallel_loop3A_425, %parallel_loop3A_426 : i32
            %parallel_loop3A_428 = arith.constant 0 : i32
            %parallel_loop3A_429 = arith.cmpi sgt, %parallel_loop3A_425, %parallel_loop3A_428 : i32
            %parallel_loop3A_430 = arith.extui %parallel_loop3A_429 : i1 to i32
            %parallel_loop3A_431 = arith.constant 0 : i32
            %parallel_loop3A_432 = arith.cmpi slt, %parallel_loop3A_425, %parallel_loop3A_431 : i32
            %parallel_loop3A_433 = arith.extui %parallel_loop3A_432 : i1 to i32
            %parallel_loop3A_434 = arith.subi %parallel_loop3A_430, %parallel_loop3A_433 : i32
            %parallel_loop3A_435 = arith.constant 0 : i32
            %parallel_loop3A_436 = arith.cmpi sgt, %parallel_loop3A_426, %parallel_loop3A_435 : i32
            %parallel_loop3A_437 = arith.extui %parallel_loop3A_436 : i1 to i32
            %parallel_loop3A_438 = arith.constant 0 : i32
            %parallel_loop3A_439 = arith.cmpi slt, %parallel_loop3A_426, %parallel_loop3A_438 : i32
            %parallel_loop3A_440 = arith.extui %parallel_loop3A_439 : i1 to i32
            %parallel_loop3A_441 = arith.subi %parallel_loop3A_437, %parallel_loop3A_440 : i32
            %parallel_loop3A_442 = arith.cmpi ne, %parallel_loop3A_434, %parallel_loop3A_441 : i32
            %parallel_loop3A_443 = arith.remsi %parallel_loop3A_425, %parallel_loop3A_426 : i32
            %parallel_loop3A_444 = arith.constant 0 : i32
            %parallel_loop3A_445 = arith.cmpi ne, %parallel_loop3A_443, %parallel_loop3A_444 : i32
            %parallel_loop3A_446 = arith.andi %parallel_loop3A_442, %parallel_loop3A_445 : i1
            %parallel_loop3A_447 = arith.constant 1 : i32
            %parallel_loop3A_448 = arith.subi %parallel_loop3A_427, %parallel_loop3A_447 : i32
            %parallel_loop3A_449 = arith.select %parallel_loop3A_446, %parallel_loop3A_448, %parallel_loop3A_427 : i32
            %parallel_loop3A_450 = arith.constant 8 : i32
            %parallel_loop3A_451 = arith.constant 0 : i32
            %parallel_loop3A_452 = arith.cmpi eq, %parallel_loop3A_450, %parallel_loop3A_451 : i32
            %parallel_loop3A_453 = arith.constant 1 : i32
            %parallel_loop3A_454 = arith.select %parallel_loop3A_452, %parallel_loop3A_453, %parallel_loop3A_450 : i32
            %parallel_loop3A_455 = arith.remsi %parallel_loop3A_425, %parallel_loop3A_454 : i32
            %parallel_loop3A_456 = arith.constant 0 : i32
            %parallel_loop3A_457 = arith.cmpi ne, %parallel_loop3A_455, %parallel_loop3A_456 : i32
            %parallel_loop3A_458 = arith.constant 0 : i32
            %parallel_loop3A_459 = arith.cmpi slt, %parallel_loop3A_455, %parallel_loop3A_458 : i32
            %parallel_loop3A_460 = arith.constant 0 : i32
            %parallel_loop3A_461 = arith.cmpi slt, %parallel_loop3A_454, %parallel_loop3A_460 : i32
            %parallel_loop3A_462 = arith.xori %parallel_loop3A_459, %parallel_loop3A_461 : i1
            %parallel_loop3A_463 = arith.andi %parallel_loop3A_462, %parallel_loop3A_457 : i1
            %parallel_loop3A_464 = arith.addi %parallel_loop3A_455, %parallel_loop3A_454 : i32
            %parallel_loop3A_465 = arith.select %parallel_loop3A_463, %parallel_loop3A_464, %parallel_loop3A_455 : i32
            %parallel_loop3A_466 = arith.constant 0 : i32
            %parallel_loop3A_467 = vector.broadcast %parallel_loop3A_466 : i32 to vector<16xi32>
            %parallel_loop3A_468 = arith.constant 8 : i32
            %parallel_loop3A_469 = arith.muli %add3A_309, %parallel_loop3A_468 : i32
            %parallel_loop3A_470 = arith.addi %parallel_loop3A_469, %parallel_loop3A_449 : i32
            %parallel_loop3A_471 = vector.broadcast %parallel_loop3A_470 : i32 to vector<16xi32>
            %parallel_loop3A_472 = arith.addi %parallel_loop3A_467, %parallel_loop3A_471 : vector<16xi32>
            %parallel_loop3A_473 = arith.constant 16 : i32
            %parallel_loop3A_474 = arith.muli %parallel_loop3A_465, %parallel_loop3A_473 : i32
            %parallel_loop3A_475 = vector.broadcast %parallel_loop3A_474 : i32 to vector<16xi32>
            %parallel_loop3A_476 = arith.addi %parallel_loop3A_475, %iota3A : vector<16xi32>
            %parallel_loop3A_477 = tpu.vector_load_idx %arg5[%parallel_loop3A_476, %parallel_loop3A_472] : memref<128x200xi32, #tpu.memory_space<vmem>>[vector<16xi32>, vector<16xi32>], vector<16xi32>,
            %parallel_loop3A_478 = arith.constant 16 : i32
            %parallel_loop3A_479 = arith.muli %parallel_loop3A_465, %parallel_loop3A_478 : i32
            %parallel_loop3A_480 = arith.constant 0 : i32
            %parallel_loop3A_481 = arith.index_cast %parallel_loop3A_480 : i32 to index
            %parallel_loop3A_482 = arith.index_cast %parallel_loop3A_449 : i32 to index
            %parallel_loop3A_483 = arith.index_cast %parallel_loop3A_479 : i32 to index
            %parallel_loop3A_484 = tpu.vector_load %arg6[%parallel_loop3A_481, %parallel_loop3A_482, %parallel_loop3A_483] {strides = array<i32>} : memref<2x8x128xi32, #tpu.memory_space<vmem>>, vector<16xi32>,
            tpu.vector_store %arg6[%parallel_loop3A_481, %parallel_loop3A_482, %parallel_loop3A_483], %parallel_loop3A_477 {strides = array<i32>} : memref<2x8x128xi32, #tpu.memory_space<vmem>>, vector<16xi32>,
          } {sc.loop_unroll_factor = 8 : i64, sc.parallel_access}
          %dma_start3A_313 = arith.constant 0 : i32
          %dma_start3A_314 = arith.constant 0 : i32
          %dma_start3A_315 = arith.constant 0 : i32
          %dma_start3A_316 = arith.constant 0 : i32
          %dma_start3A_317 = arith.constant 0 : i32
          %dma_start3A_318 = arith.constant 0 : i32
          %dma_start3A_319 = tpu.memref_slice %arg7[%dma_start3A_315, %dma_start3A_316, %dma_start3A_317, %dma_start3A_318] : memref<2x8x128x32xf32, #tpu.memory_space<vmem>> -> memref<1x1x128x32xf32, #tpu.memory_space<vmem>>
          %dma_start3A_320 = tpu.memref_squeeze %dma_start3A_319 : memref<1x1x128x32xf32, #tpu.memory_space<vmem>> -> memref<128x32xf32, #tpu.memory_space<vmem>>
          %dma_start3A_321 = arith.constant 0 : i32
          %dma_start3A_322 = tpu.memref_slice %arg6[%dma_start3A_313, %dma_start3A_314, %dma_start3A_321] : memref<2x8x128xi32, #tpu.memory_space<vmem>> -> memref<1x1x128xi32, #tpu.memory_space<vmem>>
          %dma_start3A_323 = tpu.memref_squeeze %dma_start3A_322 : memref<1x1x128xi32, #tpu.memory_space<vmem>> -> memref<128xi32, #tpu.memory_space<vmem>>
          %dma_start3A_324 = arith.constant 0 : i32
          %dma_start3A_325 = arith.constant 0 : i32
          %dma_start3A_326 = tpu.memref_slice %arg3[%dma_start3A_324, %dma_start3A_325] : memref<1002016x32xf32, #tpu.memory_space<hbm>> -> memref<1002016x32xf32, #tpu.memory_space<hbm>>
          tpu.enqueue_indirect_dma source(%dma_start3A_326 : memref<1002016x32xf32, #tpu.memory_space<hbm>>) target(%dma_start3A_320 : memref<128x32xf32, #tpu.memory_space<vmem>>) offsets(%dma_start3A_323 : memref<128xi32, #tpu.memory_space<vmem>>) semaphore(%arg9 : memref<!tpu.dma_semaphore, #tpu.memory_space<semaphore_mem>>)
          %dma_start3A_327 = arith.constant 0 : i32
          %dma_start3A_328 = arith.constant 1 : i32
          %dma_start3A_329 = arith.constant 0 : i32
          %dma_start3A_330 = arith.constant 1 : i32
          %dma_start3A_331 = arith.constant 0 : i32
          %dma_start3A_332 = arith.constant 0 : i32
          %dma_start3A_333 = tpu.memref_slice %arg7[%dma_start3A_329, %dma_start3A_330, %dma_start3A_331, %dma_start3A_332] : memref<2x8x128x32xf32, #tpu.memory_space<vmem>> -> memref<1x1x128x32xf32, #tpu.memory_space<vmem>>
          %dma_start3A_334 = tpu.memref_squeeze %dma_start3A_333 : memref<1x1x128x32xf32, #tpu.memory_space<vmem>> -> memref<128x32xf32, #tpu.memory_space<vmem>>
          %dma_start3A_335 = arith.constant 0 : i32
          %dma_start3A_336 = tpu.memref_slice %arg6[%dma_start3A_327, %dma_start3A_328, %dma_start3A_335] : memref<2x8x128xi32, #tpu.memory_space<vmem>> -> memref<1x1x128xi32, #tpu.memory_space<vmem>>
          %dma_start3A_337 = tpu.memref_squeeze %dma_start3A_336 : memref<1x1x128xi32, #tpu.memory_space<vmem>> -> memref<128xi32, #tpu.memory_space<vmem>>
          %dma_start3A_338 = arith.constant 0 : i32
          %dma_start3A_339 = arith.constant 0 : i32
          %dma_start3A_340 = tpu.memref_slice %arg3[%dma_start3A_338, %dma_start3A_339] : memref<1002016x32xf32, #tpu.memory_space<hbm>> -> memref<1002016x32xf32, #tpu.memory_space<hbm>>
          tpu.enqueue_indirect_dma source(%dma_start3A_340 : memref<1002016x32xf32, #tpu.memory_space<hbm>>) target(%dma_start3A_334 : memref<128x32xf32, #tpu.memory_space<vmem>>) offsets(%dma_start3A_337 : memref<128xi32, #tpu.memory_space<vmem>>) semaphore(%arg9 : memref<!tpu.dma_semaphore, #tpu.memory_space<semaphore_mem>>)
          %dma_start3A_341 = arith.constant 0 : i32
          %dma_start3A_342 = arith.constant 2 : i32
          %dma_start3A_343 = arith.constant 0 : i32
          %dma_start3A_344 = arith.constant 2 : i32
          %dma_start3A_345 = arith.constant 0 : i32
          %dma_start3A_346 = arith.constant 0 : i32
          %dma_start3A_347 = tpu.memref_slice %arg7[%dma_start3A_343, %dma_start3A_344, %dma_start3A_345, %dma_start3A_346] : memref<2x8x128x32xf32, #tpu.memory_space<vmem>> -> memref<1x1x128x32xf32, #tpu.memory_space<vmem>>
          %dma_start3A_348 = tpu.memref_squeeze %dma_start3A_347 : memref<1x1x128x32xf32, #tpu.memory_space<vmem>> -> memref<128x32xf32, #tpu.memory_space<vmem>>
          %dma_start3A_349 = arith.constant 0 : i32
          %dma_start3A_350 = tpu.memref_slice %arg6[%dma_start3A_341, %dma_start3A_342, %dma_start3A_349] : memref<2x8x128xi32, #tpu.memory_space<vmem>> -> memref<1x1x128xi32, #tpu.memory_space<vmem>>
          %dma_start3A_351 = tpu.memref_squeeze %dma_start3A_350 : memref<1x1x128xi32, #tpu.memory_space<vmem>> -> memref<128xi32, #tpu.memory_space<vmem>>
          %dma_start3A_352 = arith.constant 0 : i32
          %dma_start3A_353 = arith.constant 0 : i32
          %dma_start3A_354 = tpu.memref_slice %arg3[%dma_start3A_352, %dma_start3A_353] : memref<1002016x32xf32, #tpu.memory_space<hbm>> -> memref<1002016x32xf32, #tpu.memory_space<hbm>>
          tpu.enqueue_indirect_dma source(%dma_start3A_354 : memref<1002016x32xf32, #tpu.memory_space<hbm>>) target(%dma_start3A_348 : memref<128x32xf32, #tpu.memory_space<vmem>>) offsets(%dma_start3A_351 : memref<128xi32, #tpu.memory_space<vmem>>) semaphore(%arg9 : memref<!tpu.dma_semaphore, #tpu.memory_space<semaphore_mem>>)
          %dma_start3A_355 = arith.constant 0 : i32
          %dma_start3A_356 = arith.constant 3 : i32
          %dma_start3A_357 = arith.constant 0 : i32
          %dma_start3A_358 = arith.constant 3 : i32
          %dma_start3A_359 = arith.constant 0 : i32
          %dma_start3A_360 = arith.constant 0 : i32
          %dma_start3A_361 = tpu.memref_slice %arg7[%dma_start3A_357, %dma_start3A_358, %dma_start3A_359, %dma_start3A_360] : memref<2x8x128x32xf32, #tpu.memory_space<vmem>> -> memref<1x1x128x32xf32, #tpu.memory_space<vmem>>
          %dma_start3A_362 = tpu.memref_squeeze %dma_start3A_361 : memref<1x1x128x32xf32, #tpu.memory_space<vmem>> -> memref<128x32xf32, #tpu.memory_space<vmem>>
          %dma_start3A_363 = arith.constant 0 : i32
          %dma_start3A_364 = tpu.memref_slice %arg6[%dma_start3A_355, %dma_start3A_356, %dma_start3A_363] : memref<2x8x128xi32, #tpu.memory_space<vmem>> -> memref<1x1x128xi32, #tpu.memory_space<vmem>>
          %dma_start3A_365 = tpu.memref_squeeze %dma_start3A_364 : memref<1x1x128xi32, #tpu.memory_space<vmem>> -> memref<128xi32, #tpu.memory_space<vmem>>
          %dma_start3A_366 = arith.constant 0 : i32
          %dma_start3A_367 = arith.constant 0 : i32
          %dma_start3A_368 = tpu.memref_slice %arg3[%dma_start3A_366, %dma_start3A_367] : memref<1002016x32xf32, #tpu.memory_space<hbm>> -> memref<1002016x32xf32, #tpu.memory_space<hbm>>
          tpu.enqueue_indirect_dma source(%dma_start3A_368 : memref<1002016x32xf32, #tpu.memory_space<hbm>>) target(%dma_start3A_362 : memref<128x32xf32, #tpu.memory_space<vmem>>) offsets(%dma_start3A_365 : memref<128xi32, #tpu.memory_space<vmem>>) semaphore(%arg9 : memref<!tpu.dma_semaphore, #tpu.memory_space<semaphore_mem>>)
          %dma_start3A_369 = arith.constant 0 : i32
          %dma_start3A_370 = arith.constant 4 : i32
          %dma_start3A_371 = arith.constant 0 : i32
          %dma_start3A_372 = arith.constant 4 : i32
          %dma_start3A_373 = arith.constant 0 : i32
          %dma_start3A_374 = arith.constant 0 : i32
          %dma_start3A_375 = tpu.memref_slice %arg7[%dma_start3A_371, %dma_start3A_372, %dma_start3A_373, %dma_start3A_374] : memref<2x8x128x32xf32, #tpu.memory_space<vmem>> -> memref<1x1x128x32xf32, #tpu.memory_space<vmem>>
          %dma_start3A_376 = tpu.memref_squeeze %dma_start3A_375 : memref<1x1x128x32xf32, #tpu.memory_space<vmem>> -> memref<128x32xf32, #tpu.memory_space<vmem>>
          %dma_start3A_377 = arith.constant 0 : i32
          %dma_start3A_378 = tpu.memref_slice %arg6[%dma_start3A_369, %dma_start3A_370, %dma_start3A_377] : memref<2x8x128xi32, #tpu.memory_space<vmem>> -> memref<1x1x128xi32, #tpu.memory_space<vmem>>
          %dma_start3A_379 = tpu.memref_squeeze %dma_start3A_378 : memref<1x1x128xi32, #tpu.memory_space<vmem>> -> memref<128xi32, #tpu.memory_space<vmem>>
          %dma_start3A_380 = arith.constant 0 : i32
          %dma_start3A_381 = arith.constant 0 : i32
          %dma_start3A_382 = tpu.memref_slice %arg3[%dma_start3A_380, %dma_start3A_381] : memref<1002016x32xf32, #tpu.memory_space<hbm>> -> memref<1002016x32xf32, #tpu.memory_space<hbm>>
          tpu.enqueue_indirect_dma source(%dma_start3A_382 : memref<1002016x32xf32, #tpu.memory_space<hbm>>) target(%dma_start3A_376 : memref<128x32xf32, #tpu.memory_space<vmem>>) offsets(%dma_start3A_379 : memref<128xi32, #tpu.memory_space<vmem>>) semaphore(%arg9 : memref<!tpu.dma_semaphore, #tpu.memory_space<semaphore_mem>>)
          %dma_start3A_383 = arith.constant 0 : i32
          %dma_start3A_384 = arith.constant 5 : i32
          %dma_start3A_385 = arith.constant 0 : i32
          %dma_start3A_386 = arith.constant 5 : i32
          %dma_start3A_387 = arith.constant 0 : i32
          %dma_start3A_388 = arith.constant 0 : i32
          %dma_start3A_389 = tpu.memref_slice %arg7[%dma_start3A_385, %dma_start3A_386, %dma_start3A_387, %dma_start3A_388] : memref<2x8x128x32xf32, #tpu.memory_space<vmem>> -> memref<1x1x128x32xf32, #tpu.memory_space<vmem>>
          %dma_start3A_390 = tpu.memref_squeeze %dma_start3A_389 : memref<1x1x128x32xf32, #tpu.memory_space<vmem>> -> memref<128x32xf32, #tpu.memory_space<vmem>>
          %dma_start3A_391 = arith.constant 0 : i32
          %dma_start3A_392 = tpu.memref_slice %arg6[%dma_start3A_383, %dma_start3A_384, %dma_start3A_391] : memref<2x8x128xi32, #tpu.memory_space<vmem>> -> memref<1x1x128xi32, #tpu.memory_space<vmem>>
          %dma_start3A_393 = tpu.memref_squeeze %dma_start3A_392 : memref<1x1x128xi32, #tpu.memory_space<vmem>> -> memref<128xi32, #tpu.memory_space<vmem>>
          %dma_start3A_394 = arith.constant 0 : i32
          %dma_start3A_395 = arith.constant 0 : i32
          %dma_start3A_396 = tpu.memref_slice %arg3[%dma_start3A_394, %dma_start3A_395] : memref<1002016x32xf32, #tpu.memory_space<hbm>> -> memref<1002016x32xf32, #tpu.memory_space<hbm>>
          tpu.enqueue_indirect_dma source(%dma_start3A_396 : memref<1002016x32xf32, #tpu.memory_space<hbm>>) target(%dma_start3A_390 : memref<128x32xf32, #tpu.memory_space<vmem>>) offsets(%dma_start3A_393 : memref<128xi32, #tpu.memory_space<vmem>>) semaphore(%arg9 : memref<!tpu.dma_semaphore, #tpu.memory_space<semaphore_mem>>)
          %dma_start3A_397 = arith.constant 0 : i32
          %dma_start3A_398 = arith.constant 6 : i32
          %dma_start3A_399 = arith.constant 0 : i32
          %dma_start3A_400 = arith.constant 6 : i32
          %dma_start3A_401 = arith.constant 0 : i32
          %dma_start3A_402 = arith.constant 0 : i32
          %dma_start3A_403 = tpu.memref_slice %arg7[%dma_start3A_399, %dma_start3A_400, %dma_start3A_401, %dma_start3A_402] : memref<2x8x128x32xf32, #tpu.memory_space<vmem>> -> memref<1x1x128x32xf32, #tpu.memory_space<vmem>>
          %dma_start3A_404 = tpu.memref_squeeze %dma_start3A_403 : memref<1x1x128x32xf32, #tpu.memory_space<vmem>> -> memref<128x32xf32, #tpu.memory_space<vmem>>
          %dma_start3A_405 = arith.constant 0 : i32
          %dma_start3A_406 = tpu.memref_slice %arg6[%dma_start3A_397, %dma_start3A_398, %dma_start3A_405] : memref<2x8x128xi32, #tpu.memory_space<vmem>> -> memref<1x1x128xi32, #tpu.memory_space<vmem>>
          %dma_start3A_407 = tpu.memref_squeeze %dma_start3A_406 : memref<1x1x128xi32, #tpu.memory_space<vmem>> -> memref<128xi32, #tpu.memory_space<vmem>>
          %dma_start3A_408 = arith.constant 0 : i32
          %dma_start3A_409 = arith.constant 0 : i32
          %dma_start3A_410 = tpu.memref_slice %arg3[%dma_start3A_408, %dma_start3A_409] : memref<1002016x32xf32, #tpu.memory_space<hbm>> -> memref<1002016x32xf32, #tpu.memory_space<hbm>>
          tpu.enqueue_indirect_dma source(%dma_start3A_410 : memref<1002016x32xf32, #tpu.memory_space<hbm>>) target(%dma_start3A_404 : memref<128x32xf32, #tpu.memory_space<vmem>>) offsets(%dma_start3A_407 : memref<128xi32, #tpu.memory_space<vmem>>) semaphore(%arg9 : memref<!tpu.dma_semaphore, #tpu.memory_space<semaphore_mem>>)
          %dma_start3A_411 = arith.constant 0 : i32
          %dma_start3A_412 = arith.constant 7 : i32
          %dma_start3A_413 = arith.constant 0 : i32
          %dma_start3A_414 = arith.constant 7 : i32
          %dma_start3A_415 = arith.constant 0 : i32
          %dma_start3A_416 = arith.constant 0 : i32
          %dma_start3A_417 = tpu.memref_slice %arg7[%dma_start3A_413, %dma_start3A_414, %dma_start3A_415, %dma_start3A_416] : memref<2x8x128x32xf32, #tpu.memory_space<vmem>> -> memref<1x1x128x32xf32, #tpu.memory_space<vmem>>
          %dma_start3A_418 = tpu.memref_squeeze %dma_start3A_417 : memref<1x1x128x32xf32, #tpu.memory_space<vmem>> -> memref<128x32xf32, #tpu.memory_space<vmem>>
          %dma_start3A_419 = arith.constant 0 : i32
          %dma_start3A_420 = tpu.memref_slice %arg6[%dma_start3A_411, %dma_start3A_412, %dma_start3A_419] : memref<2x8x128xi32, #tpu.memory_space<vmem>> -> memref<1x1x128xi32, #tpu.memory_space<vmem>>
          %dma_start3A_421 = tpu.memref_squeeze %dma_start3A_420 : memref<1x1x128xi32, #tpu.memory_space<vmem>> -> memref<128xi32, #tpu.memory_space<vmem>>
          %dma_start3A_422 = arith.constant 0 : i32
          %dma_start3A_423 = arith.constant 0 : i32
          %dma_start3A_424 = tpu.memref_slice %arg3[%dma_start3A_422, %dma_start3A_423] : memref<1002016x32xf32, #tpu.memory_space<hbm>> -> memref<1002016x32xf32, #tpu.memory_space<hbm>>
          tpu.enqueue_indirect_dma source(%dma_start3A_424 : memref<1002016x32xf32, #tpu.memory_space<hbm>>) target(%dma_start3A_418 : memref<128x32xf32, #tpu.memory_space<vmem>>) offsets(%dma_start3A_421 : memref<128xi32, #tpu.memory_space<vmem>>) semaphore(%arg9 : memref<!tpu.dma_semaphore, #tpu.memory_space<semaphore_mem>>)
        } else {
        }
        %dma_wait3A_189 = arith.constant 1 : i32
        %dma_wait3A_190 = arith.constant 0 : i32
        %dma_wait3A_191 = arith.constant 1 : i32
        %dma_wait3A_192 = arith.constant 0 : i32
        %dma_wait3A_193 = arith.constant 0 : i32
        %dma_wait3A_194 = arith.constant 0 : i32
        %dma_wait3A_195 = tpu.memref_slice %arg7[%dma_wait3A_191, %dma_wait3A_192, %dma_wait3A_193, %dma_wait3A_194] : memref<2x8x128x32xf32, #tpu.memory_space<vmem>> -> memref<1x1x128x32xf32, #tpu.memory_space<vmem>>
        %dma_wait3A_196 = tpu.memref_squeeze %dma_wait3A_195 : memref<1x1x128x32xf32, #tpu.memory_space<vmem>> -> memref<128x32xf32, #tpu.memory_space<vmem>>
        %dma_wait3A_197 = arith.constant 0 : i32
        %dma_wait3A_198 = tpu.memref_slice %arg6[%dma_wait3A_189, %dma_wait3A_190, %dma_wait3A_197] : memref<2x8x128xi32, #tpu.memory_space<vmem>> -> memref<1x1x128xi32, #tpu.memory_space<vmem>>
        %dma_wait3A_199 = tpu.memref_squeeze %dma_wait3A_198 : memref<1x1x128xi32, #tpu.memory_space<vmem>> -> memref<128xi32, #tpu.memory_space<vmem>>
        %dma_wait3A_200 = arith.constant 0 : i32
        %dma_wait3A_201 = arith.constant 0 : i32
        %dma_wait3A_202 = tpu.memref_slice %arg3[%dma_wait3A_200, %dma_wait3A_201] : memref<1002016x32xf32, #tpu.memory_space<hbm>> -> memref<1002016x32xf32, #tpu.memory_space<hbm>>
        tpu.wait_indirect_dma semaphore(%arg10 : memref<!tpu.dma_semaphore, #tpu.memory_space<semaphore_mem>>) src(%dma_wait3A_202 : memref<1002016x32xf32, #tpu.memory_space<hbm>>) dst(%dma_wait3A_196 : memref<128x32xf32, #tpu.memory_space<vmem>>)
        %dma_wait3A_203 = arith.constant 1 : i32
        %dma_wait3A_204 = arith.constant 1 : i32
        %dma_wait3A_205 = arith.constant 1 : i32
        %dma_wait3A_206 = arith.constant 1 : i32
        %dma_wait3A_207 = arith.constant 0 : i32
        %dma_wait3A_208 = arith.constant 0 : i32
        %dma_wait3A_209 = tpu.memref_slice %arg7[%dma_wait3A_205, %dma_wait3A_206, %dma_wait3A_207, %dma_wait3A_208] : memref<2x8x128x32xf32, #tpu.memory_space<vmem>> -> memref<1x1x128x32xf32, #tpu.memory_space<vmem>>
        %dma_wait3A_210 = tpu.memref_squeeze %dma_wait3A_209 : memref<1x1x128x32xf32, #tpu.memory_space<vmem>> -> memref<128x32xf32, #tpu.memory_space<vmem>>
        %dma_wait3A_211 = arith.constant 0 : i32
        %dma_wait3A_212 = tpu.memref_slice %arg6[%dma_wait3A_203, %dma_wait3A_204, %dma_wait3A_211] : memref<2x8x128xi32, #tpu.memory_space<vmem>> -> memref<1x1x128xi32, #tpu.memory_space<vmem>>
        %dma_wait3A_213 = tpu.memref_squeeze %dma_wait3A_212 : memref<1x1x128xi32, #tpu.memory_space<vmem>> -> memref<128xi32, #tpu.memory_space<vmem>>
        %dma_wait3A_214 = arith.constant 0 : i32
        %dma_wait3A_215 = arith.constant 0 : i32
        %dma_wait3A_216 = tpu.memref_slice %arg3[%dma_wait3A_214, %dma_wait3A_215] : memref<1002016x32xf32, #tpu.memory_space<hbm>> -> memref<1002016x32xf32, #tpu.memory_space<hbm>>
        tpu.wait_indirect_dma semaphore(%arg10 : memref<!tpu.dma_semaphore, #tpu.memory_space<semaphore_mem>>) src(%dma_wait3A_216 : memref<1002016x32xf32, #tpu.memory_space<hbm>>) dst(%dma_wait3A_210 : memref<128x32xf32, #tpu.memory_space<vmem>>)
        %dma_wait3A_217 = arith.constant 1 : i32
        %dma_wait3A_218 = arith.constant 2 : i32
        %dma_wait3A_219 = arith.constant 1 : i32
        %dma_wait3A_220 = arith.constant 2 : i32
        %dma_wait3A_221 = arith.constant 0 : i32
        %dma_wait3A_222 = arith.constant 0 : i32
        %dma_wait3A_223 = tpu.memref_slice %arg7[%dma_wait3A_219, %dma_wait3A_220, %dma_wait3A_221, %dma_wait3A_222] : memref<2x8x128x32xf32, #tpu.memory_space<vmem>> -> memref<1x1x128x32xf32, #tpu.memory_space<vmem>>
        %dma_wait3A_224 = tpu.memref_squeeze %dma_wait3A_223 : memref<1x1x128x32xf32, #tpu.memory_space<vmem>> -> memref<128x32xf32, #tpu.memory_space<vmem>>
        %dma_wait3A_225 = arith.constant 0 : i32
        %dma_wait3A_226 = tpu.memref_slice %arg6[%dma_wait3A_217, %dma_wait3A_218, %dma_wait3A_225] : memref<2x8x128xi32, #tpu.memory_space<vmem>> -> memref<1x1x128xi32, #tpu.memory_space<vmem>>
        %dma_wait3A_227 = tpu.memref_squeeze %dma_wait3A_226 : memref<1x1x128xi32, #tpu.memory_space<vmem>> -> memref<128xi32, #tpu.memory_space<vmem>>
        %dma_wait3A_228 = arith.constant 0 : i32
        %dma_wait3A_229 = arith.constant 0 : i32
        %dma_wait3A_230 = tpu.memref_slice %arg3[%dma_wait3A_228, %dma_wait3A_229] : memref<1002016x32xf32, #tpu.memory_space<hbm>> -> memref<1002016x32xf32, #tpu.memory_space<hbm>>
        tpu.wait_indirect_dma semaphore(%arg10 : memref<!tpu.dma_semaphore, #tpu.memory_space<semaphore_mem>>) src(%dma_wait3A_230 : memref<1002016x32xf32, #tpu.memory_space<hbm>>) dst(%dma_wait3A_224 : memref<128x32xf32, #tpu.memory_space<vmem>>)
        %dma_wait3A_231 = arith.constant 1 : i32
        %dma_wait3A_232 = arith.constant 3 : i32
        %dma_wait3A_233 = arith.constant 1 : i32
        %dma_wait3A_234 = arith.constant 3 : i32
        %dma_wait3A_235 = arith.constant 0 : i32
        %dma_wait3A_236 = arith.constant 0 : i32
        %dma_wait3A_237 = tpu.memref_slice %arg7[%dma_wait3A_233, %dma_wait3A_234, %dma_wait3A_235, %dma_wait3A_236] : memref<2x8x128x32xf32, #tpu.memory_space<vmem>> -> memref<1x1x128x32xf32, #tpu.memory_space<vmem>>
        %dma_wait3A_238 = tpu.memref_squeeze %dma_wait3A_237 : memref<1x1x128x32xf32, #tpu.memory_space<vmem>> -> memref<128x32xf32, #tpu.memory_space<vmem>>
        %dma_wait3A_239 = arith.constant 0 : i32
        %dma_wait3A_240 = tpu.memref_slice %arg6[%dma_wait3A_231, %dma_wait3A_232, %dma_wait3A_239] : memref<2x8x128xi32, #tpu.memory_space<vmem>> -> memref<1x1x128xi32, #tpu.memory_space<vmem>>
        %dma_wait3A_241 = tpu.memref_squeeze %dma_wait3A_240 : memref<1x1x128xi32, #tpu.memory_space<vmem>> -> memref<128xi32, #tpu.memory_space<vmem>>
        %dma_wait3A_242 = arith.constant 0 : i32
        %dma_wait3A_243 = arith.constant 0 : i32
        %dma_wait3A_244 = tpu.memref_slice %arg3[%dma_wait3A_242, %dma_wait3A_243] : memref<1002016x32xf32, #tpu.memory_space<hbm>> -> memref<1002016x32xf32, #tpu.memory_space<hbm>>
        tpu.wait_indirect_dma semaphore(%arg10 : memref<!tpu.dma_semaphore, #tpu.memory_space<semaphore_mem>>) src(%dma_wait3A_244 : memref<1002016x32xf32, #tpu.memory_space<hbm>>) dst(%dma_wait3A_238 : memref<128x32xf32, #tpu.memory_space<vmem>>)
        %dma_wait3A_245 = arith.constant 1 : i32
        %dma_wait3A_246 = arith.constant 4 : i32
        %dma_wait3A_247 = arith.constant 1 : i32
        %dma_wait3A_248 = arith.constant 4 : i32
        %dma_wait3A_249 = arith.constant 0 : i32
        %dma_wait3A_250 = arith.constant 0 : i32
        %dma_wait3A_251 = tpu.memref_slice %arg7[%dma_wait3A_247, %dma_wait3A_248, %dma_wait3A_249, %dma_wait3A_250] : memref<2x8x128x32xf32, #tpu.memory_space<vmem>> -> memref<1x1x128x32xf32, #tpu.memory_space<vmem>>
        %dma_wait3A_252 = tpu.memref_squeeze %dma_wait3A_251 : memref<1x1x128x32xf32, #tpu.memory_space<vmem>> -> memref<128x32xf32, #tpu.memory_space<vmem>>
        %dma_wait3A_253 = arith.constant 0 : i32
        %dma_wait3A_254 = tpu.memref_slice %arg6[%dma_wait3A_245, %dma_wait3A_246, %dma_wait3A_253] : memref<2x8x128xi32, #tpu.memory_space<vmem>> -> memref<1x1x128xi32, #tpu.memory_space<vmem>>
        %dma_wait3A_255 = tpu.memref_squeeze %dma_wait3A_254 : memref<1x1x128xi32, #tpu.memory_space<vmem>> -> memref<128xi32, #tpu.memory_space<vmem>>
        %dma_wait3A_256 = arith.constant 0 : i32
        %dma_wait3A_257 = arith.constant 0 : i32
        %dma_wait3A_258 = tpu.memref_slice %arg3[%dma_wait3A_256, %dma_wait3A_257] : memref<1002016x32xf32, #tpu.memory_space<hbm>> -> memref<1002016x32xf32, #tpu.memory_space<hbm>>
        tpu.wait_indirect_dma semaphore(%arg10 : memref<!tpu.dma_semaphore, #tpu.memory_space<semaphore_mem>>) src(%dma_wait3A_258 : memref<1002016x32xf32, #tpu.memory_space<hbm>>) dst(%dma_wait3A_252 : memref<128x32xf32, #tpu.memory_space<vmem>>)
        %dma_wait3A_259 = arith.constant 1 : i32
        %dma_wait3A_260 = arith.constant 5 : i32
        %dma_wait3A_261 = arith.constant 1 : i32
        %dma_wait3A_262 = arith.constant 5 : i32
        %dma_wait3A_263 = arith.constant 0 : i32
        %dma_wait3A_264 = arith.constant 0 : i32
        %dma_wait3A_265 = tpu.memref_slice %arg7[%dma_wait3A_261, %dma_wait3A_262, %dma_wait3A_263, %dma_wait3A_264] : memref<2x8x128x32xf32, #tpu.memory_space<vmem>> -> memref<1x1x128x32xf32, #tpu.memory_space<vmem>>
        %dma_wait3A_266 = tpu.memref_squeeze %dma_wait3A_265 : memref<1x1x128x32xf32, #tpu.memory_space<vmem>> -> memref<128x32xf32, #tpu.memory_space<vmem>>
        %dma_wait3A_267 = arith.constant 0 : i32
        %dma_wait3A_268 = tpu.memref_slice %arg6[%dma_wait3A_259, %dma_wait3A_260, %dma_wait3A_267] : memref<2x8x128xi32, #tpu.memory_space<vmem>> -> memref<1x1x128xi32, #tpu.memory_space<vmem>>
        %dma_wait3A_269 = tpu.memref_squeeze %dma_wait3A_268 : memref<1x1x128xi32, #tpu.memory_space<vmem>> -> memref<128xi32, #tpu.memory_space<vmem>>
        %dma_wait3A_270 = arith.constant 0 : i32
        %dma_wait3A_271 = arith.constant 0 : i32
        %dma_wait3A_272 = tpu.memref_slice %arg3[%dma_wait3A_270, %dma_wait3A_271] : memref<1002016x32xf32, #tpu.memory_space<hbm>> -> memref<1002016x32xf32, #tpu.memory_space<hbm>>
        tpu.wait_indirect_dma semaphore(%arg10 : memref<!tpu.dma_semaphore, #tpu.memory_space<semaphore_mem>>) src(%dma_wait3A_272 : memref<1002016x32xf32, #tpu.memory_space<hbm>>) dst(%dma_wait3A_266 : memref<128x32xf32, #tpu.memory_space<vmem>>)
        %dma_wait3A_273 = arith.constant 1 : i32
        %dma_wait3A_274 = arith.constant 6 : i32
        %dma_wait3A_275 = arith.constant 1 : i32
        %dma_wait3A_276 = arith.constant 6 : i32
        %dma_wait3A_277 = arith.constant 0 : i32
        %dma_wait3A_278 = arith.constant 0 : i32
        %dma_wait3A_279 = tpu.memref_slice %arg7[%dma_wait3A_275, %dma_wait3A_276, %dma_wait3A_277, %dma_wait3A_278] : memref<2x8x128x32xf32, #tpu.memory_space<vmem>> -> memref<1x1x128x32xf32, #tpu.memory_space<vmem>>
        %dma_wait3A_280 = tpu.memref_squeeze %dma_wait3A_279 : memref<1x1x128x32xf32, #tpu.memory_space<vmem>> -> memref<128x32xf32, #tpu.memory_space<vmem>>
        %dma_wait3A_281 = arith.constant 0 : i32
        %dma_wait3A_282 = tpu.memref_slice %arg6[%dma_wait3A_273, %dma_wait3A_274, %dma_wait3A_281] : memref<2x8x128xi32, #tpu.memory_space<vmem>> -> memref<1x1x128xi32, #tpu.memory_space<vmem>>
        %dma_wait3A_283 = tpu.memref_squeeze %dma_wait3A_282 : memref<1x1x128xi32, #tpu.memory_space<vmem>> -> memref<128xi32, #tpu.memory_space<vmem>>
        %dma_wait3A_284 = arith.constant 0 : i32
        %dma_wait3A_285 = arith.constant 0 : i32
        %dma_wait3A_286 = tpu.memref_slice %arg3[%dma_wait3A_284, %dma_wait3A_285] : memref<1002016x32xf32, #tpu.memory_space<hbm>> -> memref<1002016x32xf32, #tpu.memory_space<hbm>>
        tpu.wait_indirect_dma semaphore(%arg10 : memref<!tpu.dma_semaphore, #tpu.memory_space<semaphore_mem>>) src(%dma_wait3A_286 : memref<1002016x32xf32, #tpu.memory_space<hbm>>) dst(%dma_wait3A_280 : memref<128x32xf32, #tpu.memory_space<vmem>>)
        %dma_wait3A_287 = arith.constant 1 : i32
        %dma_wait3A_288 = arith.constant 7 : i32
        %dma_wait3A_289 = arith.constant 1 : i32
        %dma_wait3A_290 = arith.constant 7 : i32
        %dma_wait3A_291 = arith.constant 0 : i32
        %dma_wait3A_292 = arith.constant 0 : i32
        %dma_wait3A_293 = tpu.memref_slice %arg7[%dma_wait3A_289, %dma_wait3A_290, %dma_wait3A_291, %dma_wait3A_292] : memref<2x8x128x32xf32, #tpu.memory_space<vmem>> -> memref<1x1x128x32xf32, #tpu.memory_space<vmem>>
        %dma_wait3A_294 = tpu.memref_squeeze %dma_wait3A_293 : memref<1x1x128x32xf32, #tpu.memory_space<vmem>> -> memref<128x32xf32, #tpu.memory_space<vmem>>
        %dma_wait3A_295 = arith.constant 0 : i32
        %dma_wait3A_296 = tpu.memref_slice %arg6[%dma_wait3A_287, %dma_wait3A_288, %dma_wait3A_295] : memref<2x8x128xi32, #tpu.memory_space<vmem>> -> memref<1x1x128xi32, #tpu.memory_space<vmem>>
        %dma_wait3A_297 = tpu.memref_squeeze %dma_wait3A_296 : memref<1x1x128xi32, #tpu.memory_space<vmem>> -> memref<128xi32, #tpu.memory_space<vmem>>
        %dma_wait3A_298 = arith.constant 0 : i32
        %dma_wait3A_299 = arith.constant 0 : i32
        %dma_wait3A_300 = tpu.memref_slice %arg3[%dma_wait3A_298, %dma_wait3A_299] : memref<1002016x32xf32, #tpu.memory_space<hbm>> -> memref<1002016x32xf32, #tpu.memory_space<hbm>>
        tpu.wait_indirect_dma semaphore(%arg10 : memref<!tpu.dma_semaphore, #tpu.memory_space<semaphore_mem>>) src(%dma_wait3A_300 : memref<1002016x32xf32, #tpu.memory_space<hbm>>) dst(%dma_wait3A_294 : memref<128x32xf32, #tpu.memory_space<vmem>>)
        %scan3A_301 = arith.constant 0 : i32
        %scan3A_302 = arith.constant 0 : i32
        %scan3A_303 = arith.constant 8 : i32
        %scan3A_304 = arith.addi %scan3A_302, %scan3A_303 : i32
        %scan3A_305 = arith.constant 1 : i32
        %scan3A_306 = scf.for %scan3A_308 = %scan3A_302 to %scan3A_304 step %scan3A_305 iter_args(%scan3A_309 = %scan3A_301) -> (i32)  : i32 {
          %jit3A = arith.constant 2 : i32
          %eq3A = arith.constant 0 : i32
          %eq3A_310 = arith.cmpi eq, %jit3A, %eq3A : i32
          %jit3A_311 = arith.constant 1 : i32
          %select_n3A = arith.select %eq3A_310, %jit3A_311, %jit3A : i32
          %rem3A = arith.remsi %scan3A_308, %select_n3A : i32
          %ne3A = arith.constant 0 : i32
          %ne3A_312 = arith.cmpi ne, %rem3A, %ne3A : i32
          %lt3A_313 = arith.constant 0 : i32
          %lt3A_314 = arith.cmpi slt, %rem3A, %lt3A_313 : i32
          %lt3A_315 = arith.constant 0 : i32
          %lt3A_316 = arith.cmpi slt, %select_n3A, %lt3A_315 : i32
          %ne3A_317 = arith.xori %lt3A_314, %lt3A_316 : i1
          %and3A = arith.andi %ne3A_317, %ne3A_312 : i1
          %add3A_318 = arith.addi %rem3A, %select_n3A : i32
          %select_n3A_319 = arith.select %and3A, %add3A_318, %rem3A : i32
          %mul3A_320 = arith.constant 8 : i32
          %mul3A_321 = arith.muli %add3A_175, %mul3A_320 : i32
          %add3A_322 = arith.addi %mul3A_321, %scan3A_308 : i32
          %ge3A = arith.constant 2 : i32
          %ge3A_323 = arith.cmpi sge, %add3A_322, %ge3A : i32
          %convert_element_type3A_324 = arith.extui %ge3A_323 : i1 to i32
          %cond3A_325 = arith.constant 0 : i32
          %cond3A_326 = arith.cmpi ne, %convert_element_type3A_324, %cond3A_325 : i32
          scf.if %cond3A_326 {
            %dma_wait3A_349 = arith.constant 0 : i32
            %dma_wait3A_350 = arith.constant 0 : i32
            %dma_wait3A_351 = arith.constant 0 : i32
            %dma_wait3A_352 = tpu.memref_slice %arg8[%select_n3A_319, %dma_wait3A_349, %dma_wait3A_350, %dma_wait3A_351] : memref<2x4x1x1024xf32, #tpu.memory_space<vmem>> -> memref<1x4x1x1024xf32, #tpu.memory_space<vmem>>
            %dma_wait3A_353 = tpu.memref_squeeze %dma_wait3A_352 : memref<1x4x1x1024xf32, #tpu.memory_space<vmem>> -> memref<4x1x1024xf32, #tpu.memory_space<vmem>>
            %dma_wait3A_354 = arith.constant 0 : i32
            %dma_wait3A_355 = arith.constant 0 : i32
            %dma_wait3A_356 = tpu.memref_slice %arg4[%add3A_322, %dma_wait3A_354, %add3A, %dma_wait3A_355] : memref<200x4x32x1024xf32, #tpu.memory_space<hbm>> -> memref<1x4x1x1024xf32, #tpu.memory_space<hbm>>
            %dma_wait3A_357 = tpu.memref_squeeze %dma_wait3A_356 : memref<1x4x1x1024xf32, #tpu.memory_space<hbm>> -> memref<4x1x1024xf32, #tpu.memory_space<hbm>>
            %dma_wait3A_358 = arith.constant 0 : i32
            %dma_wait3A_359 = arith.constant 0 : i32
            %dma_wait3A_360 = tpu.memref_slice %arg4[%add3A_322, %dma_wait3A_358, %add3A, %dma_wait3A_359] : memref<200x4x32x1024xf32, #tpu.memory_space<hbm>> -> memref<1x4x1x1024xf32, #tpu.memory_space<hbm>>
            %dma_wait3A_361 = tpu.memref_squeeze %dma_wait3A_360 : memref<1x4x1x1024xf32, #tpu.memory_space<hbm>> -> memref<4x1x1024xf32, #tpu.memory_space<hbm>>
            %dma_wait3A_362 = arith.constant 0 : i32
            %dma_wait3A_363 = arith.constant 0 : i32
            %dma_wait3A_364 = arith.constant 0 : i32
            %dma_wait3A_365 = tpu.memref_slice %arg8[%select_n3A_319, %dma_wait3A_362, %dma_wait3A_363, %dma_wait3A_364] : memref<2x4x1x1024xf32, #tpu.memory_space<vmem>> -> memref<1x4x1x1024xf32, #tpu.memory_space<vmem>>
            %dma_wait3A_366 = tpu.memref_squeeze %dma_wait3A_365 : memref<1x4x1x1024xf32, #tpu.memory_space<vmem>> -> memref<4x1x1024xf32, #tpu.memory_space<vmem>>
            tpu.wait_dma2 semaphore(%arg11 : memref<!tpu.dma_semaphore, #tpu.memory_space<semaphore_mem>>) src(%dma_wait3A_366 : memref<4x1x1024xf32, #tpu.memory_space<vmem>>) dst(%dma_wait3A_361 : memref<4x1x1024xf32, #tpu.memory_space<hbm>>)
          } else {
          }
          %parallel_loop3A_327 = arith.constant 0 : i32
          %parallel_loop3A_328 = arith.constant 256 : i32
          %parallel_loop3A_329 = arith.constant 1 : i32
          scf.for %parallel_loop3A_349 = %parallel_loop3A_327 to %parallel_loop3A_328 step %parallel_loop3A_329  : i32 {
            %parallel_loop3A_350 = arith.constant 2 : i32
            %parallel_loop3A_351 = arith.divsi %parallel_loop3A_349, %parallel_loop3A_350 : i32
            %parallel_loop3A_352 = arith.constant 0 : i32
            %parallel_loop3A_353 = arith.cmpi sgt, %parallel_loop3A_349, %parallel_loop3A_352 : i32
            %parallel_loop3A_354 = arith.extui %parallel_loop3A_353 : i1 to i32
            %parallel_loop3A_355 = arith.constant 0 : i32
            %parallel_loop3A_356 = arith.cmpi slt, %parallel_loop3A_349, %parallel_loop3A_355 : i32
            %parallel_loop3A_357 = arith.extui %parallel_loop3A_356 : i1 to i32
            %parallel_loop3A_358 = arith.subi %parallel_loop3A_354, %parallel_loop3A_357 : i32
            %parallel_loop3A_359 = arith.constant 0 : i32
            %parallel_loop3A_360 = arith.cmpi sgt, %parallel_loop3A_350, %parallel_loop3A_359 : i32
            %parallel_loop3A_361 = arith.extui %parallel_loop3A_360 : i1 to i32
            %parallel_loop3A_362 = arith.constant 0 : i32
            %parallel_loop3A_363 = arith.cmpi slt, %parallel_loop3A_350, %parallel_loop3A_362 : i32
            %parallel_loop3A_364 = arith.extui %parallel_loop3A_363 : i1 to i32
            %parallel_loop3A_365 = arith.subi %parallel_loop3A_361, %parallel_loop3A_364 : i32
            %parallel_loop3A_366 = arith.cmpi ne, %parallel_loop3A_358, %parallel_loop3A_365 : i32
            %parallel_loop3A_367 = arith.remsi %parallel_loop3A_349, %parallel_loop3A_350 : i32
            %parallel_loop3A_368 = arith.constant 0 : i32
            %parallel_loop3A_369 = arith.cmpi ne, %parallel_loop3A_367, %parallel_loop3A_368 : i32
            %parallel_loop3A_370 = arith.andi %parallel_loop3A_366, %parallel_loop3A_369 : i1
            %parallel_loop3A_371 = arith.constant 1 : i32
            %parallel_loop3A_372 = arith.subi %parallel_loop3A_351, %parallel_loop3A_371 : i32
            %parallel_loop3A_373 = arith.select %parallel_loop3A_370, %parallel_loop3A_372, %parallel_loop3A_351 : i32
            %parallel_loop3A_374 = arith.constant 2 : i32
            %parallel_loop3A_375 = arith.constant 0 : i32
            %parallel_loop3A_376 = arith.cmpi eq, %parallel_loop3A_374, %parallel_loop3A_375 : i32
            %parallel_loop3A_377 = arith.constant 1 : i32
            %parallel_loop3A_378 = arith.select %parallel_loop3A_376, %parallel_loop3A_377, %parallel_loop3A_374 : i32
            %parallel_loop3A_379 = arith.remsi %parallel_loop3A_349, %parallel_loop3A_378 : i32
            %parallel_loop3A_380 = arith.constant 0 : i32
            %parallel_loop3A_381 = arith.cmpi ne, %parallel_loop3A_379, %parallel_loop3A_380 : i32
            %parallel_loop3A_382 = arith.constant 0 : i32
            %parallel_loop3A_383 = arith.cmpi slt, %parallel_loop3A_379, %parallel_loop3A_382 : i32
            %parallel_loop3A_384 = arith.constant 0 : i32
            %parallel_loop3A_385 = arith.cmpi slt, %parallel_loop3A_378, %parallel_loop3A_384 : i32
            %parallel_loop3A_386 = arith.xori %parallel_loop3A_383, %parallel_loop3A_385 : i1
            %parallel_loop3A_387 = arith.andi %parallel_loop3A_386, %parallel_loop3A_381 : i1
            %parallel_loop3A_388 = arith.addi %parallel_loop3A_379, %parallel_loop3A_378 : i32
            %parallel_loop3A_389 = arith.select %parallel_loop3A_387, %parallel_loop3A_388, %parallel_loop3A_379 : i32
            %parallel_loop3A_390 = arith.constant 16 : i32
            %parallel_loop3A_391 = arith.muli %parallel_loop3A_389, %parallel_loop3A_390 : i32
            %parallel_loop3A_392 = arith.constant 1 : i32
            %parallel_loop3A_393 = arith.index_cast %parallel_loop3A_392 : i32 to index
            %parallel_loop3A_394 = arith.index_cast %scan3A_308 : i32 to index
            %parallel_loop3A_395 = arith.index_cast %parallel_loop3A_373 : i32 to index
            %parallel_loop3A_396 = arith.index_cast %parallel_loop3A_391 : i32 to index
            %parallel_loop3A_397 = tpu.vector_load %arg7[%parallel_loop3A_393, %parallel_loop3A_394, %parallel_loop3A_395, %parallel_loop3A_396] {strides = array<i32>} : memref<2x8x128x32xf32, #tpu.memory_space<vmem>>, vector<16xf32>,
            %parallel_loop3A_398 = arith.constant 128 : i32
            %parallel_loop3A_399 = arith.muli %parallel_loop3A_391, %parallel_loop3A_398 : i32
            %parallel_loop3A_400 = arith.addi %parallel_loop3A_399, %parallel_loop3A_373 : i32
            %parallel_loop3A_401 = vector.broadcast %parallel_loop3A_400 : i32 to vector<16xi32>
            %parallel_loop3A_402 = arith.addi %mul3A_5, %parallel_loop3A_401 : vector<16xi32>
            %parallel_loop3A_403 = arith.constant 10 : i32
            %parallel_loop3A_404 = vector.broadcast %parallel_loop3A_403 : i32 to vector<16xi32>
            %parallel_loop3A_405 = arith.shrsi %parallel_loop3A_402, %parallel_loop3A_404 : vector<16xi32>
            %parallel_loop3A_406 = arith.constant 0 : i32
            %parallel_loop3A_407 = vector.broadcast %parallel_loop3A_406 : i32 to vector<16xi32>
            %parallel_loop3A_408 = arith.muli %parallel_loop3A_402, %parallel_loop3A_407 : vector<16xi32>
            %parallel_loop3A_409 = arith.constant 1023 : i32
            %parallel_loop3A_410 = vector.broadcast %parallel_loop3A_409 : i32 to vector<16xi32>
            %parallel_loop3A_411 = arith.andi %parallel_loop3A_402, %parallel_loop3A_410 : vector<16xi32>
            %parallel_loop3A_412 = arith.constant 0 : i32
            %parallel_loop3A_413 = arith.constant 0 : i32
            %parallel_loop3A_414 = arith.constant 0 : i32
            %parallel_loop3A_415 = tpu.memref_slice %arg8[%select_n3A_319, %parallel_loop3A_412, %parallel_loop3A_413, %parallel_loop3A_414] : memref<2x4x1x1024xf32, #tpu.memory_space<vmem>> -> memref<1x4x1x1024xf32, #tpu.memory_space<vmem>>
            %parallel_loop3A_416 = tpu.memref_squeeze %parallel_loop3A_415 : memref<1x4x1x1024xf32, #tpu.memory_space<vmem>> -> memref<4x1x1024xf32, #tpu.memory_space<vmem>>
            tpu.vector_store_idx %parallel_loop3A_416[%parallel_loop3A_405, %parallel_loop3A_408, %parallel_loop3A_411], %parallel_loop3A_397 : memref<4x1x1024xf32, #tpu.memory_space<vmem>>[vector<16xi32>, vector<16xi32>, vector<16xi32>], vector<16xf32>,
          } {sc.loop_unroll_factor = 8 : i64, sc.parallel_access}
          %dma_start3A_330 = arith.constant 0 : i32
          %dma_start3A_331 = arith.constant 0 : i32
          %dma_start3A_332 = arith.constant 0 : i32
          %dma_start3A_333 = tpu.memref_slice %arg8[%select_n3A_319, %dma_start3A_330, %dma_start3A_331, %dma_start3A_332] : memref<2x4x1x1024xf32, #tpu.memory_space<vmem>> -> memref<1x4x1x1024xf32, #tpu.memory_space<vmem>>
          %dma_start3A_334 = tpu.memref_squeeze %dma_start3A_333 : memref<1x4x1x1024xf32, #tpu.memory_space<vmem>> -> memref<4x1x1024xf32, #tpu.memory_space<vmem>>
          %dma_start3A_335 = arith.constant 0 : i32
          %dma_start3A_336 = arith.constant 0 : i32
          %dma_start3A_337 = tpu.memref_slice %arg4[%add3A_322, %dma_start3A_335, %add3A, %dma_start3A_336] : memref<200x4x32x1024xf32, #tpu.memory_space<hbm>> -> memref<1x4x1x1024xf32, #tpu.memory_space<hbm>>
          %dma_start3A_338 = tpu.memref_squeeze %dma_start3A_337 : memref<1x4x1x1024xf32, #tpu.memory_space<hbm>> -> memref<4x1x1024xf32, #tpu.memory_space<hbm>>
          %dma_start3A_339 = arith.constant 0 : i32
          %dma_start3A_340 = arith.constant 0 : i32
          %dma_start3A_341 = tpu.memref_slice %arg4[%add3A_322, %dma_start3A_339, %add3A, %dma_start3A_340] : memref<200x4x32x1024xf32, #tpu.memory_space<hbm>> -> memref<1x4x1x1024xf32, #tpu.memory_space<hbm>>
          %dma_start3A_342 = tpu.memref_squeeze %dma_start3A_341 : memref<1x4x1x1024xf32, #tpu.memory_space<hbm>> -> memref<4x1x1024xf32, #tpu.memory_space<hbm>>
          %dma_start3A_343 = arith.constant 0 : i32
          %dma_start3A_344 = arith.constant 0 : i32
          %dma_start3A_345 = arith.constant 0 : i32
          %dma_start3A_346 = tpu.memref_slice %arg8[%select_n3A_319, %dma_start3A_343, %dma_start3A_344, %dma_start3A_345] : memref<2x4x1x1024xf32, #tpu.memory_space<vmem>> -> memref<1x4x1x1024xf32, #tpu.memory_space<vmem>>
          %dma_start3A_347 = tpu.memref_squeeze %dma_start3A_346 : memref<1x4x1x1024xf32, #tpu.memory_space<vmem>> -> memref<4x1x1024xf32, #tpu.memory_space<vmem>>
          tpu.enqueue_dma source(%dma_start3A_347 : memref<4x1x1024xf32, #tpu.memory_space<vmem>>) target(%dma_start3A_342 : memref<4x1x1024xf32, #tpu.memory_space<hbm>>) target_semaphore(%arg11 : memref<!tpu.dma_semaphore, #tpu.memory_space<semaphore_mem>>)
          %scan3A_348 = arith.constant 0 : i32
          scf.yield %scan3A_348 : i32
        }
        %scan3A_307 = arith.constant 8 : i32
      } else {
      }
      %scan3A_181 = arith.constant 0 : i32
      scf.yield %scan3A_181 : i32
    }
    %scan3A_124 = arith.constant 13 : i32
    %dma_wait3A = arith.constant 0 : i32
    %dma_wait3A_125 = arith.constant 0 : i32
    %dma_wait3A_126 = arith.constant 0 : i32
    %dma_wait3A_127 = arith.constant 0 : i32
    %dma_wait3A_128 = arith.constant 0 : i32
    %dma_wait3A_129 = tpu.memref_slice %arg8[%dma_wait3A, %dma_wait3A_126, %dma_wait3A_127, %dma_wait3A_128] : memref<2x4x1x1024xf32, #tpu.memory_space<vmem>> -> memref<1x4x1x1024xf32, #tpu.memory_space<vmem>>
    %dma_wait3A_130 = tpu.memref_squeeze %dma_wait3A_129 : memref<1x4x1x1024xf32, #tpu.memory_space<vmem>> -> memref<4x1x1024xf32, #tpu.memory_space<vmem>>
    %dma_wait3A_131 = arith.constant 0 : i32
    %dma_wait3A_132 = arith.constant 0 : i32
    %dma_wait3A_133 = tpu.memref_slice %arg4[%dma_wait3A_125, %dma_wait3A_131, %add3A, %dma_wait3A_132] : memref<200x4x32x1024xf32, #tpu.memory_space<hbm>> -> memref<1x4x1x1024xf32, #tpu.memory_space<hbm>>
    %dma_wait3A_134 = tpu.memref_squeeze %dma_wait3A_133 : memref<1x4x1x1024xf32, #tpu.memory_space<hbm>> -> memref<4x1x1024xf32, #tpu.memory_space<hbm>>
    %dma_wait3A_135 = arith.constant 0 : i32
    %dma_wait3A_136 = arith.constant 0 : i32
    %dma_wait3A_137 = tpu.memref_slice %arg4[%dma_wait3A_125, %dma_wait3A_135, %add3A, %dma_wait3A_136] : memref<200x4x32x1024xf32, #tpu.memory_space<hbm>> -> memref<1x4x1x1024xf32, #tpu.memory_space<hbm>>
    %dma_wait3A_138 = tpu.memref_squeeze %dma_wait3A_137 : memref<1x4x1x1024xf32, #tpu.memory_space<hbm>> -> memref<4x1x1024xf32, #tpu.memory_space<hbm>>
    %dma_wait3A_139 = arith.constant 0 : i32
    %dma_wait3A_140 = arith.constant 0 : i32
    %dma_wait3A_141 = arith.constant 0 : i32
    %dma_wait3A_142 = tpu.memref_slice %arg8[%dma_wait3A, %dma_wait3A_139, %dma_wait3A_140, %dma_wait3A_141] : memref<2x4x1x1024xf32, #tpu.memory_space<vmem>> -> memref<1x4x1x1024xf32, #tpu.memory_space<vmem>>
    %dma_wait3A_143 = tpu.memref_squeeze %dma_wait3A_142 : memref<1x4x1x1024xf32, #tpu.memory_space<vmem>> -> memref<4x1x1024xf32, #tpu.memory_space<vmem>>
    tpu.wait_dma2 semaphore(%arg11 : memref<!tpu.dma_semaphore, #tpu.memory_space<semaphore_mem>>) src(%dma_wait3A_143 : memref<4x1x1024xf32, #tpu.memory_space<vmem>>) dst(%dma_wait3A_138 : memref<4x1x1024xf32, #tpu.memory_space<hbm>>)
    %dma_wait3A_144 = arith.constant 1 : i32
    %dma_wait3A_145 = arith.constant 0 : i32
    %dma_wait3A_146 = arith.constant 0 : i32
    %dma_wait3A_147 = arith.constant 0 : i32
    %dma_wait3A_148 = arith.constant 0 : i32
    %dma_wait3A_149 = tpu.memref_slice %arg8[%dma_wait3A_144, %dma_wait3A_146, %dma_wait3A_147, %dma_wait3A_148] : memref<2x4x1x1024xf32, #tpu.memory_space<vmem>> -> memref<1x4x1x1024xf32, #tpu.memory_space<vmem>>
    %dma_wait3A_150 = tpu.memref_squeeze %dma_wait3A_149 : memref<1x4x1x1024xf32, #tpu.memory_space<vmem>> -> memref<4x1x1024xf32, #tpu.memory_space<vmem>>
    %dma_wait3A_151 = arith.constant 0 : i32
    %dma_wait3A_152 = arith.constant 0 : i32
    %dma_wait3A_153 = tpu.memref_slice %arg4[%dma_wait3A_145, %dma_wait3A_151, %add3A, %dma_wait3A_152] : memref<200x4x32x1024xf32, #tpu.memory_space<hbm>> -> memref<1x4x1x1024xf32, #tpu.memory_space<hbm>>
    %dma_wait3A_154 = tpu.memref_squeeze %dma_wait3A_153 : memref<1x4x1x1024xf32, #tpu.memory_space<hbm>> -> memref<4x1x1024xf32, #tpu.memory_space<hbm>>
    %dma_wait3A_155 = arith.constant 0 : i32
    %dma_wait3A_156 = arith.constant 0 : i32
    %dma_wait3A_157 = tpu.memref_slice %arg4[%dma_wait3A_145, %dma_wait3A_155, %add3A, %dma_wait3A_156] : memref<200x4x32x1024xf32, #tpu.memory_space<hbm>> -> memref<1x4x1x1024xf32, #tpu.memory_space<hbm>>
    %dma_wait3A_158 = tpu.memref_squeeze %dma_wait3A_157 : memref<1x4x1x1024xf32, #tpu.memory_space<hbm>> -> memref<4x1x1024xf32, #tpu.memory_space<hbm>>
    %dma_wait3A_159 = arith.constant 0 : i32
    %dma_wait3A_160 = arith.constant 0 : i32
    %dma_wait3A_161 = arith.constant 0 : i32
    %dma_wait3A_162 = tpu.memref_slice %arg8[%dma_wait3A_144, %dma_wait3A_159, %dma_wait3A_160, %dma_wait3A_161] : memref<2x4x1x1024xf32, #tpu.memory_space<vmem>> -> memref<1x4x1x1024xf32, #tpu.memory_space<vmem>>
    %dma_wait3A_163 = tpu.memref_squeeze %dma_wait3A_162 : memref<1x4x1x1024xf32, #tpu.memory_space<vmem>> -> memref<4x1x1024xf32, #tpu.memory_space<vmem>>
    tpu.wait_dma2 semaphore(%arg11 : memref<!tpu.dma_semaphore, #tpu.memory_space<semaphore_mem>>) src(%dma_wait3A_163 : memref<4x1x1024xf32, #tpu.memory_space<vmem>>) dst(%dma_wait3A_158 : memref<4x1x1024xf32, #tpu.memory_space<hbm>>)
    return
  }
}

</mosaic_0001>

<sc_bundles>
// kernel: kernel.4.cloned.1.call-start
scs
__scs_entry_jumppad:
0x0: {  	(pc) =	sbr.rel $0x88, $3  }
0x1: {  	(tag) =	ssettag $0x0;
	lr =	simm.s32 $0x1  }
0x2: {  	[smem:$0x3F9E] =	sst lr;
	_ =	strace $0xD0000000  }
0x3: {  	_ = 	snop  }
0x4: {  	_ = 	snop  }
0x5: {  	_ = 	snop  }
0x6: {  	_ = 	snop  }
0x7: {  	_ = 	snop  }
__scs_overlays_trampoline_lowered:
0x8: {  	[smem:$0x3FAD] =	sst s0  }
0x9: {  	[smem:$0x3FAE] =	sst s1  }
0xa: {  	[smem:$0x3FAF] =	sst s2  }
0xb: {  	[smem:$0x3FB0] =	sst s3  }
0xc: {  	[smem:$0x3FB1] =	sst s4  }
0xd: {  	[smem:$0x3FB2] =	sst s5  }
0xe: {  	[smem:$0x3FB3] =	sst s6  }
0xf: {  	[smem:$0x3FB4] =	sst s7  }
0x10: {  	[smem:$0x3FB5] =	sst s8  }
0x11: {  	[smem:$0x3FB6] =	sst s9;
	s0 =	simm.s32 @!p0 $0x0  }
0x12: {  	s1 =	sld [smem:$0x3F9C];
	s0 =	simm.s32 @p0 $0x1  }
0x13: {  	[smem:$0x3FB7] =	sst s0;
	s0 =	simm.s32 @!p1 $0x0  }
0x14: {  	s2 =	sld [smem:$0x3F9B];
	s0 =	simm.s32 @p1 $0x1  }
0x15: {  	[smem:$0x3FB8] =	sst s0;
	s0 =	simm.s32 @!p2 $0x0  }
0x16: {  	s3 =	sld [smem:$0x3FDB];
	s0 =	simm.s32 @p2 $0x1  }
0x17: {  	s4 =	simm.s32 $0x1BF5;
	[smem:$0x3FBA] =	sst s0  }
0x18: {  	s0 =	sld [smem:$0x3F9D];
	_ =	swait.ge [sflag:s4], $0x0  }
0x19: {  	s7 =	sld [smem:$0x3F9E]  }
0x1a: {  	s8 =	sadd.s32 $0xFFFFE003, lr  }
0x1b: {  	s9 =	sadd.s32 $0xFFFFFEF7, lr;
	s5 =	simm.s32 $0xFFFFFFFF;
	p2 =	slt.u32 s8, $0xFFFFF086  }
0x1c: {  	p1 =	slt.u32 s9, $0xF7A;
	s5 =	simm.s32 @!p2 $0x0  }
0x1d: {  	s5 =	simm.s32 @p1 $0x1;
	p0 =	seq.s32 s7, s2  }
0x1e: {  	s7 =	smul.u32 @!p0 $0xF7A, s2;
	p2 =	seq.s32 @!p0 s5, $0x0  }
0x1f: {  	s9 =	smul.u32 $0xF7A, s1;
	s8 =	simm.s32 @!p0 $0x1BF5;
	p2 =	por !p2, p0  }
0x20: {  	[sflag:s8] =	ssyncset.s32 @!p0 $0xFFFFF086;
	s6 =	sadd.s32 @!p0 s3, s7;
	s7 =	simm.s32 @!p0 $0x108  }
0x21: {  	s3 =	sadd.s32 s3, s9;
	s6 =	sadd.s32 @!p0 $0x88, s6;
	s7 =	simm.s32 @p2 $0x1082  }
0x22: {  	[simem:s7], [sflag:s8] =	dma.local @!p0 [hbm:s6], $0xF7A  }
0x23: {  	s9 =	sor.u32 $0xD0000000, s2;
	s6 =	simm.s32 $0x108;
	_ =	swait.ge @!p0 [sflag:s8], $0x0  }
0x24: {  	s3 =	sadd.s32 $0x88, s3;
	s6 =	simm.s32 @!p1 $0x1082;
	[sflag:s4] =	ssyncset.s32 $0xFFFFF086  }
0x25: {  	[simem:s6], [sflag:s4] =	dma.local [hbm:s3], $0xF7A  }
0x26: {  	[smem:$0x3F9E] =	sst s1;
	(tag) =	ssettag s2;
	_ =	strace s9  }
0x27: {  	s1 =	sld [smem:$0x3FAE]  }
0x28: {  	s2 =	sld [smem:$0x3FAF]  }
0x29: {  	s4 =	sld [smem:$0x3FB1]  }
0x2a: {  	p0 =	seq.s32 s5, $0x0;
	s5 =	sld [smem:$0x3FB2]  }
0x2b: {  	s6 =	sld [smem:$0x3FB3]  }
0x2c: {  	s7 =	sld [smem:$0x3FB4]  }
0x2d: {  	s3 =	simm.s32 $0x108;
	s8 =	sld [smem:$0x3FB5]  }
0x2e: {  	s3 =	simm.s32 @!p0 $0x1082;
	s9 =	sld [smem:$0x3FB6]  }
0x2f: {  	lr =	sadd.s32 s0, s3;
	s0 =	sld [smem:$0x3FAD]  }
0x30: {  	s3 =	sld [smem:$0x3FB0]  }
0x31: {  	[smem:$0x3FB9] =	sst s10  }
0x32: {  	s10 =	sld [smem:$0x3FB7];
	_ =	sdelay $0x3  }
0x33: {  	p0 =	seq.s32 s10, $0x1;
	s10 =	sld [smem:$0x3FB9];
	_ =	sdelay $0x3  }
0x34: {  	[smem:$0x3FB9] =	sst s10  }
0x35: {  	s10 =	sld [smem:$0x3FB8];
	_ =	sdelay $0x3  }
0x36: {  	p1 =	seq.s32 s10, $0x1;
	s10 =	sld [smem:$0x3FB9];
	_ =	sdelay $0x3  }
0x37: {  	[smem:$0x3FB9] =	sst s10  }
0x38: {  	s10 =	sld [smem:$0x3FBA]  }
0x39: {  	_ = 	snop;
	(pc) =	sbr.ind lr, $3  }
0x3a: {  	_ = 	snop  }
0x3b: {  	_ = 	snop  }
0x3c: {  	p2 =	seq.s32 s10, $0x1;
	s10 =	sld [smem:$0x3FB9]  }
0x3d: {  	_ =	shalt  }
0x3e: {  	_ =	shalt  }
0x3f: {  	_ =	shalt  }
0x40: {  	_ =	shalt  }
0x41: {  	_ =	shalt  }
0x42: {  	_ =	shalt  }
0x43: {  	_ =	shalt  }
0x44: {  	_ =	shalt  }
0x45: {  	_ =	shalt  }
0x46: {  	_ =	shalt  }
0x47: {  	_ =	shalt  }
0x48: {  	_ =	shalt  }
0x49: {  	_ =	shalt  }
0x4a: {  	_ =	shalt  }
0x4b: {  	_ =	shalt  }
0x4c: {  	_ =	shalt  }
0x4d: {  	_ =	shalt  }
0x4e: {  	_ =	shalt  }
0x4f: {  	_ =	shalt  }
0x50: {  	_ =	shalt  }
0x51: {  	_ =	shalt  }
0x52: {  	_ =	shalt  }
0x53: {  	_ =	shalt  }
0x54: {  	_ =	shalt  }
0x55: {  	_ =	shalt  }
0x56: {  	_ =	shalt  }
0x57: {  	_ =	shalt  }
0x58: {  	_ =	shalt  }
0x59: {  	_ =	shalt  }
0x5a: {  	_ =	shalt  }
0x5b: {  	_ =	shalt  }
0x5c: {  	_ =	shalt  }
0x5d: {  	_ =	shalt  }
0x5e: {  	_ =	shalt  }
0x5f: {  	_ =	shalt  }
0x60: {  	_ =	shalt  }
0x61: {  	_ =	shalt  }
0x62: {  	_ =	shalt  }
0x63: {  	_ =	shalt  }
0x64: {  	_ =	shalt  }
0x65: {  	_ =	shalt  }
0x66: {  	_ =	shalt  }
0x67: {  	_ =	shalt  }
0x68: {  	_ =	shalt  }
0x69: {  	_ =	shalt  }
0x6a: {  	_ =	shalt  }
0x6b: {  	_ =	shalt  }
0x6c: {  	_ =	shalt  }
0x6d: {  	_ =	shalt  }
0x6e: {  	_ =	shalt  }
0x6f: {  	_ =	shalt  }
0x70: {  	_ =	shalt  }
0x71: {  	_ =	shalt  }
0x72: {  	_ =	shalt  }
0x73: {  	_ =	shalt  }
0x74: {  	_ =	shalt  }
0x75: {  	_ =	shalt  }
0x76: {  	_ =	shalt  }
0x77: {  	_ =	shalt  }
0x78: {  	_ =	shalt  }
0x79: {  	_ =	shalt  }
0x7a: {  	_ =	shalt  }
0x7b: {  	_ =	shalt  }
0x7c: {  	_ =	shalt  }
0x7d: {  	_ =	shalt  }
0x7e: {  	_ =	shalt  }
0x7f: {  	_ =	shalt  }
0x80: {  	_ =	shalt  }
0x81: {  	_ =	shalt  }
0x82: {  	_ =	shalt  }
0x83: {  	_ =	shalt  }
0x84: {  	_ =	shalt  }
0x85: {  	_ =	shalt  }
0x86: {  	_ =	shalt  }
0x87: {  	_ =	shalt  }
.Lfunc_end0:
.L_simem_size_0:
called_computation_lowered:
.L_overlay_start_0:
0x88: {  	s2 =	sld [smem:$0x3FD9]  }
0x89: {  	s3 =	sld [smem:$0x3FFE];
	_ =	sdelay $0x1  }
0x8a: {  	s1 =	srdreg.scid  }
0x8b: {  	s0 =	sand.u32 $0x1, s1  }
0x8c: {  	s17 =	sshll.u32 s0, $0xA;
	s2 =	sadd.s32 s3, s2  }
0x8d: {  	s2 =	sadd.s32 s2, s17  }
0x8e: {  	[smem:$0x3FC5] =	sst s2  }
0x8f: {  	_ = 	snop  }
0x90: {  	s2 =	sld [smem:$0x3FC8]  }
0x91: {  	s18 =	sld [smem:$0x3FD0];
	(tm) =	ssettm $0x1  }
0x92: {  	s4 =	sld [smem:$0x3FFB];
	_ =	sdelay $0x3  }
0x93: {  	_ =	strace s4  }
0x94: {  	s4 =	sld [smem:$0x3FFC];
	_ =	sdelay $0x3  }
0x95: {  	_ =	strace s4  }
0x96: {  	s4 =	sld [smem:$0x3FFD];
	_ =	sdelay $0x3  }
0x97: {  	_ =	strace s4  }
0x98: {  	_ =	strace $0x8FFFFFFF  }
0x99: {  	s19 =	sld [smem:$0x3FDB];
	_ =	sdelay $0x1  }
0x9a: {  	s5 =	simm.s32 $_scs_section_size  }
0x9b: {  	s6 =	simm.s32 $_size__tile_overlayer_lowered;
	s7 =	simm.s32 $_tile_overlayer_lowered  }
0x9c: {  	s22 =	simm.s32 $0x1BFF;
	s21 =	sshll.u32 s7, $0x1;
	s4 =	sadd.s32 s5, s19  }
0x9d: {  	s8 =	simm.s32 $0x0;
	s20 =	sshll.u32 s6, $0x1;
	s6 =	sadd.s32 s21, s4  }
0x9e: {  	[timem:s8], [sflag:s22] =	dma.local [hbm:s6], s20  }
0x9f: {  	_ =	swait.ge [sflag:s22], s20  }
0xa0: {  	s5 =	ssub.s32 $0x0, s20;
	[sflag:s22] =	ssyncset.done $0x0  }
0xa1: {  	[sflag:s22] =	ssyncadd.s32 s5;
	_ =	sdelay $0x1  }
0xa2: {  	s23 =	simm.s32 $0x1B8B  }
0xa3: {  	_ =	swait.ge [sflag:s23], $0x1  }
0xa4: {  	[sflag:s23] =	ssyncset.done $0x0  }
0xa5: {  	s25 =	simm.s32 $0x1B8E;
	s24 =	sld [smem:$0x3FFE];
	[sflag:s23] =	ssyncadd.s32 $0xFFFFFFFF  }
0xa6: {  	s26 =	simm.s32 $execute0_lowered;
	[smem:$0x3FD2] =	sst s25  }
0xa7: {  	s6 =	sshll.u32 s26, $0x1;
	_ =	strace $0x80000046;
	[dreg:$0x1] =	wrdreg $0xFFFFFFFF  }
0xa8: {  	s28 =	simm.s32 $_size_execute0_lowered;
	s4 =	sadd.s32 s4, s6;
	[dreg:$0x0] =	wrdreg $0x0  }
0xa9: {  	s6 =	sshll.u32 s28, $0x1;
	[dreg:$0x2] =	wrdreg s4  }
0xaa: {  	[dreg:$0x3] =	wrdreg s6  }
0xab: {  	[dreg:$0x4] =	wrdreg $0xC0  }
0xac: {  	_ =	task [dreg:s8], $0x5FFFF  }
0xad: {  	[dreg:$0x1] =	wrdreg $0xFFFFFFFF  }
0xae: {  	[dreg:$0x0] =	wrdreg $0x60  }
0xaf: {  	[dreg:$0x2] =	wrdreg s2  }
0xb0: {  	[dreg:$0x3] =	wrdreg s18  }
0xb1: {  	[dreg:$0x4] =	wrdreg s24  }
0xb2: {  	[dreg:$0x5] =	wrdreg $0x9  }
0xb3: {  	_ =	task.clear_ibuf [dreg:s8], $0x6FFFF;
	_ =	strace $0x90000046  }
0xb4: {  	s29 =	simm.s32 $0x9;
	_ =	strace $0x80000048  }
0xb5: {  	_ =	swait.ge [sflag:s29], $0x1  }
0xb6: {  	[sflag:s29] =	ssyncadd.s32 $0xFFFFFFFF  }
0xb7: {  	_ =	strace $0x90000048  }
0xb8: {  	_ =	sfence  }
0xb9: {  	s30 =	sld [smem:$0x0];
	_ =	sdelay $0x2  }
0xba: {  	s31 =	sshll.u32 s1, $0xD;
	s1 =	sshrl.u32 s1, $0x2  }
0xbb: {  	s3 =	sand.u32 $0x4000, s31;
	s1 =	sadd.s32 s1, s30  }
0xbc: {  	s0 =	sor.u32 s3, s0;
	s1 =	sshll.u32 s1, $0x11  }
0xbd: {  	s0 =	sor.u32 s1, s0  }
0xbe: {  	s0 =	sadd.s32 $0x8F2B, s0  }
0xbf: {  	[sflag:s0] =	ssyncadd.remote.s32 $0x1  }
0xc0: {  	_ =	sfence.sel $0xFFFF  }
0xc1: {  	[dreg:$0x0] =	wrdreg $0xFFFFFFFF;
	(pc) =	sbr.abs _section_cstart, $3  }
0xc2: {  	[dreg:$0x1] =	wrdreg $0xFFFFFFFF  }
0xc3: {  	_ =	task.clear_ibuf [dreg:s8], $0x2FFFF;
	_ =	strace $0x9FFFFFFF  }
0xc4: {  	(tm) =	ssettm $0x7FFFFFFF  }
0xc5: {  	_ =	shalt  }
tec
execute0_lowered:
.L_overlay_start_1:
0x0: {  	(tag) =	ssettag $0x1  }
0x1: {  	s1 =	rddreg [dreg:$0x0]  }
0x2: {  	s2 =	rddreg [dreg:$0x1]  }
0x3: {  	s0 =	rddreg [dreg:$0x2];
	s3 =	simm.s32 $0x0  }
0x4: {  	[smem:$0x7FF] =	sst s3;
	s26 =	sadd.s32 $0x3D3000, s0  }
0x5: {  	s28 =	sadd.s32 $0x1E00, s2;
	_ =	strace $0x80000047;
	[dreg:$0x4] =	wrdreg s26  }
0x6: {  	s29 =	sadd.s32 $0x3D2D80, s0;
	[dreg:$0x5] =	wrdreg s28  }
0x7: {  	s30 =	sadd.s32 $0x1B80, s2;
	[dreg:$0x6] =	wrdreg s29  }
0x8: {  	s31 =	sadd.s32 $0x3D2B00, s0;
	[dreg:$0x7] =	wrdreg s30  }
0x9: {  	s9 =	sadd.s32 $0x1900, s2;
	[dreg:$0x8] =	wrdreg s31  }
0xa: {  	s11 =	sadd.s32 $0x3D2600, s0;
	[dreg:$0x9] =	wrdreg s9  }
0xb: {  	s12 =	sadd.s32 $0x3D2380, s0;
	[dreg:$0xb] =	wrdreg s11  }
0xc: {  	s4 =	srdreg.scid;
	s13 =	sadd.s32 $0x3D2100, s0;
	[dreg:$0xc] =	wrdreg s12  }
0xd: {  	s6 =	sand.u32 $0x1, s4;
	s16 =	sadd.s32 $0x3D1E80, s0;
	[dreg:$0xd] =	wrdreg s13  }
0xe: {  	s5 =	sadd.s32 $0xA00, s0;
	s17 =	sadd.s32 $0x3D1C00, s0;
	[dreg:$0xe] =	wrdreg s16  }
0xf: {  	s4 =	stileid.u32;
	s18 =	sadd.s32 $0x3D1980, s0;
	[dreg:$0xf] =	wrdreg s17  }
0x10: {  	s20 =	sadd.s32 $0x3D1700, s0;
	s21 =	sadd.s32 $0x3D1480, s0;
	[dreg:$0x10] =	wrdreg s18  }
0x11: {  	s23 =	sadd.s32 $0x1680, s2;
	s24 =	sadd.s32 $0x1400, s2;
	[dreg:$0x11] =	wrdreg s20  }
0x12: {  	s7 =	ssub.s32 $0x2, s6;
	s10 =	sshll.u32 s4, $0x1;
	[dreg:$0x12] =	wrdreg s21  }
0x13: {  	s9 =	sadd.s32 $0x3D2880, s0;
	s0 =	sadd.s32 $0x3D1200, s0;
	[dreg:$0x14] =	wrdreg s23  }
0x14: {  	[dreg:$0x15] =	wrdreg s24;
	s26 =	sadd.s32 $0x1180, s2;
	s14 =	sor.u32 s6, s10  }
0x15: {  	s28 =	sadd.s32 $0xF00, s2;
	s29 =	sadd.s32 $0xC80, s2;
	p2 =	seq.s32 s14, $0x0  }
0x16: {  	s30 =	sadd.s32 $0xA00, s2;
	[dreg:$0x13] =	wrdreg s0;
	s0 =	simm.s32 @!p2 $0x0  }
0x17: {  	s31 =	sadd.s32 $0x780, s2;
	s0 =	simm.s32 @p2 $0x1;
	p2 =	seq.s32 s14, $0x2  }
0x18: {  	s11 =	simm.s32 $0x1;
	[smem:$0x7F1] =	sst s0;
	s0 =	simm.s32 @!p2 $0x0  }
0x19: {  	[dreg:$0xa] =	wrdreg s9;
	s0 =	simm.s32 @p2 $0x1;
	p2 =	seq.s32 s14, $0x4  }
0x1a: {  	s12 =	simm.s32 $0x2000;
	[smem:$0x7F2] =	sst s0;
	s0 =	simm.s32 @!p2 $0x0  }
0x1b: {  	[dreg:$0x16] =	wrdreg s26;
	s0 =	simm.s32 @p2 $0x1;
	p2 =	seq.s32 s14, $0x6  }
0x1c: {  	s13 =	simm.s32 $0x2;
	[smem:$0x7F3] =	sst s0;
	s0 =	simm.s32 @!p2 $0x0  }
0x1d: {  	[dreg:$0x17] =	wrdreg s28;
	s0 =	simm.s32 @p2 $0x1;
	p2 =	seq.s32 s14, $0x8  }
0x1e: {  	s16 =	simm.s32 $0x3;
	[smem:$0x7F4] =	sst s0;
	s0 =	simm.s32 @!p2 $0x0  }
0x1f: {  	[dreg:$0x18] =	wrdreg s29;
	s0 =	simm.s32 @p2 $0x1;
	p2 =	seq.s32 s14, $0xA  }
0x20: {  	s17 =	simm.s32 $0x4;
	[smem:$0x7F5] =	sst s0;
	s0 =	simm.s32 @!p2 $0x0  }
0x21: {  	[dreg:$0x19] =	wrdreg s30;
	s0 =	simm.s32 @p2 $0x1;
	p2 =	seq.s32 s14, $0xC  }
0x22: {  	s18 =	simm.s32 $0x0;
	[smem:$0x7F6] =	sst s0;
	s0 =	simm.s32 @!p2 $0x0  }
0x23: {  	[dreg:$0x1a] =	wrdreg s31;
	s0 =	simm.s32 @p2 $0x1;
	p2 =	seq.s32 s14, $0xE  }
0x24: {  	s8 =	sshrl.u32 s7, $0x1;
	[smem:$0x7F7] =	sst s0;
	s0 =	simm.s32 @!p2 $0x0  }
0x25: {  	s9 =	simm.s32 $0x400;
	s0 =	simm.s32 @p2 $0x1;
	p2 =	seq.s32 s14, $0x10  }
0x26: {  	s10 =	simm.s32 $0x7A1400;
	[smem:$0x7F8] =	sst s0;
	s0 =	simm.s32 @!p2 $0x0  }
0x27: {  	s7 =	ssub.s32 s7, s8;
	s0 =	simm.s32 @p2 $0x1;
	p2 =	seq.s32 s14, $0x12  }
0x28: {  	s15 =	sshll.u32 s14, $0x7;
	[smem:$0x7F9] =	sst s0;
	s0 =	simm.s32 @!p2 $0x0  }
0x29: {  	s22 =	sor.u32 $0x40, s14;
	s0 =	simm.s32 @p2 $0x1;
	p2 =	seq.s32 s14, $0x14  }
0x2a: {  	p0 =	sgt.s32 s14, $0xB;
	[smem:$0x7FA] =	sst s0;
	s0 =	simm.s32 @!p2 $0x0  }
0x2b: {  	p1 =	sgt.s32 s14, $0x5;
	s0 =	simm.s32 @p2 $0x1;
	p2 =	seq.s32 s14, $0x16  }
0x2c: {  	p4 =	sgt.s32 s14, $0x11;
	[smem:$0x7FB] =	sst s0;
	s0 =	simm.s32 @!p2 $0x0  }
0x2d: {  	v0 =	vlaneseq.u32;
	p6 =	sgt.s32 s14, $0x15;
	s0 =	simm.s32 @p2 $0x1;
	p2 =	seq.s32 s14, $0x18  }
0x2e: {  	v0 =	vmul.u32 $0x20, v0;
	s8 =	sadd.s32 $0x280, s2;
	[smem:$0x7FC] =	sst s0;
	s0 =	simm.s32 @!p2 $0x0  }
0x2f: {  	s19 =	sadd.s32 s1, s15;
	s25 =	smax.u32 s7, $0x1;
	s0 =	simm.s32 @p2 $0x1  }
0x30: {  	v1 =	vor.u32 $0x1000, v0;
	s7 =	sadd.s32 $0x500, s2;
	s15 =	simm.s32 $0x3000;
	[smem:$0x7FD] =	sst s0  }
.LBB2_1:
.Ltmp0:
0x31: {  	(pc) =	sbr.rel .LBB2_2-.Ltmp0, $3  }
0x32: {  	_ =	sdelay $0x1  }
0x33: {  	[tilespmem:s3], [sflag:$0x1] =	stream.strided.gather [hbm4b:s19+s9], $0x1000, s10, s9, $0x38;
	[tilespmem:$0x4000] =	vst v63  }
0x34: {  	s20 =	simm.s32 $0x0  }
.LBB2_9:
0x35: {  	s20 =	sadd.s32 $0x1, s20  }
0x36: {  	p2 =	sne.s32 s20, $0x7B  }
.Ltmp1:
0x37: {  	_ = 	snop;
	(pc) =	sbr.rel @!p2 .LBB2_10-.Ltmp1, $1  }
0x38: {  	_ =	sdelay $0x3  }
.LBB2_2:
0x39: {  	s23 =	sshll.u32 s20, $0x6  }
0x3a: {  	s24 =	sor.u32 s14, s23  }
0x3b: {  	p2 =	sgt.u32 s24, $0x1E83  }
.Ltmp2:
0x3c: {  	_ = 	snop;
	(pc) =	sbr.rel @p2 .LBB2_9-.Ltmp2, $1  }
0x3d: {  	_ =	sdelay $0x3  }
0x3e: {  	s21 =	sor.u32 $0x20, s24  }
0x3f: {  	p5 =	sgt.u32 s21, $0x1E83  }
0x40: {  	s26 =	sshll.u32 @!p5 s21, $0x7;
	s28 =	simm.s32 @!p5 $0x400  }
0x41: {  	s29 =	simm.s32 @!p5 $0x7A1400;
	s30 =	simm.s32 @!p5 $0x1000;
	s26 =	sadd.s32 @!p5 s1, s26  }
0x42: {  	[tilespmem:s30], [sflag:$0x2] =	stream.strided.gather @!p5 [hbm4b:s26+s28], $0x1000, s29, s28, $0x38;
	[tilespmem:$0x4000] =	vst v63  }
0x43: {  	_ =	swait.ge [sflag:s11], $0x1000  }
0x44: {  	p2 =	seq.s32 s20, $0x0;
	[sflag:s11] =	ssyncset.done $0x0  }
0x45: {  	s26 =	simm.s32 @!p2 $0x3;
	[sflag:s11] =	ssyncadd.s32 $0xFFFFF000  }
0x46: {  	_ =	swait.ge @!p2 [sflag:s26], $0x1000  }
0x47: {  	[sflag:s26] =	ssyncset.done @!p2 $0x0  }
0x48: {  	s28 =	simm.s32 $0x40;
	[sflag:s26] =	ssyncadd.s32 @!p2 $0xFFFFF000  }
0x49: {  	s30 =	simm.s32 $0x800;
	v11 =	vld [tilespmem:s28+$0x0]  }
0x4a: {  	s29 =	simm.s32 $0x0;
	v12 =	vor.u32 s30, v0;
	v2 =	vld [tilespmem:s28+$0xFFFFFFD0]  }
0x4b: {  	s31 =	simm.s32 $0x400;
	v14 =	vor.u32 s29, v0;
	s29 =	simm.s32 $0xC00;
	v15 =	vld [tilespmem:s28+$0xFFFFFFC0]  }
0x4c: {  	v3 =	vor.u32 s31, v0;
	s31 =	simm.s32 $0x200;
	v10 =	vor.u32 s29, v0;
	v8 =	vld [tilespmem:s28+$0x20]  }
0x4d: {  	s0 =	simm.s32 $0xE00;
	v13 =	vor.u32 s31, v0;
	v4 =	vld [tilespmem:s28+$0x10]  }
0x4e: {  	s6 =	simm.s32 $0xA00;
	v7 =	vor.u32 s0, v0;
	v9 =	vld [tilespmem:s28+$0x30]  }
0x4f: {  	v5 =	vor.u32 s6, v0;
	s29 =	simm.s32 $0x600;
	v6 =	vld [tilespmem:s28+$0xFFFFFFE0];
	[tilespmem:v12+s12+$0x0] =	vst.idx.msk $0xffff, v11  }
0x50: {  	s26 =	simm.s32 $0x0;
	[tilespmem:v14+s12+$0x0] =	vst.idx.msk $0xffff, v15;
	v11 =	vld [tilespmem:s28+$0xFFFFFFF0];
	v12 =	vor.u32 s29, v0;
	s28 =	simm.s32 $0x1;
	s29 =	simm.s32 $0xC0  }
.LBB2_4:
0x51: {  	s30 =	sadd.s32 $0x600, s28;
	v14 =	vld [tilespmem:s29+$0x0];
	s31 =	sadd.s32 $0x800, s28;
	s0 =	sadd.s32 $0xE00, s28;
	[tilespmem:v10+s12+$0x0] =	vst.idx.msk $0xffff, v8  }
0x52: {  	v15 =	vor.u32 s28, v0;
	s6 =	sadd.s32 $0x400, s28;
	s26 =	sadd.s32 $0x8, s26;
	v16 =	vor.u32 s31, v0;
	s31 =	sadd.s32 $0xC00, s28;
	[tilespmem:v13+s12+$0x0] =	vst.idx.msk $0xffff, v2;
	v2 =	vld [tilespmem:s29+$0xFFFFFFD0]  }
0x53: {  	v18 =	vor.u32 s6, v0;
	s6 =	sadd.s32 $0xA00, s28;
	p3 =	slt.u32 s26, $0xF8;
	v17 =	vld [tilespmem:s29+$0xFFFFFFC0];
	v10 =	vor.u32 s31, v0;
	[tilespmem:v7+s12+$0x0] =	vst.idx.msk $0xffff, v9  }
.Ltmp3:
0x54: {  	s31 =	sadd.s32 $0x200, s28;
	v7 =	vor.u32 s0, v0;
	v8 =	vld [tilespmem:s29+$0x20];
	[tilespmem:v5+s12+$0x0] =	vst.idx.msk $0xffff, v4;
	v5 =	vor.u32 s6, v0;
	(pc) =	sbr.rel @p3 .LBB2_4-.Ltmp3, $4  }
0x55: {  	v13 =	vor.u32 s31, v0;
	v4 =	vld [tilespmem:s29+$0x10];
	[tilespmem:v12+s12+$0x0] =	vst.idx.msk $0xffff, v11  }
0x56: {  	v9 =	vld [tilespmem:s29+$0x30];
	[tilespmem:v3+s12+$0x0] =	vst.idx.msk $0xffff, v6;
	v3 =	vmov v18  }
0x57: {  	v6 =	vld [tilespmem:s29+$0xFFFFFFE0];
	[tilespmem:v16+s12+$0x0] =	vst.idx.msk $0xffff, v14  }
0x58: {  	s28 =	sadd.s32 $0x1, s28;
	v12 =	vor.u32 s30, v0;
	[tilespmem:v15+s12+$0x0] =	vst.idx.msk $0xffff, v17;
	v11 =	vld [tilespmem:s29+$0xFFFFFFF0];
	s29 =	sadd.s32 $0x80, s29  }
0x59: {  	_ =	sdelay $0x3  }
0x5a: {  	[tilespmem:v10+s12+$0x0] =	vst.idx.msk $0xffff, v8  }
0x5b: {  	[tilespmem:v13+s12+$0x0] =	vst.idx.msk $0xffff, v2  }
.Ltmp4:
0x5c: {  	[tilespmem:v5+s12+$0x0] =	vst.idx.msk $0xffff, v4;
	(pc) =	sbr.rel @p5 .LBB2_9-.Ltmp4, $4  }
0x5d: {  	[tilespmem:v7+s12+$0x0] =	vst.idx.msk $0xffff, v9  }
0x5e: {  	s0 =	sshll.u32 s24, $0x9;
	[tilespmem:v3+s12+$0x0] =	vst.idx.msk $0xffff, v6  }
0x5f: {  	s0 =	sadd.s32 s5, s0;
	[tilespmem:v12+s12+$0x0] =	vst.idx.msk $0xffff, v11  }
0x60: {  	[hbm4b:s0+s3] =	stream.linear.scatter [tilespmem:s12], [sflag:$0x3], $0x1000, $0x38;
	[tilespmem:$0x4000] =	vst v63  }
0x61: {  	s0 =	sadd.s32 s22, s23  }
0x62: {  	p3 =	sgt.u32 s0, $0x1E83  }
0x63: {  	s0 =	sshll.u32 @!p3 s0, $0x7;
	s6 =	simm.s32 @!p3 $0x400  }
0x64: {  	s23 =	simm.s32 @!p3 $0x7A1400;
	s24 =	simm.s32 @!p3 $0x0;
	s0 =	sadd.s32 @!p3 s1, s0  }
0x65: {  	[tilespmem:s24], [sflag:$0x1] =	stream.strided.gather @!p3 [hbm4b:s0+s6], $0x1000, s23, s6, $0x38;
	[tilespmem:$0x4000] =	vst v63  }
0x66: {  	_ =	swait.ge [sflag:s13], $0x1000  }
0x67: {  	[sflag:s13] =	ssyncset.done $0x0  }
0x68: {  	s0 =	simm.s32 @!p2 $0x3;
	[sflag:s13] =	ssyncadd.s32 $0xFFFFF000  }
0x69: {  	_ =	swait.ge @!p2 [sflag:s0], $0x1000  }
0x6a: {  	[sflag:s0] =	ssyncset.done @!p2 $0x0  }
0x6b: {  	[sflag:s0] =	ssyncadd.s32 @!p2 $0xFFFFF000;
	s0 =	simm.s32 $0x1070  }
0x6c: {  	s24 =	simm.s32 $0x800;
	v11 =	vld [tilespmem:s0+$0xFFFFFFD0]  }
0x6d: {  	s26 =	simm.s32 $0x0;
	v12 =	vor.u32 s24, v1;
	v2 =	vld [tilespmem:s0+$0xFFFFFFA0]  }
0x6e: {  	s28 =	simm.s32 $0x400;
	s29 =	simm.s32 $0xC00;
	v14 =	vor.u32 s26, v1;
	v15 =	vld [tilespmem:s0+$0xFFFFFF90]  }
0x6f: {  	v3 =	vor.u32 s28, v1;
	v10 =	vor.u32 s29, v1;
	s28 =	simm.s32 $0x200;
	v8 =	vld [tilespmem:s0+$0xFFFFFFF0]  }
0x70: {  	s30 =	simm.s32 $0xE00;
	v13 =	vor.u32 s28, v1;
	v4 =	vld [tilespmem:s0+$0xFFFFFFE0]  }
0x71: {  	s31 =	simm.s32 $0xA00;
	v7 =	vor.u32 s30, v1;
	v9 =	vld [tilespmem:s0+$0x0]  }
0x72: {  	s26 =	simm.s32 $0x600;
	v5 =	vor.u32 s31, v1;
	v6 =	vld [tilespmem:s0+$0xFFFFFFB0];
	[tilespmem:v12+s12+$0x0] =	vst.idx.msk $0xffff, v11  }
0x73: {  	s23 =	simm.s32 $0x0;
	s24 =	simm.s32 $0x1;
	[tilespmem:v14+s12+$0x0] =	vst.idx.msk $0xffff, v15;
	v11 =	vld [tilespmem:s0+$0xFFFFFFC0];
	v12 =	vor.u32 s26, v1;
	s26 =	simm.s32 $0x10F0  }
.LBB2_7:
0x74: {  	s0 =	sadd.s32 $0x600, s24;
	v14 =	vld [tilespmem:s26+$0xFFFFFFD0];
	s6 =	sadd.s32 $0x800, s24;
	s28 =	sadd.s32 $0xE00, s24;
	[tilespmem:v10+s12+$0x0] =	vst.idx.msk $0xffff, v8  }
0x75: {  	v15 =	vor.u32 s24, v1;
	s29 =	sadd.s32 $0x400, s24;
	s23 =	sadd.s32 $0x8, s23;
	v16 =	vor.u32 s6, v1;
	s6 =	sadd.s32 $0xC00, s24;
	[tilespmem:v13+s12+$0x0] =	vst.idx.msk $0xffff, v2;
	v2 =	vld [tilespmem:s26+$0xFFFFFFA0]  }
0x76: {  	v18 =	vor.u32 s29, v1;
	s29 =	sadd.s32 $0xA00, s24;
	p2 =	slt.u32 s23, $0xF8;
	v17 =	vld [tilespmem:s26+$0xFFFFFF90];
	v10 =	vor.u32 s6, v1;
	[tilespmem:v7+s12+$0x0] =	vst.idx.msk $0xffff, v9  }
.Ltmp5:
0x77: {  	s6 =	sadd.s32 $0x200, s24;
	v7 =	vor.u32 s28, v1;
	v8 =	vld [tilespmem:s26+$0xFFFFFFF0];
	[tilespmem:v5+s12+$0x0] =	vst.idx.msk $0xffff, v4;
	v5 =	vor.u32 s29, v1;
	(pc) =	sbr.rel @p2 .LBB2_7-.Ltmp5, $4  }
0x78: {  	v13 =	vor.u32 s6, v1;
	v4 =	vld [tilespmem:s26+$0xFFFFFFE0];
	[tilespmem:v12+s12+$0x0] =	vst.idx.msk $0xffff, v11  }
0x79: {  	v9 =	vld [tilespmem:s26+$0x0];
	[tilespmem:v3+s12+$0x0] =	vst.idx.msk $0xffff, v6;
	v3 =	vmov v18  }
0x7a: {  	v6 =	vld [tilespmem:s26+$0xFFFFFFB0];
	[tilespmem:v16+s12+$0x0] =	vst.idx.msk $0xffff, v14  }
0x7b: {  	s24 =	sadd.s32 $0x1, s24;
	v12 =	vor.u32 s0, v1;
	[tilespmem:v15+s12+$0x0] =	vst.idx.msk $0xffff, v17;
	v11 =	vld [tilespmem:s26+$0xFFFFFFC0];
	s26 =	sadd.s32 $0x80, s26  }
0x7c: {  	_ =	sdelay $0x3  }
0x7d: {  	[tilespmem:v10+s12+$0x0] =	vst.idx.msk $0xffff, v8  }
0x7e: {  	[tilespmem:v13+s12+$0x0] =	vst.idx.msk $0xffff, v2  }
.Ltmp6:
0x7f: {  	[tilespmem:v5+s12+$0x0] =	vst.idx.msk $0xffff, v4;
	(pc) =	sbr.rel .LBB2_9-.Ltmp6, $4  }
0x80: {  	[tilespmem:v7+s12+$0x0] =	vst.idx.msk $0xffff, v9  }
0x81: {  	s0 =	sshll.u32 s21, $0x9;
	[tilespmem:v3+s12+$0x0] =	vst.idx.msk $0xffff, v6  }
0x82: {  	s0 =	sadd.s32 s5, s0;
	[tilespmem:v12+s12+$0x0] =	vst.idx.msk $0xffff, v11  }
0x83: {  	[hbm4b:s0+s3] =	stream.linear.scatter [tilespmem:s15], [sflag:$0x3], $0x1000, $0x38;
	[tilespmem:$0x4000] =	vst v63  }
.LBB2_10:
0x84: {  	_ =	swait.ge [sflag:s16], $0x1000  }
.Ltmp7:
0x85: {  	[sflag:s16] =	ssyncset.done $0x0;
	(pc) =	sbr.rel @!p0 .LBB2_11-.Ltmp7, $4  }
0x86: {  	[sflag:s16] =	ssyncadd.s32 $0xFFFFF000  }
0x87: {  	_ =	swait.ge [sflag:s16], $0x1000  }
0x88: {  	[sflag:s16] =	ssyncset.done $0x0  }
0x89: {  	[sflag:s16] =	ssyncadd.s32 $0xFFFFF000  }
.Ltmp8:
0x8a: {  	(pc) =	sbr.rel @!p4 .LBB2_21-.Ltmp8, $1  }
0x8b: {  	_ =	sdelay $0x3  }
.Ltmp9:
0x8c: {  	(pc) =	sbr.rel @p6 .LBB2_29-.Ltmp9, $1  }
0x8d: {  	_ =	sdelay $0x3  }
0x8e: {  	s0 =	sld [smem:$0x7FA];
	_ =	sdelay $0x2  }
0x8f: {  	p2 =	seq.s32 s0, $0x1  }
.Ltmp10:
0x90: {  	_ = 	snop;
	(pc) =	sbr.rel @p2 .LBB2_38-.Ltmp10, $1  }
0x91: {  	_ =	sdelay $0x3  }
0x92: {  	s0 =	sld [smem:$0x7FB];
	_ =	sdelay $0x2  }
0x93: {  	p2 =	seq.s32 s0, $0x1  }
.Ltmp11:
0x94: {  	_ = 	snop;
	(pc) =	sbr.rel @!p2 .LBB2_41-.Ltmp11, $1  }
0x95: {  	_ =	sdelay $0x3  }
.Ltmp12:
0x96: {  	(pc) =	sbr.rel .LBB2_40-.Ltmp12, $4  }
0x97: {  	_ = 	snop  }
0x98: {  	s0 =	sshll.u32 s4, $0x6;
	s6 =	rddreg [dreg:$0x8]  }
0x99: {  	s20 =	rddreg [dreg:$0x9];
	s0 =	sor.u32 $0x1C04, s0  }
0x9a: {  	[hbm:s6], [sflag:s0] =	dma.local [hbm:s20], $0x280  }
.LBB2_11:
.Ltmp13:
0x9b: {  	(pc) =	sbr.rel @p1 .LBB2_16-.Ltmp13, $1  }
0x9c: {  	_ =	sdelay $0x3  }
0x9d: {  	s0 =	sld [smem:$0x7F1];
	_ =	sdelay $0x2  }
0x9e: {  	p2 =	seq.s32 s0, $0x1  }
.Ltmp14:
0x9f: {  	_ = 	snop;
	(pc) =	sbr.rel @p2 .LBB2_32-.Ltmp14, $1  }
0xa0: {  	_ =	sdelay $0x3  }
0xa1: {  	s0 =	sld [smem:$0x7F2];
	_ =	sdelay $0x2  }
0xa2: {  	p2 =	seq.s32 s0, $0x1  }
.Ltmp15:
0xa3: {  	_ = 	snop;
	(pc) =	sbr.rel @p2 .LBB2_33-.Ltmp15, $1  }
0xa4: {  	_ =	sdelay $0x3  }
0xa5: {  	s0 =	sld [smem:$0x7F3];
	_ =	sdelay $0x2  }
0xa6: {  	p2 =	seq.s32 s0, $0x1  }
.Ltmp16:
0xa7: {  	_ = 	snop;
	(pc) =	sbr.rel @!p2 .LBB2_41-.Ltmp16, $1  }
0xa8: {  	_ =	sdelay $0x3  }
.Ltmp17:
0xa9: {  	(pc) =	sbr.rel .LBB2_40-.Ltmp17, $4  }
0xaa: {  	_ = 	snop  }
0xab: {  	s0 =	sshll.u32 s4, $0x6  }
0xac: {  	s6 =	rddreg [dreg:$0x11];
	s0 =	sor.u32 $0x1C04, s0  }
0xad: {  	[hbm:s6], [sflag:s0] =	dma.local [hbm:s7], $0x280  }
.LBB2_21:
0xae: {  	s0 =	sld [smem:$0x7F7];
	_ =	sdelay $0x2  }
0xaf: {  	p2 =	seq.s32 s0, $0x1  }
.Ltmp18:
0xb0: {  	_ = 	snop;
	(pc) =	sbr.rel @p2 .LBB2_36-.Ltmp18, $1  }
0xb1: {  	_ =	sdelay $0x3  }
0xb2: {  	s0 =	sld [smem:$0x7F8];
	_ =	sdelay $0x2  }
0xb3: {  	p2 =	seq.s32 s0, $0x1  }
.Ltmp19:
0xb4: {  	_ = 	snop;
	(pc) =	sbr.rel @p2 .LBB2_37-.Ltmp19, $1  }
0xb5: {  	_ =	sdelay $0x3  }
0xb6: {  	s0 =	sld [smem:$0x7F9];
	_ =	sdelay $0x2  }
0xb7: {  	p2 =	seq.s32 s0, $0x1  }
.Ltmp20:
0xb8: {  	_ = 	snop;
	(pc) =	sbr.rel @!p2 .LBB2_41-.Ltmp20, $1  }
0xb9: {  	_ =	sdelay $0x3  }
.Ltmp21:
0xba: {  	(pc) =	sbr.rel .LBB2_40-.Ltmp21, $4  }
0xbb: {  	_ = 	snop  }
0xbc: {  	s0 =	sshll.u32 s4, $0x6;
	s6 =	rddreg [dreg:$0xb]  }
0xbd: {  	s20 =	rddreg [dreg:$0x15];
	s0 =	sor.u32 $0x1C04, s0  }
0xbe: {  	[hbm:s6], [sflag:s0] =	dma.local [hbm:s20], $0x280  }
.LBB2_16:
0xbf: {  	s0 =	sld [smem:$0x7F4];
	_ =	sdelay $0x2  }
0xc0: {  	p2 =	seq.s32 s0, $0x1  }
.Ltmp22:
0xc1: {  	_ = 	snop;
	(pc) =	sbr.rel @p2 .LBB2_34-.Ltmp22, $1  }
0xc2: {  	_ =	sdelay $0x3  }
0xc3: {  	s0 =	sld [smem:$0x7F5];
	_ =	sdelay $0x2  }
0xc4: {  	p2 =	seq.s32 s0, $0x1  }
.Ltmp23:
0xc5: {  	_ = 	snop;
	(pc) =	sbr.rel @p2 .LBB2_35-.Ltmp23, $1  }
0xc6: {  	_ =	sdelay $0x3  }
0xc7: {  	s0 =	sld [smem:$0x7F6];
	_ =	sdelay $0x2  }
0xc8: {  	p2 =	seq.s32 s0, $0x1  }
.Ltmp24:
0xc9: {  	_ = 	snop;
	(pc) =	sbr.rel @!p2 .LBB2_41-.Ltmp24, $1  }
0xca: {  	_ =	sdelay $0x3  }
.Ltmp25:
0xcb: {  	(pc) =	sbr.rel .LBB2_40-.Ltmp25, $4  }
0xcc: {  	_ = 	snop  }
0xcd: {  	s0 =	sshll.u32 s4, $0x6;
	s6 =	rddreg [dreg:$0xe]  }
0xce: {  	s20 =	rddreg [dreg:$0x18];
	s0 =	sor.u32 $0x1C04, s0  }
0xcf: {  	[hbm:s6], [sflag:s0] =	dma.local [hbm:s20], $0x280  }
.LBB2_29:
0xd0: {  	s0 =	sld [smem:$0x7FC];
	_ =	sdelay $0x2  }
0xd1: {  	p2 =	seq.s32 s0, $0x1  }
.Ltmp26:
0xd2: {  	_ = 	snop;
	(pc) =	sbr.rel @p2 .LBB2_39-.Ltmp26, $1  }
0xd3: {  	_ =	sdelay $0x3  }
0xd4: {  	s0 =	sld [smem:$0x7FD];
	_ =	sdelay $0x2  }
0xd5: {  	p2 =	seq.s32 s0, $0x1  }
.Ltmp27:
0xd6: {  	_ = 	snop;
	(pc) =	sbr.rel @!p2 .LBB2_41-.Ltmp27, $1  }
0xd7: {  	_ =	sdelay $0x3  }
.Ltmp28:
0xd8: {  	(pc) =	sbr.rel .LBB2_40-.Ltmp28, $4  }
0xd9: {  	_ = 	snop  }
0xda: {  	s0 =	sshll.u32 s4, $0x6;
	s6 =	rddreg [dreg:$0x4]  }
0xdb: {  	s20 =	rddreg [dreg:$0x5];
	s0 =	sor.u32 $0x1C04, s0  }
0xdc: {  	[hbm:s6], [sflag:s0] =	dma.local [hbm:s20], $0x280  }
.LBB2_38:
.Ltmp29:
0xdd: {  	(pc) =	sbr.rel .LBB2_40-.Ltmp29, $4  }
0xde: {  	_ = 	snop  }
0xdf: {  	s0 =	sshll.u32 s4, $0x6;
	s6 =	rddreg [dreg:$0xa]  }
0xe0: {  	s20 =	rddreg [dreg:$0x14];
	s0 =	sor.u32 $0x1C04, s0  }
0xe1: {  	[hbm:s6], [sflag:s0] =	dma.local [hbm:s20], $0x280  }
.LBB2_39:
.Ltmp30:
0xe2: {  	(pc) =	sbr.rel .LBB2_40-.Ltmp30, $4  }
0xe3: {  	_ = 	snop  }
0xe4: {  	s0 =	sshll.u32 s4, $0x6;
	s6 =	rddreg [dreg:$0x6]  }
0xe5: {  	s20 =	rddreg [dreg:$0x7];
	s0 =	sor.u32 $0x1C04, s0  }
0xe6: {  	[hbm:s6], [sflag:s0] =	dma.local [hbm:s20], $0x280  }
.LBB2_36:
.Ltmp31:
0xe7: {  	(pc) =	sbr.rel .LBB2_40-.Ltmp31, $4  }
0xe8: {  	_ = 	snop  }
0xe9: {  	s0 =	sshll.u32 s4, $0x6;
	s6 =	rddreg [dreg:$0xd]  }
0xea: {  	s20 =	rddreg [dreg:$0x17];
	s0 =	sor.u32 $0x1C04, s0  }
0xeb: {  	[hbm:s6], [sflag:s0] =	dma.local [hbm:s20], $0x280  }
.LBB2_37:
.Ltmp32:
0xec: {  	(pc) =	sbr.rel .LBB2_40-.Ltmp32, $4  }
0xed: {  	_ = 	snop  }
0xee: {  	s0 =	sshll.u32 s4, $0x6;
	s6 =	rddreg [dreg:$0xc]  }
0xef: {  	s20 =	rddreg [dreg:$0x16];
	s0 =	sor.u32 $0x1C04, s0  }
0xf0: {  	[hbm:s6], [sflag:s0] =	dma.local [hbm:s20], $0x280  }
.LBB2_32:
.Ltmp33:
0xf1: {  	(pc) =	sbr.rel .LBB2_40-.Ltmp33, $4  }
0xf2: {  	_ = 	snop  }
0xf3: {  	s0 =	sshll.u32 s4, $0x6  }
0xf4: {  	s6 =	rddreg [dreg:$0x13];
	s0 =	sor.u32 $0x1C04, s0  }
0xf5: {  	[hbm:s6], [sflag:s0] =	dma.local [hbm:s2], $0x280  }
.LBB2_34:
.Ltmp34:
0xf6: {  	(pc) =	sbr.rel .LBB2_40-.Ltmp34, $4  }
0xf7: {  	_ = 	snop  }
0xf8: {  	s0 =	sshll.u32 s4, $0x6;
	s6 =	rddreg [dreg:$0x10]  }
0xf9: {  	s20 =	rddreg [dreg:$0x1a];
	s0 =	sor.u32 $0x1C04, s0  }
0xfa: {  	[hbm:s6], [sflag:s0] =	dma.local [hbm:s20], $0x280  }
.LBB2_33:
.Ltmp35:
0xfb: {  	(pc) =	sbr.rel .LBB2_40-.Ltmp35, $4  }
0xfc: {  	_ = 	snop  }
0xfd: {  	s0 =	sshll.u32 s4, $0x6  }
0xfe: {  	s6 =	rddreg [dreg:$0x12];
	s0 =	sor.u32 $0x1C04, s0  }
0xff: {  	[hbm:s6], [sflag:s0] =	dma.local [hbm:s8], $0x280  }
.LBB2_35:
0x100: {  	s0 =	sshll.u32 s4, $0x6;
	s6 =	rddreg [dreg:$0xf]  }
0x101: {  	s20 =	rddreg [dreg:$0x19];
	s0 =	sor.u32 $0x1C04, s0  }
0x102: {  	[hbm:s6], [sflag:s0] =	dma.local [hbm:s20], $0x280  }
.LBB2_40:
0x103: {  	_ =	swait.ge [sflag:s17], $0x280  }
0x104: {  	[sflag:s17] =	ssyncset.done $0x0  }
0x105: {  	[sflag:s17] =	ssyncadd.s32 $0xFFFFFD80  }
.LBB2_41:
0x106: {  	s18 =	sadd.s32 $0x1, s18  }
0x107: {  	p2 =	sne.s32 s18, s25  }
.Ltmp36:
0x108: {  	_ = 	snop;
	(pc) =	sbr.rel @p2 .LBB2_1-.Ltmp36, $1  }
0x109: {  	_ =	sdelay $0x3  }
0x10a: {  	_ =	sfence.sel $0x180000  }
0x10b: {  	[bflag:$0x0] =	sbarrier.arrive $0xFFFF  }
0x10c: {  	_ =	strace $0x90000047  }
0x10d: {  	[bflag:$0x2] =	sbarrier.arrive $0xFFFF  }
0x10e: {  	p0 =	sne.s32 s4, $0x0;
	s0 =	rddreg [dreg:$0x3]  }
0x10f: {  	s0 =	sadd.s32 @!p0 $0x100000, s0  }
0x110: {  	[sflag:s0] =	ssyncadd.tile.s32 @!p0 $0x1;
	_ =	shalt  }
.Lfunc_end2:
_tile_overlayer_lowered:
.L_overlay_start_2:
0x111: {  	(tag) =	ssettag $0x2  }
0x112: {  	s0 =	rddreg [dreg:$0x0];
	s2 =	stileid.u32  }
0x113: {  	s1 =	rddreg [dreg:$0x1];
	p0 =	sne.s32 s2, $0x0  }
0x114: {  	s3 =	rddreg [dreg:$0x2];
	[bflag:$0x3] =	sbarrier.arrive $0xFFFF;
	s2 =	simm.s32 @!p0 $0x1C04  }
0x115: {  	[timem:s3], [sflag:s2] =	dma.local @!p0 [hbm:s0], s1  }
0x116: {  	s0 =	simm.s32 @!p0 $0x4  }
0x117: {  	_ =	swait.ge @!p0 [sflag:s0], s1  }
0x118: {  	s1 =	ssub.s32 @!p0 $0x0, s1;
	[sflag:s0] =	ssyncset.done @!p0 $0x0  }
0x119: {  	[sflag:s0] =	ssyncadd.s32 @!p0 s1  }
0x11a: {  	[bflag:$0x3] =	sbarrier.arrive $0xFFFF  }
0x11b: {  	_ =	shalt  }

// kernel: kernel.7.cloned.1.call-start
scs
__scs_entry_jumppad:
0x0: {  	(pc) =	sbr.rel $0x88, $3  }
0x1: {  	(tag) =	ssettag $0x0;
	lr =	simm.s32 $0x1  }
0x2: {  	[smem:$0x3F9E] =	sst lr;
	_ =	strace $0xD0000000  }
0x3: {  	_ = 	snop  }
0x4: {  	_ = 	snop  }
0x5: {  	_ = 	snop  }
0x6: {  	_ = 	snop  }
0x7: {  	_ = 	snop  }
__scs_overlays_trampoline_lowered:
0x8: {  	[smem:$0x3FAD] =	sst s0  }
0x9: {  	[smem:$0x3FAE] =	sst s1  }
0xa: {  	[smem:$0x3FAF] =	sst s2  }
0xb: {  	[smem:$0x3FB0] =	sst s3  }
0xc: {  	[smem:$0x3FB1] =	sst s4  }
0xd: {  	[smem:$0x3FB2] =	sst s5  }
0xe: {  	[smem:$0x3FB3] =	sst s6  }
0xf: {  	[smem:$0x3FB4] =	sst s7  }
0x10: {  	[smem:$0x3FB5] =	sst s8  }
0x11: {  	[smem:$0x3FB6] =	sst s9;
	s0 =	simm.s32 @!p0 $0x0  }
0x12: {  	s1 =	sld [smem:$0x3F9C];
	s0 =	simm.s32 @p0 $0x1  }
0x13: {  	[smem:$0x3FB7] =	sst s0;
	s0 =	simm.s32 @!p1 $0x0  }
0x14: {  	s2 =	sld [smem:$0x3F9B];
	s0 =	simm.s32 @p1 $0x1  }
0x15: {  	[smem:$0x3FB8] =	sst s0;
	s0 =	simm.s32 @!p2 $0x0  }
0x16: {  	s3 =	sld [smem:$0x3FDB];
	s0 =	simm.s32 @p2 $0x1  }
0x17: {  	s4 =	simm.s32 $0x1BF5;
	[smem:$0x3FBA] =	sst s0  }
0x18: {  	s0 =	sld [smem:$0x3F9D];
	_ =	swait.ge [sflag:s4], $0x0  }
0x19: {  	s7 =	sld [smem:$0x3F9E]  }
0x1a: {  	s8 =	sadd.s32 $0xFFFFE003, lr  }
0x1b: {  	s9 =	sadd.s32 $0xFFFFFEF7, lr;
	s5 =	simm.s32 $0xFFFFFFFF;
	p2 =	slt.u32 s8, $0xFFFFF086  }
0x1c: {  	p1 =	slt.u32 s9, $0xF7A;
	s5 =	simm.s32 @!p2 $0x0  }
0x1d: {  	s5 =	simm.s32 @p1 $0x1;
	p0 =	seq.s32 s7, s2  }
0x1e: {  	s7 =	smul.u32 @!p0 $0xF7A, s2;
	p2 =	seq.s32 @!p0 s5, $0x0  }
0x1f: {  	s9 =	smul.u32 $0xF7A, s1;
	s8 =	simm.s32 @!p0 $0x1BF5;
	p2 =	por !p2, p0  }
0x20: {  	[sflag:s8] =	ssyncset.s32 @!p0 $0xFFFFF086;
	s6 =	sadd.s32 @!p0 s3, s7;
	s7 =	simm.s32 @!p0 $0x108  }
0x21: {  	s3 =	sadd.s32 s3, s9;
	s6 =	sadd.s32 @!p0 $0x88, s6;
	s7 =	simm.s32 @p2 $0x1082  }
0x22: {  	[simem:s7], [sflag:s8] =	dma.local @!p0 [hbm:s6], $0xF7A  }
0x23: {  	s9 =	sor.u32 $0xD0000000, s2;
	s6 =	simm.s32 $0x108;
	_ =	swait.ge @!p0 [sflag:s8], $0x0  }
0x24: {  	s3 =	sadd.s32 $0x88, s3;
	s6 =	simm.s32 @!p1 $0x1082;
	[sflag:s4] =	ssyncset.s32 $0xFFFFF086  }
0x25: {  	[simem:s6], [sflag:s4] =	dma.local [hbm:s3], $0xF7A  }
0x26: {  	[smem:$0x3F9E] =	sst s1;
	(tag) =	ssettag s2;
	_ =	strace s9  }
0x27: {  	s1 =	sld [smem:$0x3FAE]  }
0x28: {  	s2 =	sld [smem:$0x3FAF]  }
0x29: {  	s4 =	sld [smem:$0x3FB1]  }
0x2a: {  	p0 =	seq.s32 s5, $0x0;
	s5 =	sld [smem:$0x3FB2]  }
0x2b: {  	s6 =	sld [smem:$0x3FB3]  }
0x2c: {  	s7 =	sld [smem:$0x3FB4]  }
0x2d: {  	s3 =	simm.s32 $0x108;
	s8 =	sld [smem:$0x3FB5]  }
0x2e: {  	s3 =	simm.s32 @!p0 $0x1082;
	s9 =	sld [smem:$0x3FB6]  }
0x2f: {  	lr =	sadd.s32 s0, s3;
	s0 =	sld [smem:$0x3FAD]  }
0x30: {  	s3 =	sld [smem:$0x3FB0]  }
0x31: {  	[smem:$0x3FB9] =	sst s10  }
0x32: {  	s10 =	sld [smem:$0x3FB7];
	_ =	sdelay $0x3  }
0x33: {  	p0 =	seq.s32 s10, $0x1;
	s10 =	sld [smem:$0x3FB9];
	_ =	sdelay $0x3  }
0x34: {  	[smem:$0x3FB9] =	sst s10  }
0x35: {  	s10 =	sld [smem:$0x3FB8];
	_ =	sdelay $0x3  }
0x36: {  	p1 =	seq.s32 s10, $0x1;
	s10 =	sld [smem:$0x3FB9];
	_ =	sdelay $0x3  }
0x37: {  	[smem:$0x3FB9] =	sst s10  }
0x38: {  	s10 =	sld [smem:$0x3FBA]  }
0x39: {  	_ = 	snop;
	(pc) =	sbr.ind lr, $3  }
0x3a: {  	_ = 	snop  }
0x3b: {  	_ = 	snop  }
0x3c: {  	p2 =	seq.s32 s10, $0x1;
	s10 =	sld [smem:$0x3FB9]  }
0x3d: {  	_ =	shalt  }
0x3e: {  	_ =	shalt  }
0x3f: {  	_ =	shalt  }
0x40: {  	_ =	shalt  }
0x41: {  	_ =	shalt  }
0x42: {  	_ =	shalt  }
0x43: {  	_ =	shalt  }
0x44: {  	_ =	shalt  }
0x45: {  	_ =	shalt  }
0x46: {  	_ =	shalt  }
0x47: {  	_ =	shalt  }
0x48: {  	_ =	shalt  }
0x49: {  	_ =	shalt  }
0x4a: {  	_ =	shalt  }
0x4b: {  	_ =	shalt  }
0x4c: {  	_ =	shalt  }
0x4d: {  	_ =	shalt  }
0x4e: {  	_ =	shalt  }
0x4f: {  	_ =	shalt  }
0x50: {  	_ =	shalt  }
0x51: {  	_ =	shalt  }
0x52: {  	_ =	shalt  }
0x53: {  	_ =	shalt  }
0x54: {  	_ =	shalt  }
0x55: {  	_ =	shalt  }
0x56: {  	_ =	shalt  }
0x57: {  	_ =	shalt  }
0x58: {  	_ =	shalt  }
0x59: {  	_ =	shalt  }
0x5a: {  	_ =	shalt  }
0x5b: {  	_ =	shalt  }
0x5c: {  	_ =	shalt  }
0x5d: {  	_ =	shalt  }
0x5e: {  	_ =	shalt  }
0x5f: {  	_ =	shalt  }
0x60: {  	_ =	shalt  }
0x61: {  	_ =	shalt  }
0x62: {  	_ =	shalt  }
0x63: {  	_ =	shalt  }
0x64: {  	_ =	shalt  }
0x65: {  	_ =	shalt  }
0x66: {  	_ =	shalt  }
0x67: {  	_ =	shalt  }
0x68: {  	_ =	shalt  }
0x69: {  	_ =	shalt  }
0x6a: {  	_ =	shalt  }
0x6b: {  	_ =	shalt  }
0x6c: {  	_ =	shalt  }
0x6d: {  	_ =	shalt  }
0x6e: {  	_ =	shalt  }
0x6f: {  	_ =	shalt  }
0x70: {  	_ =	shalt  }
0x71: {  	_ =	shalt  }
0x72: {  	_ =	shalt  }
0x73: {  	_ =	shalt  }
0x74: {  	_ =	shalt  }
0x75: {  	_ =	shalt  }
0x76: {  	_ =	shalt  }
0x77: {  	_ =	shalt  }
0x78: {  	_ =	shalt  }
0x79: {  	_ =	shalt  }
0x7a: {  	_ =	shalt  }
0x7b: {  	_ =	shalt  }
0x7c: {  	_ =	shalt  }
0x7d: {  	_ =	shalt  }
0x7e: {  	_ =	shalt  }
0x7f: {  	_ =	shalt  }
0x80: {  	_ =	shalt  }
0x81: {  	_ =	shalt  }
0x82: {  	_ =	shalt  }
0x83: {  	_ =	shalt  }
0x84: {  	_ =	shalt  }
0x85: {  	_ =	shalt  }
0x86: {  	_ =	shalt  }
0x87: {  	_ =	shalt  }
.Lfunc_end0:
.L_simem_size_0:
called_computation.1_lowered:
.L_overlay_start_0:
0x88: {  	s2 =	sld [smem:$0x3FD9]  }
0x89: {  	s3 =	sld [smem:$0x3FFE];
	_ =	sdelay $0x1  }
0x8a: {  	s1 =	srdreg.scid  }
0x8b: {  	s0 =	sand.u32 $0x1, s1  }
0x8c: {  	s17 =	sshll.u32 s0, $0xA;
	s2 =	sadd.s32 s3, s2  }
0x8d: {  	s2 =	sadd.s32 s2, s17  }
0x8e: {  	[smem:$0x3FC5] =	sst s2  }
0x8f: {  	_ = 	snop  }
0x90: {  	s2 =	sld [smem:$0x3FD0];
	(tm) =	ssettm $0x1  }
0x91: {  	s18 =	sld [smem:$0x3FFB];
	_ =	sdelay $0x3  }
0x92: {  	_ =	strace s18  }
0x93: {  	s3 =	sld [smem:$0x3FFC];
	_ =	sdelay $0x3  }
0x94: {  	_ =	strace s3  }
0x95: {  	s3 =	sld [smem:$0x3FFD];
	_ =	sdelay $0x3  }
0x96: {  	_ =	strace s3  }
0x97: {  	_ =	strace $0x8FFFFFFF  }
0x98: {  	s19 =	sld [smem:$0x3FDB];
	_ =	sdelay $0x1  }
0x99: {  	s4 =	simm.s32 $_scs_section_size  }
0x9a: {  	s5 =	simm.s32 $_size__tile_overlayer_lowered;
	s6 =	simm.s32 $_tile_overlayer_lowered  }
0x9b: {  	s22 =	simm.s32 $0x1BFF;
	s21 =	sshll.u32 s6, $0x1;
	s3 =	sadd.s32 s4, s19  }
0x9c: {  	s7 =	simm.s32 $0x0;
	s20 =	sshll.u32 s5, $0x1;
	s5 =	sadd.s32 s21, s3  }
0x9d: {  	[timem:s7], [sflag:s22] =	dma.local [hbm:s5], s20  }
0x9e: {  	_ =	swait.ge [sflag:s22], s20  }
0x9f: {  	s4 =	ssub.s32 $0x0, s20;
	[sflag:s22] =	ssyncset.done $0x0  }
0xa0: {  	[sflag:s22] =	ssyncadd.s32 s4;
	_ =	sdelay $0x1  }
0xa1: {  	s23 =	simm.s32 $0x1B8B  }
0xa2: {  	_ =	swait.ge [sflag:s23], $0x1  }
0xa3: {  	[sflag:s23] =	ssyncset.done $0x0  }
0xa4: {  	s25 =	simm.s32 $0x1B8E;
	s24 =	sld [smem:$0x3FFE];
	[sflag:s23] =	ssyncadd.s32 $0xFFFFFFFF  }
0xa5: {  	s26 =	simm.s32 $execute0_lowered;
	[smem:$0x3FD2] =	sst s25  }
0xa6: {  	s5 =	sshll.u32 s26, $0x1;
	_ =	strace $0x80000049;
	[dreg:$0x1] =	wrdreg $0xFFFFFFFF  }
0xa7: {  	s28 =	simm.s32 $_size_execute0_lowered;
	s3 =	sadd.s32 s3, s5;
	[dreg:$0x0] =	wrdreg $0x0  }
0xa8: {  	s5 =	sshll.u32 s28, $0x1;
	[dreg:$0x2] =	wrdreg s3  }
0xa9: {  	[dreg:$0x3] =	wrdreg s5  }
0xaa: {  	[dreg:$0x4] =	wrdreg $0xC0  }
0xab: {  	_ =	task [dreg:s7], $0x5FFFF  }
0xac: {  	[dreg:$0x1] =	wrdreg $0xFFFFFFFF  }
0xad: {  	[dreg:$0x0] =	wrdreg $0x60  }
0xae: {  	[dreg:$0x2] =	wrdreg s24  }
0xaf: {  	[dreg:$0x3] =	wrdreg s2  }
0xb0: {  	[dreg:$0x4] =	wrdreg $0x9  }
0xb1: {  	_ =	task.clear_ibuf [dreg:s7], $0x5FFFF;
	_ =	strace $0x90000049  }
0xb2: {  	s29 =	simm.s32 $0x9;
	_ =	strace $0x8000004B  }
0xb3: {  	_ =	swait.ge [sflag:s29], $0x1  }
0xb4: {  	[sflag:s29] =	ssyncadd.s32 $0xFFFFFFFF  }
0xb5: {  	_ =	strace $0x9000004B  }
0xb6: {  	_ =	sfence  }
0xb7: {  	s30 =	sld [smem:$0x0];
	_ =	sdelay $0x2  }
0xb8: {  	s31 =	sshll.u32 s1, $0xD;
	s1 =	sshrl.u32 s1, $0x2  }
0xb9: {  	s3 =	sand.u32 $0x4000, s31;
	s1 =	sadd.s32 s1, s30  }
0xba: {  	s0 =	sor.u32 s3, s0;
	s1 =	sshll.u32 s1, $0x11  }
0xbb: {  	s0 =	sor.u32 s1, s0  }
0xbc: {  	s0 =	sadd.s32 $0x8F2B, s0  }
0xbd: {  	[sflag:s0] =	ssyncadd.remote.s32 $0x1  }
0xbe: {  	_ =	sfence.sel $0xFFFF  }
0xbf: {  	[dreg:$0x0] =	wrdreg $0xFFFFFFFF;
	(pc) =	sbr.abs _section_cstart, $3  }
0xc0: {  	[dreg:$0x1] =	wrdreg $0xFFFFFFFF  }
0xc1: {  	_ =	task.clear_ibuf [dreg:s7], $0x2FFFF;
	_ =	strace $0x9FFFFFFF  }
0xc2: {  	(tm) =	ssettm $0x7FFFFFFF  }
0xc3: {  	_ =	shalt  }
tec
execute0_lowered:
.L_overlay_start_1:
0x0: {  	(tag) =	ssettag $0x1  }
0x1: {  	s0 =	rddreg [dreg:$0x0];
	s1 =	srdreg.scid  }
0x2: {  	s2 =	stileid.u32;
	s4 =	rddreg [dreg:$0x1];
	s8 =	simm.s32 $0x80  }
0x3: {  	s20 =	simm.s32 $0xBC00;
	s21 =	simm.s32 $0x6700;
	s22 =	simm.s32 $0xCC00  }
0x4: {  	s23 =	simm.s32 $0x6780;
	s24 =	simm.s32 $0xDC00;
	s31 =	simm.s32 $0x1  }
0x5: {  	s1 =	sand.u32 $0x1, s1;
	s3 =	sshll.u32 s2, $0x1;
	s2 =	simm.s32 $0x0  }
0x6: {  	s9 =	simm.s32 $0x0;
	s5 =	sor.u32 s1, s3;
	[smem:$0x7FF] =	sst s2  }
0x7: {  	v8 =	vlaneseq.u32;
	s1 =	ssub.s32 $0x2, s1;
	s3 =	smul.u32 $0xC80, s5;
	_ =	strace $0x8000004A  }
.Ltmp0:
0x8: {  	v0 =	vmul.u32 $0xC8, v8;
	s28 =	sshrl.u32 s1, $0x1;
	s30 =	sshll.u32 s5, $0x7;
	(pc) =	sbr.rel .LBB2_1-.Ltmp0, $4  }
0x9: {  	s5 =	sadd.s32 s4, s30;
	s4 =	simm.s32 $0x2;
	s6 =	sadd.s32 s3, s0  }
0xa: {  	v8 =	vmul.u32 $0x80, v8;
	v1 =	vadd.s32 $0xC80, v0;
	s3 =	sadd.s32 $0xA00, s0;
	s0 =	ssub.s32 s1, s28;
	s29 =	sadd.s32 $0x3D3400, s6  }
0xb: {  	v2 =	vadd.s32 $0x1900, v0;
	v3 =	vadd.s32 $0x2580, v0;
	v4 =	vadd.s32 $0x3200, v0;
	s1 =	simm.s32 $0x400;
	s0 =	smax.u32 s0, $0x1;
	[dreg:$0x3] =	wrdreg s29  }
0xc: {  	v5 =	vadd.s32 $0x3E80, v0;
	v6 =	vadd.s32 $0x4B00, v0;
	v7 =	vadd.s32 $0x5780, v0;
	s6 =	simm.s32 $0x3;
	[dreg:$0x4] =	wrdreg s0;
	s0 =	simm.s32 $0x8000  }
.LBB2_20:
0xd: {  	_ =	swait.ge [sflag:s6], $0x1000  }
0xe: {  	[sflag:s6] =	ssyncset.done $0x0  }
0xf: {  	[sflag:s6] =	ssyncadd.s32 $0xFFFFF000  }
0x10: {  	_ =	swait.ge [sflag:s6], $0x1000  }
0x11: {  	s9 =	rddreg [dreg:$0x5]  }
0x12: {  	s7 =	rddreg [dreg:$0x4];
	s9 =	sadd.s32 $0x1, s9  }
0x13: {  	p0 =	sne.s32 s9, s7  }
.Ltmp1:
0x14: {  	_ = 	snop;
	(pc) =	sbr.rel @!p0 .LBB2_21-.Ltmp1, $3  }
0x15: {  	_ =	sdelay $0x1  }
0x16: {  	[sflag:s6] =	ssyncset.done $0x0  }
0x17: {  	[sflag:s6] =	ssyncadd.s32 $0xFFFFF000  }
.LBB2_1:
0x18: {  	v9 =	vmov s2  }
0x19: {  	v9 =	vand.u32 $0x7, v9  }
0x1a: {  	v9 =	vbroadcast v9, $0x0  }
0x1b: {  	[dreg:$0x5] =	wrdreg s9  }
0x1c: {  	s7 =	rddreg [dreg:$0x3];
	s29 =	simm.s32 $0x4;
	v10 =	vor.u32 v0, v9  }
0x1d: {  	[tilespmem:s2], [sflag:$0x4] =	stream.linear.gather [hbm4b:s7+s2], $0x6400, $0x38;
	v11 =	vor.u32 v7, v9;
	[tilespmem:$0x18C00] =	vst v63  }
0x1e: {  	_ =	swait.ge [sflag:s29], $0x6400;
	v12 =	vor.u32 v5, v9  }
0x1f: {  	s30 =	simm.s32 $0x1;
	[sflag:s29] =	ssyncset.done $0x0;
	v13 =	vor.u32 v1, v9  }
0x20: {  	v15 =	vmov s30;
	[sflag:s29] =	ssyncadd.s32 $0xFFFF9C00;
	v14 =	vor.u32 v6, v9  }
0x21: {  	v15 =	vand.u32 $0x7, v15;
	v16 =	vor.u32 v2, v9;
	v10 =	vld.idx.msk [tilespmem:v10+s2+$0x0], $0xffff  }
0x22: {  	v15 =	vbroadcast v15, $0x0;
	v17 =	vor.u32 v3, v9;
	v11 =	vld.idx.msk [tilespmem:v11+s2+$0x0], $0xffff  }
0x23: {  	v9 =	vor.u32 v4, v9;
	v18 =	vld.idx.msk [tilespmem:v12+s2+$0x0], $0xffff  }
0x24: {  	v20 =	vor.u32 v0, v15;
	v21 =	vld.idx.msk [tilespmem:v13+s2+$0x0], $0xffff  }
0x25: {  	v22 =	vor.u32 v7, v15;
	v24 =	vld.idx.msk [tilespmem:v14+s2+$0x0], $0xffff  }
0x26: {  	s7 =	simm.s32 $0x6440;
	v25 =	vor.u32 v5, v15;
	v26 =	vld.idx.msk [tilespmem:v16+s2+$0x0], $0xffff  }
0x27: {  	s9 =	simm.s32 $0x2;
	v27 =	vor.u32 v1, v15;
	v12 =	vld.idx.msk [tilespmem:v17+s2+$0x0], $0xffff;
	[tilespmem:s7+$0x30] =	vst v11  }
0x28: {  	v19 =	vld.idx.msk [tilespmem:v9+s2+$0x0], $0xffff;
	v11 =	vmov s9;
	[tilespmem:s7+$0x10] =	vst v18  }
0x29: {  	v16 =	vor.u32 v6, v15;
	v9 =	vld.idx.msk [tilespmem:v20+s2+$0x0], $0xffff;
	[tilespmem:s7+$0xFFFFFFC0] =	vst v10;
	v14 =	vand.u32 $0x7, v11  }
0x2a: {  	v13 =	vor.u32 v2, v15;
	v20 =	vld.idx.msk [tilespmem:v22+s2+$0x0], $0xffff;
	[tilespmem:s7+$0xFFFFFFD0] =	vst v21;
	v23 =	vbroadcast v14, $0x0  }
0x2b: {  	v21 =	vld.idx.msk [tilespmem:v25+s2+$0x0], $0xffff;
	[tilespmem:s7+$0x20] =	vst v24;
	v11 =	vor.u32 v3, v15;
	v14 =	vor.u32 v4, v15  }
0x2c: {  	v18 =	vld.idx.msk [tilespmem:v27+s2+$0x0], $0xffff;
	v15 =	vor.u32 v0, v23;
	v10 =	vor.u32 v1, v23;
	v17 =	vor.u32 v7, v23  }
0x2d: {  	s12 =	simm.s32 $0x10;
	s10 =	simm.s32 $0x64C0;
	s11 =	simm.s32 $0x64C0;
	[tilespmem:s7+$0xFFFFFFE0] =	vst v26;
	v24 =	vor.u32 v2, v23;
	v22 =	vor.u32 v3, v23;
	v25 =	vor.u32 v6, v23  }
.LBB2_2:
0x2e: {  	s12 =	sadd.s32 $0x8, s12;
	v26 =	vor.u32 v4, v23;
	v27 =	vor.u32 v5, v23;
	v28 =	vld.idx.msk [tilespmem:v16+s2+$0x0], $0xffff;
	s10 =	sadd.s32 $0x80, s10;
	[tilespmem:s7+$0x0] =	vst v19;
	v16 =	vmov v25  }
0x2f: {  	p0 =	slt.u32 s12, $0x38;
	v29 =	vld.idx.msk [tilespmem:v13+s2+$0x0], $0xffff;
	[tilespmem:s7+$0xFFFFFFF0] =	vst v12;
	v13 =	vmov v24;
	s7 =	smov.u32 s11;
	s11 =	smov.u32 s10  }
0x30: {  	s9 =	sadd.s32 $0x1, s9;
	v12 =	vld.idx.msk [tilespmem:v11+s2+$0x0], $0xffff;
	[tilespmem:s7+$0x30] =	vst v20;
	v11 =	vmov v22  }
0x31: {  	v20 =	vmov s9;
	v19 =	vld.idx.msk [tilespmem:v14+s2+$0x0], $0xffff;
	[tilespmem:s7+$0x10] =	vst v21;
	v14 =	vmov v26  }
.Ltmp2:
0x32: {  	v20 =	vand.u32 $0x7, v20;
	[tilespmem:s7+$0xFFFFFFC0] =	vst v9;
	v9 =	vld.idx.msk [tilespmem:v15+s2+$0x0], $0xffff;
	(pc) =	sbr.rel @p0 .LBB2_2-.Ltmp2, $4  }
0x33: {  	v23 =	vbroadcast v20, $0x0;
	v20 =	vld.idx.msk [tilespmem:v17+s2+$0x0], $0xffff;
	[tilespmem:s7+$0xFFFFFFD0] =	vst v18  }
0x34: {  	v21 =	vld.idx.msk [tilespmem:v27+s2+$0x0], $0xffff;
	[tilespmem:s7+$0x20] =	vst v28  }
0x35: {  	v15 =	vor.u32 v0, v23;
	v17 =	vor.u32 v7, v23;
	v18 =	vld.idx.msk [tilespmem:v10+s2+$0x0], $0xffff;
	v10 =	vor.u32 v1, v23  }
0x36: {  	v24 =	vor.u32 v2, v23;
	v22 =	vor.u32 v3, v23;
	v25 =	vor.u32 v6, v23;
	[tilespmem:s7+$0xFFFFFFE0] =	vst v29  }
0x37: {  	_ =	sdelay $0x2  }
0x38: {  	[tilespmem:s7+$0x0] =	vst v19  }
0x39: {  	v16 =	vld.idx.msk [tilespmem:v16+s2+$0x0], $0xffff;
	[tilespmem:s7+$0xFFFFFFF0] =	vst v12  }
0x3a: {  	v58 =	vld.idx.msk [tilespmem:v13+s2+$0x0], $0xffff;
	[tilespmem:s11+$0xFFFFFFC0] =	vst v9  }
0x3b: {  	v59 =	vld.idx.msk [tilespmem:v14+s2+$0x0], $0xffff;
	[tilespmem:s11+$0x30] =	vst v20  }
0x3c: {  	v11 =	vld.idx.msk [tilespmem:v11+s2+$0x0], $0xffff;
	[tilespmem:s11+$0x10] =	vst v21  }
0x3d: {  	v57 =	vor.u32 v5, v23;
	v9 =	vld.idx.msk [tilespmem:v17+s2+$0x0], $0xffff;
	[tilespmem:s11+$0xFFFFFFD0] =	vst v18  }
0x3e: {  	v15 =	vld.idx.msk [tilespmem:v15+s2+$0x0], $0xffff;
	[tilespmem:s11+$0x20] =	vst v16  }
0x3f: {  	v60 =	vor.u32 v4, v23;
	v10 =	vld.idx.msk [tilespmem:v10+s2+$0x0], $0xffff;
	[tilespmem:s11+$0xFFFFFFE0] =	vst v58  }
0x40: {  	v62 =	vld.idx.msk [tilespmem:v25+s2+$0x0], $0xffff;
	[tilespmem:s11+$0x0] =	vst v59  }
0x41: {  	s14 =	sadd.s32 $0x80, s10;
	v63 =	vld.idx.msk [tilespmem:v22+s2+$0x0], $0xffff;
	[tilespmem:s11+$0xFFFFFFF0] =	vst v11  }
0x42: {  	v61 =	vld.idx.msk [tilespmem:v57+s2+$0x0], $0xffff;
	[tilespmem:s14+$0x30] =	vst v9  }
0x43: {  	v11 =	vld.idx.msk [tilespmem:v24+s2+$0x0], $0xffff;
	[tilespmem:s14+$0xFFFFFFC0] =	vst v15  }
0x44: {  	v9 =	vld.idx.msk [tilespmem:v60+s2+$0x0], $0xffff;
	[tilespmem:s14+$0xFFFFFFD0] =	vst v10  }
0x45: {  	[tilespmem:s14+$0x20] =	vst v62  }
0x46: {  	[tilespmem:s14+$0xFFFFFFF0] =	vst v63  }
0x47: {  	[tilespmem:s14+$0x10] =	vst v61  }
0x48: {  	[tilespmem:s14+$0xFFFFFFE0] =	vst v11  }
0x49: {  	s15 =	simm.s32 $0x6400;
	s9 =	simm.s32 $0x6C00;
	[tilespmem:s14+$0x0] =	vst v9  }
0x4a: {  	[tilespmem:s9], [sflag:$0x1] =	stream.indirect.gather [hbm4b:s3+s8], $0x20, s15, s8, $0xb8;
	[tilespmem:$0x18C00] =	vst v63  }
0x4b: {  	s16 =	simm.s32 $0x6480;
	s17 =	simm.s32 $0x7C00  }
0x4c: {  	[tilespmem:s17], [sflag:$0x1] =	stream.indirect.gather [hbm4b:s3+s8], $0x20, s16, s8, $0xb8;
	[tilespmem:$0x18C00] =	vst v63  }
0x4d: {  	s18 =	simm.s32 $0x6500;
	s19 =	simm.s32 $0x8C00  }
0x4e: {  	[tilespmem:s19], [sflag:$0x1] =	stream.indirect.gather [hbm4b:s3+s8], $0x20, s18, s8, $0xb8;
	[tilespmem:$0x18C00] =	vst v63  }
0x4f: {  	s25 =	simm.s32 $0x6580;
	s26 =	simm.s32 $0x9C00  }
0x50: {  	[tilespmem:s26], [sflag:$0x1] =	stream.indirect.gather [hbm4b:s3+s8], $0x20, s25, s8, $0xb8;
	[tilespmem:$0x18C00] =	vst v63  }
0x51: {  	s28 =	simm.s32 $0x6600;
	s29 =	simm.s32 $0xAC00  }
0x52: {  	[tilespmem:s29], [sflag:$0x1] =	stream.indirect.gather [hbm4b:s3+s8], $0x20, s28, s8, $0xb8;
	[tilespmem:$0x18C00] =	vst v63  }
0x53: {  	s30 =	simm.s32 $0x6680  }
0x54: {  	[tilespmem:s20], [sflag:$0x1] =	stream.indirect.gather [hbm4b:s3+s8], $0x20, s30, s8, $0xb8;
	[tilespmem:$0x18C00] =	vst v63  }
.Ltmp3:
0x55: {  	_ = 	snop;
	(pc) =	sbr.rel .LBB2_4-.Ltmp3, $4  }
0x56: {  	_ = 	snop  }
0x57: {  	[tilespmem:s22], [sflag:$0x1] =	stream.indirect.gather [hbm4b:s3+s8], $0x20, s21, s8, $0xb8;
	[tilespmem:$0x18C00] =	vst v63  }
0x58: {  	s7 =	simm.s32 $0x0;
	s25 =	simm.s32 $0x8;
	s26 =	simm.s32 $0x10  }
0x59: {  	[tilespmem:s24], [sflag:$0x1] =	stream.indirect.gather [hbm4b:s3+s8], $0x20, s23, s8, $0xb8;
	[tilespmem:$0x18C00] =	vst v63  }
.LBB2_19:
0x5a: {  	s7 =	sadd.s32 $0x1, s7  }
0x5b: {  	p0 =	sne.s32 s7, $0xD  }
.Ltmp4:
0x5c: {  	_ = 	snop;
	(pc) =	sbr.rel @!p0 .LBB2_20-.Ltmp4, $2  }
0x5d: {  	_ =	sdelay $0x2  }
0x5e: {  	s25 =	sadd.s32 $0x10, s25;
	s26 =	sadd.s32 $0x10, s26  }
.LBB2_4:
0x5f: {  	s28 =	sshllo.u32 s7, $0x1  }
0x60: {  	p0 =	sgt.u32 s28, $0x18  }
.Ltmp5:
0x61: {  	_ = 	snop;
	(pc) =	sbr.rel @p0 .LBB2_8-.Ltmp5, $1  }
0x62: {  	_ =	sdelay $0x3  }
0x63: {  	v9 =	vmov s25  }
0x64: {  	v9 =	vand.u32 $0xFF, v9  }
0x65: {  	v10 =	vadd.s32 v0, v9  }
0x66: {  	v11 =	vadd.s32 v7, v9  }
0x67: {  	v12 =	vadd.s32 v5, v9  }
0x68: {  	v13 =	vadd.s32 v1, v9  }
0x69: {  	v14 =	vadd.s32 v6, v9  }
0x6a: {  	s10 =	sadd.s32 $0x1, s25;
	v15 =	vadd.s32 v2, v9;
	v10 =	vld.idx.msk [tilespmem:v10+s2+$0x0], $0xffff  }
0x6b: {  	v17 =	vmov s10;
	v16 =	vadd.s32 v3, v9;
	v18 =	vld.idx.msk [tilespmem:v11+s2+$0x0], $0xffff  }
0x6c: {  	v9 =	vadd.s32 v4, v9;
	v19 =	vand.u32 $0xFF, v17;
	v12 =	vld.idx.msk [tilespmem:v12+s2+$0x0], $0xffff  }
0x6d: {  	v20 =	vadd.s32 v0, v19;
	v21 =	vld.idx.msk [tilespmem:v13+s2+$0x0], $0xffff  }
0x6e: {  	v27 =	vadd.s32 v1, v19;
	v23 =	vld.idx.msk [tilespmem:v14+s2+$0x0], $0xffff  }
0x6f: {  	v22 =	vadd.s32 v7, v19;
	v26 =	vld.idx.msk [tilespmem:v15+s2+$0x0], $0xffff  }
0x70: {  	v25 =	vadd.s32 v5, v19;
	v11 =	vld.idx.msk [tilespmem:v16+s2+$0x0], $0xffff  }
0x71: {  	s9 =	simm.s32 $0x6870;
	v17 =	vld.idx.msk [tilespmem:v9+s2+$0x0], $0xffff  }
0x72: {  	v9 =	vld.idx.msk [tilespmem:v20+s2+$0x0], $0xffff;
	[tilespmem:s9+$0x0] =	vst v18  }
0x73: {  	s11 =	sadd.s32 $0x1, s10;
	v16 =	vadd.s32 v6, v19;
	v20 =	vld.idx.msk [tilespmem:v27+s2+$0x0], $0xffff;
	[tilespmem:s9+$0xFFFFFFE0] =	vst v12  }
0x74: {  	v13 =	vadd.s32 v2, v19;
	[tilespmem:s9+$0xFFFFFF90] =	vst v10;
	v12 =	vmov s11;
	v18 =	vld.idx.msk [tilespmem:v22+s2+$0x0], $0xffff  }
0x75: {  	v14 =	vadd.s32 v4, v19;
	v10 =	vadd.s32 v3, v19;
	[tilespmem:s9+$0xFFFFFFA0] =	vst v21;
	v21 =	vld.idx.msk [tilespmem:v25+s2+$0x0], $0xffff;
	v24 =	vand.u32 $0xFF, v12  }
0x76: {  	[tilespmem:s9+$0xFFFFFFF0] =	vst v23;
	v15 =	vadd.s32 v0, v24;
	v12 =	vadd.s32 v1, v24;
	v19 =	vadd.s32 v7, v24  }
0x77: {  	s13 =	simm.s32 $0x10;
	s12 =	simm.s32 $0x68F0;
	s10 =	simm.s32 $0x68F0;
	[tilespmem:s9+$0xFFFFFFB0] =	vst v26;
	v23 =	vadd.s32 v2, v24;
	v22 =	vadd.s32 v3, v24;
	v25 =	vadd.s32 v6, v24  }
.LBB2_6:
0x78: {  	s13 =	sadd.s32 $0x8, s13;
	v26 =	vadd.s32 v4, v24;
	v27 =	vadd.s32 v5, v24;
	v28 =	vld.idx.msk [tilespmem:v16+s2+$0x0], $0xffff;
	s10 =	sadd.s32 $0x80, s10;
	[tilespmem:s9+$0xFFFFFFD0] =	vst v17;
	v16 =	vmov v25  }
0x79: {  	p1 =	slt.u32 s13, $0x38;
	v29 =	vld.idx.msk [tilespmem:v13+s2+$0x0], $0xffff;
	[tilespmem:s9+$0xFFFFFFC0] =	vst v11;
	v13 =	vmov v23;
	s9 =	smov.u32 s12;
	s12 =	smov.u32 s10  }
0x7a: {  	v11 =	vld.idx.msk [tilespmem:v10+s2+$0x0], $0xffff;
	[tilespmem:s9+$0x0] =	vst v18;
	v10 =	vmov v22  }
0x7b: {  	v17 =	vld.idx.msk [tilespmem:v14+s2+$0x0], $0xffff;
	[tilespmem:s9+$0xFFFFFFE0] =	vst v21;
	v14 =	vmov v26  }
.Ltmp6:
0x7c: {  	s11 =	sadd.s32 $0x1, s11;
	[tilespmem:s9+$0xFFFFFF90] =	vst v9;
	v9 =	vld.idx.msk [tilespmem:v15+s2+$0x0], $0xffff;
	(pc) =	sbr.rel @p1 .LBB2_6-.Ltmp6, $4  }
0x7d: {  	v15 =	vmov s11;
	v18 =	vld.idx.msk [tilespmem:v19+s2+$0x0], $0xffff;
	[tilespmem:s9+$0xFFFFFFA0] =	vst v20  }
0x7e: {  	v24 =	vand.u32 $0xFF, v15;
	v21 =	vld.idx.msk [tilespmem:v27+s2+$0x0], $0xffff;
	[tilespmem:s9+$0xFFFFFFF0] =	vst v28  }
0x7f: {  	v15 =	vadd.s32 v0, v24;
	v19 =	vadd.s32 v7, v24;
	v20 =	vld.idx.msk [tilespmem:v12+s2+$0x0], $0xffff;
	v12 =	vadd.s32 v1, v24  }
0x80: {  	v23 =	vadd.s32 v2, v24;
	v22 =	vadd.s32 v3, v24;
	v25 =	vadd.s32 v6, v24;
	[tilespmem:s9+$0xFFFFFFB0] =	vst v29  }
0x81: {  	_ =	sdelay $0x2  }
0x82: {  	[tilespmem:s9+$0xFFFFFFD0] =	vst v17  }
0x83: {  	v16 =	vld.idx.msk [tilespmem:v16+s2+$0x0], $0xffff;
	[tilespmem:s9+$0xFFFFFFC0] =	vst v11  }
0x84: {  	v11 =	vld.idx.msk [tilespmem:v13+s2+$0x0], $0xffff;
	[tilespmem:s12+$0xFFFFFF90] =	vst v9  }
0x85: {  	v60 =	vld.idx.msk [tilespmem:v14+s2+$0x0], $0xffff;
	[tilespmem:s12+$0x0] =	vst v18  }
0x86: {  	v59 =	vadd.s32 v5, v24;
	v10 =	vld.idx.msk [tilespmem:v10+s2+$0x0], $0xffff;
	[tilespmem:s12+$0xFFFFFFE0] =	vst v21  }
0x87: {  	v9 =	vld.idx.msk [tilespmem:v19+s2+$0x0], $0xffff;
	[tilespmem:s12+$0xFFFFFFA0] =	vst v20  }
0x88: {  	v15 =	vld.idx.msk [tilespmem:v15+s2+$0x0], $0xffff;
	[tilespmem:s12+$0xFFFFFFF0] =	vst v16  }
0x89: {  	v61 =	vadd.s32 v4, v24;
	v62 =	vld.idx.msk [tilespmem:v25+s2+$0x0], $0xffff;
	[tilespmem:s12+$0xFFFFFFB0] =	vst v11  }
0x8a: {  	v63 =	vld.idx.msk [tilespmem:v22+s2+$0x0], $0xffff;
	[tilespmem:s12+$0xFFFFFFD0] =	vst v60  }
0x8b: {  	s17 =	sadd.s32 $0x80, s10;
	v17 =	vld.idx.msk [tilespmem:v59+s2+$0x0], $0xffff;
	[tilespmem:s12+$0xFFFFFFC0] =	vst v10  }
0x8c: {  	v11 =	vld.idx.msk [tilespmem:v12+s2+$0x0], $0xffff;
	[tilespmem:s17+$0x0] =	vst v9  }
0x8d: {  	v10 =	vld.idx.msk [tilespmem:v23+s2+$0x0], $0xffff;
	[tilespmem:s17+$0xFFFFFF90] =	vst v15  }
0x8e: {  	v9 =	vld.idx.msk [tilespmem:v61+s2+$0x0], $0xffff;
	[tilespmem:s17+$0xFFFFFFF0] =	vst v62  }
0x8f: {  	[tilespmem:s17+$0xFFFFFFC0] =	vst v63  }
0x90: {  	[tilespmem:s17+$0xFFFFFFE0] =	vst v17  }
0x91: {  	[tilespmem:s17+$0xFFFFFFA0] =	vst v11  }
0x92: {  	[tilespmem:s17+$0xFFFFFFB0] =	vst v10  }
0x93: {  	s18 =	simm.s32 $0x6800;
	s19 =	simm.s32 $0xEC00;
	[tilespmem:s17+$0xFFFFFFD0] =	vst v9  }
0x94: {  	[tilespmem:s19], [sflag:$0x2] =	stream.indirect.gather [hbm4b:s3+s8], $0x20, s18, s8, $0xb8;
	[tilespmem:$0x18C00] =	vst v63  }
0x95: {  	s29 =	simm.s32 $0x6880;
	s30 =	simm.s32 $0xFC00  }
0x96: {  	[tilespmem:s30], [sflag:$0x2] =	stream.indirect.gather [hbm4b:s3+s8], $0x20, s29, s8, $0xb8;
	[tilespmem:$0x18C00] =	vst v63  }
0x97: {  	s10 =	simm.s32 $0x6900;
	s11 =	simm.s32 $0x10C00  }
0x98: {  	[tilespmem:s11], [sflag:$0x2] =	stream.indirect.gather [hbm4b:s3+s8], $0x20, s10, s8, $0xb8;
	[tilespmem:$0x18C00] =	vst v63  }
0x99: {  	s13 =	simm.s32 $0x11C00;
	s12 =	simm.s32 $0x6980  }
0x9a: {  	[tilespmem:s13], [sflag:$0x2] =	stream.indirect.gather [hbm4b:s3+s8], $0x20, s12, s8, $0xb8;
	[tilespmem:$0x18C00] =	vst v63  }
0x9b: {  	s14 =	simm.s32 $0x6A00;
	s15 =	simm.s32 $0x12C00  }
0x9c: {  	[tilespmem:s15], [sflag:$0x2] =	stream.indirect.gather [hbm4b:s3+s8], $0x20, s14, s8, $0xb8;
	[tilespmem:$0x18C00] =	vst v63  }
0x9d: {  	s16 =	simm.s32 $0x6A80;
	s17 =	simm.s32 $0x13C00  }
0x9e: {  	[tilespmem:s17], [sflag:$0x2] =	stream.indirect.gather [hbm4b:s3+s8], $0x20, s16, s8, $0xb8;
	[tilespmem:$0x18C00] =	vst v63  }
0x9f: {  	s18 =	simm.s32 $0x6B00;
	s19 =	simm.s32 $0x14C00  }
0xa0: {  	[tilespmem:s19], [sflag:$0x2] =	stream.indirect.gather [hbm4b:s3+s8], $0x20, s18, s8, $0xb8;
	[tilespmem:$0x18C00] =	vst v63  }
0xa1: {  	s29 =	simm.s32 $0x6B80;
	s30 =	simm.s32 $0x15C00  }
0xa2: {  	[tilespmem:s30], [sflag:$0x2] =	stream.indirect.gather [hbm4b:s3+s8], $0x20, s29, s8, $0xb8;
	[tilespmem:$0x18C00] =	vst v63  }
.LBB2_8:
0xa3: {  	_ =	swait.ge [sflag:s31], $0x1000  }
0xa4: {  	[sflag:s31] =	ssyncset.done $0x0  }
0xa5: {  	[sflag:s31] =	ssyncadd.s32 $0xFFFFF000  }
0xa6: {  	_ =	swait.ge [sflag:s31], $0x1000  }
0xa7: {  	[sflag:s31] =	ssyncset.done $0x0  }
0xa8: {  	[sflag:s31] =	ssyncadd.s32 $0xFFFFF000  }
0xa9: {  	_ =	swait.ge [sflag:s31], $0x1000  }
0xaa: {  	[sflag:s31] =	ssyncset.done $0x0  }
0xab: {  	[sflag:s31] =	ssyncadd.s32 $0xFFFFF000  }
0xac: {  	_ =	swait.ge [sflag:s31], $0x1000  }
0xad: {  	[sflag:s31] =	ssyncset.done $0x0  }
0xae: {  	[sflag:s31] =	ssyncadd.s32 $0xFFFFF000  }
0xaf: {  	_ =	swait.ge [sflag:s31], $0x1000  }
0xb0: {  	[sflag:s31] =	ssyncset.done $0x0  }
0xb1: {  	[sflag:s31] =	ssyncadd.s32 $0xFFFFF000  }
0xb2: {  	_ =	swait.ge [sflag:s31], $0x1000  }
0xb3: {  	[sflag:s31] =	ssyncset.done $0x0  }
0xb4: {  	[sflag:s31] =	ssyncadd.s32 $0xFFFFF000  }
0xb5: {  	_ =	swait.ge [sflag:s31], $0x1000  }
0xb6: {  	[sflag:s31] =	ssyncset.done $0x0  }
0xb7: {  	[sflag:s31] =	ssyncadd.s32 $0xFFFFF000  }
0xb8: {  	_ =	swait.ge [sflag:s31], $0x1000  }
0xb9: {  	s9 =	sshll.u32 s7, $0x4;
	s29 =	simm.s32 $0x0;
	[sflag:s31] =	ssyncset.done $0x0  }
0xba: {  	s30 =	simm.s32 $0x6C40;
	s10 =	simm.s32 $0x0;
	[sflag:s31] =	ssyncadd.s32 $0xFFFFF000  }
.LBB2_9:
0xbb: {  	s11 =	sadd.s32 s9, s10  }
0xbc: {  	p1 =	slt.u32 s11, $0x2  }
0xbd: {  	s12 =	simm.s32 @!p1 $0x3  }
0xbe: {  	_ =	swait.ge @!p1 [sflag:s12], $0x1000  }
0xbf: {  	[sflag:s12] =	ssyncset.done @!p1 $0x0  }
0xc0: {  	[sflag:s12] =	ssyncadd.s32 @!p1 $0xFFFFF000  }
0xc1: {  	s16 =	simm.s32 $0x2;
	v18 =	vld [tilespmem:s30+$0x0]  }
0xc2: {  	v19 =	vor.u32 s16, v8;
	v9 =	vld [tilespmem:s30+$0xFFFFFFD0]  }
0xc3: {  	v21 =	vor.u32 s29, v8;
	s14 =	simm.s32 $0x3;
	v22 =	vld [tilespmem:s30+$0xFFFFFFC0]  }
0xc4: {  	s17 =	sshll.u32 s10, $0xC;
	v17 =	vor.u32 s14, v8;
	s16 =	simm.s32 $0x800;
	v15 =	vld [tilespmem:s30+$0x20]  }
0xc5: {  	s15 =	simm.s32 $0x803;
	v20 =	vor.u32 s16, v8;
	s12 =	sand.u32 $0x1000, s17;
	v11 =	vld [tilespmem:s30+$0x10]  }
0xc6: {  	s18 =	simm.s32 $0x802;
	v14 =	vor.u32 s15, v8;
	s12 =	sor.u32 $0x16C00, s12;
	v16 =	vld [tilespmem:s30+$0x30]  }
0xc7: {  	s13 =	simm.s32 $0x1;
	s19 =	simm.s32 $0x801;
	v12 =	vor.u32 s18, v8;
	v13 =	vld [tilespmem:s30+$0xFFFFFFE0];
	[tilespmem:v19+s12+$0x0] =	vst.idx.msk $0xffff, v18  }
0xc8: {  	v10 =	vor.u32 s13, v8;
	s13 =	simm.s32 $0x0;
	s14 =	simm.s32 $0x4;
	s15 =	sadd.s32 $0x80, s30;
	[tilespmem:v21+s12+$0x0] =	vst.idx.msk $0xffff, v22;
	v18 =	vld [tilespmem:s30+$0xFFFFFFF0];
	v19 =	vor.u32 s19, v8  }
.LBB2_10:
0xc9: {  	s16 =	sadd.s32 $0x801, s14;
	s17 =	sadd.s32 $0x2, s14;
	v21 =	vld [tilespmem:s15+$0x0];
	s18 =	sadd.s32 $0x803, s14;
	[tilespmem:v17+s12+$0x0] =	vst.idx.msk $0xffff, v15  }
0xca: {  	v22 =	vor.u32 s14, v8;
	s19 =	sadd.s32 $0x1, s14;
	s13 =	sadd.s32 $0x8, s13;
	v23 =	vor.u32 s17, v8;
	s17 =	sadd.s32 $0x3, s14;
	[tilespmem:v20+s12+$0x0] =	vst.idx.msk $0xffff, v9;
	v9 =	vld [tilespmem:s15+$0xFFFFFFD0]  }
0xcb: {  	v25 =	vor.u32 s19, v8;
	s19 =	sadd.s32 $0x802, s14;
	p1 =	slt.u32 s13, $0xF8;
	v24 =	vld [tilespmem:s15+$0xFFFFFFC0];
	v17 =	vor.u32 s17, v8;
	[tilespmem:v14+s12+$0x0] =	vst.idx.msk $0xffff, v16  }
.Ltmp7:
0xcc: {  	s17 =	sadd.s32 $0x800, s14;
	v14 =	vor.u32 s18, v8;
	v15 =	vld [tilespmem:s15+$0x20];
	[tilespmem:v12+s12+$0x0] =	vst.idx.msk $0xffff, v11;
	v12 =	vor.u32 s19, v8;
	(pc) =	sbr.rel @p1 .LBB2_10-.Ltmp7, $4  }
0xcd: {  	v20 =	vor.u32 s17, v8;
	v11 =	vld [tilespmem:s15+$0x10];
	[tilespmem:v19+s12+$0x0] =	vst.idx.msk $0xffff, v18  }
0xce: {  	v16 =	vld [tilespmem:s15+$0x30];
	[tilespmem:v10+s12+$0x0] =	vst.idx.msk $0xffff, v13;
	v10 =	vmov v25  }
0xcf: {  	v13 =	vld [tilespmem:s15+$0xFFFFFFE0];
	[tilespmem:v23+s12+$0x0] =	vst.idx.msk $0xffff, v21  }
0xd0: {  	s14 =	sadd.s32 $0x4, s14;
	v19 =	vor.u32 s16, v8;
	[tilespmem:v22+s12+$0x0] =	vst.idx.msk $0xffff, v24;
	v18 =	vld [tilespmem:s15+$0xFFFFFFF0];
	s15 =	sadd.s32 $0x80, s15  }
0xd1: {  	_ =	sdelay $0x3  }
0xd2: {  	[tilespmem:v17+s12+$0x0] =	vst.idx.msk $0xffff, v15;
	s10 =	sadd.s32 $0x1, s10  }
0xd3: {  	[tilespmem:v20+s12+$0x0] =	vst.idx.msk $0xffff, v9;
	p1 =	sne.s32 s10, $0x8  }
.Ltmp8:
0xd4: {  	[tilespmem:v12+s12+$0x0] =	vst.idx.msk $0xffff, v11;
	(pc) =	sbr.rel @p1 .LBB2_9-.Ltmp8, $4  }
0xd5: {  	[tilespmem:v14+s12+$0x0] =	vst.idx.msk $0xffff, v16  }
0xd6: {  	s11 =	sshll.u32 s11, $0xE;
	[tilespmem:v10+s12+$0x0] =	vst.idx.msk $0xffff, v13  }
0xd7: {  	s30 =	sadd.s32 $0x1000, s30;
	s11 =	sadd.s32 s11, s5;
	[tilespmem:v19+s12+$0x0] =	vst.idx.msk $0xffff, v18  }
0xd8: {  	[hbm4b:s11+s1] =	stream.strided.scatter [tilespmem:s12], [sflag:$0x3], $0x1000, s0, s1, $0x38;
	[tilespmem:$0x18C00] =	vst v63  }
.Ltmp9:
0xd9: {  	(pc) =	sbr.rel @p0 .LBB2_19-.Ltmp9, $1  }
0xda: {  	_ =	sdelay $0x3  }
0xdb: {  	v9 =	vmov s26  }
0xdc: {  	v9 =	vand.u32 $0x1F7, v9  }
0xdd: {  	v10 =	vadd.s32 v0, v9  }
0xde: {  	v11 =	vadd.s32 v7, v9  }
0xdf: {  	v12 =	vadd.s32 v5, v9  }
0xe0: {  	v13 =	vadd.s32 v1, v9  }
0xe1: {  	v14 =	vadd.s32 v6, v9  }
0xe2: {  	s10 =	sadd.s32 $0x1, s26;
	v15 =	vadd.s32 v2, v9;
	v10 =	vld.idx.msk [tilespmem:v10+s2+$0x0], $0xffff  }
0xe3: {  	v17 =	vmov s10;
	v16 =	vadd.s32 v3, v9;
	v18 =	vld.idx.msk [tilespmem:v11+s2+$0x0], $0xffff  }
0xe4: {  	v9 =	vadd.s32 v4, v9;
	v19 =	vand.u32 $0x1F7, v17;
	v12 =	vld.idx.msk [tilespmem:v12+s2+$0x0], $0xffff  }
0xe5: {  	v20 =	vadd.s32 v0, v19;
	v21 =	vld.idx.msk [tilespmem:v13+s2+$0x0], $0xffff  }
0xe6: {  	v27 =	vadd.s32 v1, v19;
	v23 =	vld.idx.msk [tilespmem:v14+s2+$0x0], $0xffff  }
0xe7: {  	v22 =	vadd.s32 v7, v19;
	v26 =	vld.idx.msk [tilespmem:v15+s2+$0x0], $0xffff  }
0xe8: {  	v25 =	vadd.s32 v5, v19;
	v11 =	vld.idx.msk [tilespmem:v16+s2+$0x0], $0xffff  }
0xe9: {  	s9 =	simm.s32 $0x6440;
	v17 =	vld.idx.msk [tilespmem:v9+s2+$0x0], $0xffff  }
0xea: {  	v9 =	vld.idx.msk [tilespmem:v20+s2+$0x0], $0xffff;
	[tilespmem:s9+$0x30] =	vst v18  }
0xeb: {  	s11 =	sadd.s32 $0x1, s10;
	v16 =	vadd.s32 v6, v19;
	v20 =	vld.idx.msk [tilespmem:v27+s2+$0x0], $0xffff;
	[tilespmem:s9+$0x10] =	vst v12  }
0xec: {  	v13 =	vadd.s32 v2, v19;
	[tilespmem:s9+$0xFFFFFFC0] =	vst v10;
	v12 =	vmov s11;
	v18 =	vld.idx.msk [tilespmem:v22+s2+$0x0], $0xffff  }
0xed: {  	v14 =	vadd.s32 v4, v19;
	v10 =	vadd.s32 v3, v19;
	[tilespmem:s9+$0xFFFFFFD0] =	vst v21;
	v21 =	vld.idx.msk [tilespmem:v25+s2+$0x0], $0xffff;
	v24 =	vand.u32 $0x1F7, v12  }
0xee: {  	[tilespmem:s9+$0x20] =	vst v23;
	v15 =	vadd.s32 v0, v24;
	v12 =	vadd.s32 v1, v24;
	v19 =	vadd.s32 v7, v24  }
0xef: {  	s13 =	simm.s32 $0x10;
	s12 =	simm.s32 $0x64C0;
	s10 =	simm.s32 $0x64C0;
	[tilespmem:s9+$0xFFFFFFE0] =	vst v26;
	v23 =	vadd.s32 v2, v24;
	v22 =	vadd.s32 v3, v24;
	v25 =	vadd.s32 v6, v24  }
.LBB2_14:
0xf0: {  	s13 =	sadd.s32 $0x8, s13;
	v26 =	vadd.s32 v4, v24;
	v27 =	vadd.s32 v5, v24;
	v28 =	vld.idx.msk [tilespmem:v16+s2+$0x0], $0xffff;
	s10 =	sadd.s32 $0x80, s10;
	[tilespmem:s9+$0x0] =	vst v17;
	v16 =	vmov v25  }
0xf1: {  	p0 =	slt.u32 s13, $0x38;
	v29 =	vld.idx.msk [tilespmem:v13+s2+$0x0], $0xffff;
	[tilespmem:s9+$0xFFFFFFF0] =	vst v11;
	v13 =	vmov v23;
	s9 =	smov.u32 s12;
	s12 =	smov.u32 s10  }
0xf2: {  	v11 =	vld.idx.msk [tilespmem:v10+s2+$0x0], $0xffff;
	[tilespmem:s9+$0x30] =	vst v18;
	v10 =	vmov v22  }
0xf3: {  	v17 =	vld.idx.msk [tilespmem:v14+s2+$0x0], $0xffff;
	[tilespmem:s9+$0x10] =	vst v21;
	v14 =	vmov v26  }
.Ltmp10:
0xf4: {  	s11 =	sadd.s32 $0x1, s11;
	[tilespmem:s9+$0xFFFFFFC0] =	vst v9;
	v9 =	vld.idx.msk [tilespmem:v15+s2+$0x0], $0xffff;
	(pc) =	sbr.rel @p0 .LBB2_14-.Ltmp10, $4  }
0xf5: {  	v15 =	vmov s11;
	v18 =	vld.idx.msk [tilespmem:v19+s2+$0x0], $0xffff;
	[tilespmem:s9+$0xFFFFFFD0] =	vst v20  }
0xf6: {  	v24 =	vand.u32 $0x1F7, v15;
	v21 =	vld.idx.msk [tilespmem:v27+s2+$0x0], $0xffff;
	[tilespmem:s9+$0x20] =	vst v28  }
0xf7: {  	v15 =	vadd.s32 v0, v24;
	v19 =	vadd.s32 v7, v24;
	v20 =	vld.idx.msk [tilespmem:v12+s2+$0x0], $0xffff;
	v12 =	vadd.s32 v1, v24  }
0xf8: {  	v23 =	vadd.s32 v2, v24;
	v22 =	vadd.s32 v3, v24;
	v25 =	vadd.s32 v6, v24;
	[tilespmem:s9+$0xFFFFFFE0] =	vst v29  }
0xf9: {  	_ =	sdelay $0x2  }
0xfa: {  	[tilespmem:s9+$0x0] =	vst v17  }
0xfb: {  	v16 =	vld.idx.msk [tilespmem:v16+s2+$0x0], $0xffff;
	[tilespmem:s9+$0xFFFFFFF0] =	vst v11  }
0xfc: {  	v11 =	vld.idx.msk [tilespmem:v13+s2+$0x0], $0xffff;
	[tilespmem:s12+$0xFFFFFFC0] =	vst v9  }
0xfd: {  	v60 =	vld.idx.msk [tilespmem:v14+s2+$0x0], $0xffff;
	[tilespmem:s12+$0x30] =	vst v18  }
0xfe: {  	v59 =	vadd.s32 v5, v24;
	v10 =	vld.idx.msk [tilespmem:v10+s2+$0x0], $0xffff;
	[tilespmem:s12+$0x10] =	vst v21  }
0xff: {  	v9 =	vld.idx.msk [tilespmem:v19+s2+$0x0], $0xffff;
	[tilespmem:s12+$0xFFFFFFD0] =	vst v20  }
0x100: {  	v15 =	vld.idx.msk [tilespmem:v15+s2+$0x0], $0xffff;
	[tilespmem:s12+$0x20] =	vst v16  }
0x101: {  	v61 =	vadd.s32 v4, v24;
	v62 =	vld.idx.msk [tilespmem:v25+s2+$0x0], $0xffff;
	[tilespmem:s12+$0xFFFFFFE0] =	vst v11  }
0x102: {  	v63 =	vld.idx.msk [tilespmem:v22+s2+$0x0], $0xffff;
	[tilespmem:s12+$0x0] =	vst v60  }
0x103: {  	s17 =	sadd.s32 $0x80, s10;
	v17 =	vld.idx.msk [tilespmem:v59+s2+$0x0], $0xffff;
	[tilespmem:s12+$0xFFFFFFF0] =	vst v10  }
0x104: {  	v11 =	vld.idx.msk [tilespmem:v12+s2+$0x0], $0xffff;
	[tilespmem:s17+$0x30] =	vst v9  }
0x105: {  	v10 =	vld.idx.msk [tilespmem:v23+s2+$0x0], $0xffff;
	[tilespmem:s17+$0xFFFFFFC0] =	vst v15  }
0x106: {  	v9 =	vld.idx.msk [tilespmem:v61+s2+$0x0], $0xffff;
	[tilespmem:s17+$0x20] =	vst v62  }
0x107: {  	[tilespmem:s17+$0xFFFFFFF0] =	vst v63  }
0x108: {  	[tilespmem:s17+$0x10] =	vst v17  }
0x109: {  	[tilespmem:s17+$0xFFFFFFD0] =	vst v11  }
0x10a: {  	[tilespmem:s17+$0xFFFFFFE0] =	vst v10  }
0x10b: {  	s18 =	simm.s32 $0x6400;
	s19 =	simm.s32 $0x6C00;
	[tilespmem:s17+$0x0] =	vst v9  }
0x10c: {  	[tilespmem:s19], [sflag:$0x1] =	stream.indirect.gather [hbm4b:s3+s8], $0x20, s18, s8, $0xb8;
	[tilespmem:$0x18C00] =	vst v63  }
0x10d: {  	s10 =	simm.s32 $0x6480;
	s11 =	simm.s32 $0x7C00  }
0x10e: {  	[tilespmem:s11], [sflag:$0x1] =	stream.indirect.gather [hbm4b:s3+s8], $0x20, s10, s8, $0xb8;
	[tilespmem:$0x18C00] =	vst v63  }
0x10f: {  	s13 =	simm.s32 $0x8C00;
	s12 =	simm.s32 $0x6500  }
0x110: {  	[tilespmem:s13], [sflag:$0x1] =	stream.indirect.gather [hbm4b:s3+s8], $0x20, s12, s8, $0xb8;
	[tilespmem:$0x18C00] =	vst v63  }
0x111: {  	s14 =	simm.s32 $0x6580;
	s15 =	simm.s32 $0x9C00  }
0x112: {  	[tilespmem:s15], [sflag:$0x1] =	stream.indirect.gather [hbm4b:s3+s8], $0x20, s14, s8, $0xb8;
	[tilespmem:$0x18C00] =	vst v63  }
0x113: {  	s16 =	simm.s32 $0x6600;
	s17 =	simm.s32 $0xAC00  }
0x114: {  	[tilespmem:s17], [sflag:$0x1] =	stream.indirect.gather [hbm4b:s3+s8], $0x20, s16, s8, $0xb8;
	[tilespmem:$0x18C00] =	vst v63  }
0x115: {  	s18 =	simm.s32 $0x6680  }
0x116: {  	[tilespmem:s20], [sflag:$0x1] =	stream.indirect.gather [hbm4b:s3+s8], $0x20, s18, s8, $0xb8;
	[tilespmem:$0x18C00] =	vst v63  }
0x117: {  	_ = 	snop  }
0x118: {  	[tilespmem:s22], [sflag:$0x1] =	stream.indirect.gather [hbm4b:s3+s8], $0x20, s21, s8, $0xb8;
	[tilespmem:$0x18C00] =	vst v63  }
0x119: {  	_ = 	snop  }
0x11a: {  	[tilespmem:s24], [sflag:$0x1] =	stream.indirect.gather [hbm4b:s3+s8], $0x20, s23, s8, $0xb8;
	[tilespmem:$0x18C00] =	vst v63  }
0x11b: {  	_ =	swait.ge [sflag:s4], $0x1000  }
0x11c: {  	[sflag:s4] =	ssyncset.done $0x0  }
0x11d: {  	[sflag:s4] =	ssyncadd.s32 $0xFFFFF000  }
0x11e: {  	_ =	swait.ge [sflag:s4], $0x1000  }
0x11f: {  	[sflag:s4] =	ssyncset.done $0x0  }
0x120: {  	[sflag:s4] =	ssyncadd.s32 $0xFFFFF000  }
0x121: {  	_ =	swait.ge [sflag:s4], $0x1000  }
0x122: {  	[sflag:s4] =	ssyncset.done $0x0  }
0x123: {  	[sflag:s4] =	ssyncadd.s32 $0xFFFFF000  }
0x124: {  	_ =	swait.ge [sflag:s4], $0x1000  }
0x125: {  	[sflag:s4] =	ssyncset.done $0x0  }
0x126: {  	[sflag:s4] =	ssyncadd.s32 $0xFFFFF000  }
0x127: {  	_ =	swait.ge [sflag:s4], $0x1000  }
0x128: {  	[sflag:s4] =	ssyncset.done $0x0  }
0x129: {  	[sflag:s4] =	ssyncadd.s32 $0xFFFFF000  }
0x12a: {  	_ =	swait.ge [sflag:s4], $0x1000  }
0x12b: {  	[sflag:s4] =	ssyncset.done $0x0  }
0x12c: {  	[sflag:s4] =	ssyncadd.s32 $0xFFFFF000  }
0x12d: {  	_ =	swait.ge [sflag:s4], $0x1000  }
0x12e: {  	[sflag:s4] =	ssyncset.done $0x0  }
0x12f: {  	[sflag:s4] =	ssyncadd.s32 $0xFFFFF000  }
0x130: {  	_ =	swait.ge [sflag:s4], $0x1000  }
0x131: {  	s29 =	simm.s32 $0x0;
	s19 =	sshll.u32 s28, $0x11;
	[sflag:s4] =	ssyncset.done $0x0  }
0x132: {  	s30 =	simm.s32 $0xEC70;
	s28 =	sadd.s32 s19, s5;
	[sflag:s4] =	ssyncadd.s32 $0xFFFFF000  }
.LBB2_16:
0x133: {  	_ =	swait.ge [sflag:s6], $0x1000  }
0x134: {  	[sflag:s6] =	ssyncset.done $0x0  }
0x135: {  	[sflag:s6] =	ssyncadd.s32 $0xFFFFF000  }
0x136: {  	v14 =	vld [tilespmem:s30+$0xFFFFFFC0]  }
0x137: {  	v15 =	vld [tilespmem:s30+$0xFFFFFF90]  }
0x138: {  	v10 =	vld [tilespmem:s30+$0x0]  }
0x139: {  	s9 =	simm.s32 $0x803;
	v12 =	vld [tilespmem:s30+$0xFFFFFFF0]  }
0x13a: {  	s10 =	simm.s32 $0x3;
	v11 =	vor.u32 s9, v8;
	v16 =	vld [tilespmem:s30+$0xFFFFFFE0]  }
0x13b: {  	s18 =	simm.s32 $0x802;
	s19 =	sshll.u32 s29, $0xC;
	v13 =	vor.u32 s10, v8;
	v9 =	vld [tilespmem:s30+$0xFFFFFFB0]  }
0x13c: {  	s11 =	simm.s32 $0x801;
	v17 =	vor.u32 s18, v8;
	s12 =	sand.u32 $0x1000, s19;
	v20 =	vld [tilespmem:s30+$0xFFFFFFA0]  }
0x13d: {  	v18 =	vor.u32 s11, v8;
	s11 =	sadd.s32 $0x80, s30;
	s9 =	sor.u32 $0x16C00, s12;
	s12 =	simm.s32 $0x800;
	v25 =	vld [tilespmem:s30+$0xFFFFFFD0]  }
0x13e: {  	s13 =	simm.s32 $0x0;
	v24 =	vor.u32 s12, v8;
	v19 =	vld [tilespmem:s11+$0x0]  }
0x13f: {  	s14 =	simm.s32 $0x2;
	v21 =	vor.u32 s13, v8;
	v22 =	vld [tilespmem:s11+$0xFFFFFFF0];
	[tilespmem:v11+s9+$0x0] =	vst.idx.msk $0xffff, v10  }
0x140: {  	v26 =	vor.u32 s14, v8;
	v23 =	vld [tilespmem:s11+$0xFFFFFFB0];
	[tilespmem:v13+s9+$0x0] =	vst.idx.msk $0xffff, v12  }
0x141: {  	s13 =	simm.s32 $0x807;
	v10 =	vld [tilespmem:s11+$0xFFFFFFC0];
	[tilespmem:v17+s9+$0x0] =	vst.idx.msk $0xffff, v16  }
0x142: {  	s15 =	simm.s32 $0x1;
	s16 =	simm.s32 $0x805;
	s19 =	simm.s32 $0x7;
	v13 =	vld [tilespmem:s11+$0xFFFFFF90];
	[tilespmem:v18+s9+$0x0] =	vst.idx.msk $0xffff, v14;
	v18 =	vor.u32 s13, v8  }
0x143: {  	s17 =	simm.s32 $0x5;
	s14 =	simm.s32 $0x804;
	s10 =	sshll.u32 s29, $0xE;
	v11 =	vor.u32 s15, v8;
	v12 =	vor.u32 s16, v8;
	[tilespmem:v24+s9+$0x0] =	vst.idx.msk $0xffff, v20;
	v24 =	vor.u32 s19, v8  }
0x144: {  	s18 =	simm.s32 $0x806;
	s12 =	simm.s32 $0x8;
	s15 =	simm.s32 $0x4;
	v14 =	vor.u32 s14, v8;
	v17 =	vld [tilespmem:s11+$0xFFFFFFE0];
	[tilespmem:v21+s9+$0x0] =	vst.idx.msk $0xffff, v15;
	v15 =	vor.u32 s17, v8  }
0x145: {  	v20 =	vor.u32 s18, v8;
	v21 =	vld [tilespmem:s11+$0xFFFFFFA0];
	s13 =	sadd.s32 $0x80, s11;
	s14 =	simm.s32 $0x80B;
	[tilespmem:v26+s9+$0x0] =	vst.idx.msk $0xffff, v25;
	v16 =	vor.u32 s15, v8;
	s15 =	simm.s32 $0x6  }
.LBB2_17:
0x146: {  	s16 =	sadd.s32 $0xFFFFF7FE, s14  }
0x147: {  	s17 =	sadd.s32 $0xFFFFFFFE, s14;
	s18 =	sadd.s32 $0xFFFFFFFF, s14;
	v25 =	vld [tilespmem:s11+$0xFFFFFFD0];
	v26 =	vor.u32 s15, v8;
	[tilespmem:v18+s9+$0x0] =	vst.idx.msk $0xffff, v19;
	s15 =	sadd.s32 $0xFFFFF7FD, s14  }
0x148: {  	s11 =	sadd.s32 $0xFFFFFFFD, s14;
	v18 =	vor.u32 s14, v8;
	s12 =	sadd.s32 $0x8, s12;
	v27 =	vld [tilespmem:s13+$0xFFFFFFC0];
	v28 =	vor.u32 s17, v8;
	s17 =	sadd.s32 $0xFFFFF800, s14;
	[tilespmem:v24+s9+$0x0] =	vst.idx.msk $0xffff, v22  }
0x149: {  	v30 =	vor.u32 s11, v8;
	s11 =	smov.u32 s13;
	p0 =	slt.u32 s12, $0xF8;
	v29 =	vld [tilespmem:s13+$0xFFFFFF90];
	[tilespmem:v11+s9+$0x0] =	vst.idx.msk $0xffff, v9;
	v11 =	vmov v15;
	v15 =	vor.u32 s16, v8  }
.Ltmp11:
0x14a: {  	v31 =	vor.u32 s15, v8;
	v19 =	vld [tilespmem:s13+$0x0];
	[tilespmem:v20+s9+$0x0] =	vst.idx.msk $0xffff, v17;
	v9 =	vmov v23;
	(pc) =	sbr.rel @p0 .LBB2_17-.Ltmp11, $4  }
0x14b: {  	v24 =	vor.u32 s17, v8;
	v20 =	vor.u32 s18, v8;
	v22 =	vld [tilespmem:s13+$0xFFFFFFF0];
	[tilespmem:v12+s9+$0x0] =	vst.idx.msk $0xffff, v10;
	v12 =	vmov v28  }
0x14c: {  	v17 =	vld [tilespmem:s13+$0xFFFFFFE0];
	[tilespmem:v16+s9+$0x0] =	vst.idx.msk $0xffff, v13;
	v16 =	vmov v31  }
0x14d: {  	v23 =	vld [tilespmem:s13+$0xFFFFFFB0];
	[tilespmem:v14+s9+$0x0] =	vst.idx.msk $0xffff, v21;
	v10 =	vmov v27;
	v14 =	vmov v30  }
0x14e: {  	s15 =	sadd.s32 $0xFFFFF7FF, s14;
	s14 =	sadd.s32 $0x4, s14;
	s13 =	sadd.s32 $0x80, s13;
	v21 =	vld [tilespmem:s11+$0xFFFFFFA0];
	[tilespmem:v26+s9+$0x0] =	vst.idx.msk $0xffff, v25;
	v13 =	vmov v29  }
0x14f: {  	_ =	sdelay $0x3  }
0x150: {  	[tilespmem:v18+s9+$0x0] =	vst.idx.msk $0xffff, v19  }
0x151: {  	[tilespmem:v11+s9+$0x0] =	vst.idx.msk $0xffff, v9  }
0x152: {  	[tilespmem:v12+s9+$0x0] =	vst.idx.msk $0xffff, v10  }
0x153: {  	v62 =	vld [tilespmem:s11+$0xFFFFFFD0];
	v63 =	vor.u32 s15, v8;
	[tilespmem:v16+s9+$0x0] =	vst.idx.msk $0xffff, v13;
	s29 =	sadd.s32 $0x1, s29  }
0x154: {  	[tilespmem:v24+s9+$0x0] =	vst.idx.msk $0xffff, v22;
	p0 =	sne.s32 s29, $0x8  }
.Ltmp12:
0x155: {  	[tilespmem:v20+s9+$0x0] =	vst.idx.msk $0xffff, v17;
	(pc) =	sbr.rel @p0 .LBB2_16-.Ltmp12, $4  }
.Ltmp13:
0x156: {  	[tilespmem:v15+s9+$0x0] =	vst.idx.msk $0xffff, v23;
	(pc) =	sbr.rel @!p0 .LBB2_19-.Ltmp13, $4  }
0x157: {  	[tilespmem:v14+s9+$0x0] =	vst.idx.msk $0xffff, v21  }
0x158: {  	s10 =	sadd.s32 s10, s28;
	s30 =	sadd.s32 $0x1000, s30;
	[tilespmem:v63+s9+$0x0] =	vst.idx.msk $0xffff, v62  }
0x159: {  	[hbm4b:s10+s1] =	stream.strided.scatter [tilespmem:s9], [sflag:$0x3], $0x1000, s0, s1, $0x38;
	[tilespmem:$0x18C00] =	vst v63  }
0x15a: {  	_ = 	snop  }
.LBB2_21:
0x15b: {  	_ =	sfence.sel $0x180000  }
0x15c: {  	[bflag:$0x0] =	sbarrier.arrive $0xFFFF  }
0x15d: {  	_ =	strace $0x9000004A  }
0x15e: {  	s0 =	stileid.u32;
	[bflag:$0x2] =	sbarrier.arrive $0xFFFF  }
0x15f: {  	p0 =	sne.s32 s0, $0x0;
	s0 =	rddreg [dreg:$0x2]  }
0x160: {  	s0 =	sadd.s32 @!p0 $0x100000, s0  }
0x161: {  	[sflag:s0] =	ssyncadd.tile.s32 @!p0 $0x1;
	_ =	shalt  }
.Lfunc_end2:
_tile_overlayer_lowered:
.L_overlay_start_2:
0x162: {  	(tag) =	ssettag $0x2  }
0x163: {  	s0 =	rddreg [dreg:$0x0];
	s2 =	stileid.u32  }
0x164: {  	s1 =	rddreg [dreg:$0x1];
	p0 =	sne.s32 s2, $0x0  }
0x165: {  	s3 =	rddreg [dreg:$0x2];
	[bflag:$0x3] =	sbarrier.arrive $0xFFFF;
	s2 =	simm.s32 @!p0 $0x1C04  }
0x166: {  	[timem:s3], [sflag:s2] =	dma.local @!p0 [hbm:s0], s1  }
0x167: {  	s0 =	simm.s32 @!p0 $0x4  }
0x168: {  	_ =	swait.ge @!p0 [sflag:s0], s1  }
0x169: {  	s1 =	ssub.s32 @!p0 $0x0, s1;
	[sflag:s0] =	ssyncset.done @!p0 $0x0  }
0x16a: {  	[sflag:s0] =	ssyncadd.s32 @!p0 s1  }
0x16b: {  	[bflag:$0x3] =	sbarrier.arrive $0xFFFF  }
0x16c: {  	_ =	shalt  }

</sc_bundles>
